<compile_context>
chip_gen: v7x
topology: tpu7x:2x2x1
jax: 0.10.2.dev20260603
libtpu: 0.0.44.dev20260713+nightly
codegen_flags: <defaults>
</compile_context>

<pallas_src>
import jax
import jax.numpy as jnp
from jax import lax
from jax.experimental import pallas as pl
from jax.experimental.pallas import tpu as pltpu
from jax.experimental.pallas import tpu_sc as plsc

N = 10000
E = 320000
F_IN = 128
H = 256
HH = 128
G = 64
EPS = 1e-5
NP = 10240
NSUB = 16
W_E = 128

EPS_DEG = E // (2 * NSUB)
DEG_FULL = EPS_DEG // W_E
DEG_TAIL = EPS_DEG - DEG_FULL * W_E
W_A = 125
EROWS = E // W_A
SROWS = EROWS // NSUB
C_A = 40
NCHUNK = SROWS // C_A
ROWS_A = 640
ROWS_B = N - 15 * ROWS_A

NB = 2000
NGRID = N // NB

_mesh = plsc.VectorSubcoreMesh(core_axis_name="c", subcore_axis_name="s",
                               num_cores=2, num_subcores=NSUB)



def _deg_body(col_hbm, deg0_hbm, deg1_hbm, zbuf, ones_v, cidx, ones_t, cidx_t,
              deg_sp):
    c = lax.axis_index("c")
    s = lax.axis_index("s")

    def fz(i, _):
        zbuf[pl.ds(i * 16, 16)] = jnp.zeros((16,), jnp.float32)
        return 0
    lax.fori_loop(0, 40, fz, 0)

    def fo(i, _):
        ones_v[pl.ds(i * 16, 16)] = jnp.ones((16,), jnp.float32)
        return 0
    lax.fori_loop(0, W_E // 16, fo, 0)
    ones_t[...] = jnp.ones((DEG_TAIL,), jnp.float32)

    pltpu.sync_copy(zbuf, deg_sp.at[pl.ds(pl.multiple_of(s * 640, 8), 640)])
    plsc.subcore_barrier()

    base = (c * NSUB + s) * EPS_DEG

    def win(w, _):
        off = pl.multiple_of(base + w * W_E, 8)
        pltpu.sync_copy(col_hbm.at[pl.ds(off, W_E)], cidx)
        pltpu.sync_copy(ones_v, deg_sp.at[cidx], add=True)
        return 0
    lax.fori_loop(0, DEG_FULL, win, 0)
    off = pl.multiple_of(base + DEG_FULL * W_E, 8)
    pltpu.sync_copy(col_hbm.at[pl.ds(off, DEG_TAIL)], cidx_t)
    pltpu.sync_copy(ones_t, deg_sp.at[cidx_t], add=True)

    plsc.subcore_barrier()

    @pl.when((s == 0) & (c == 0))
    def _():
        pltpu.sync_copy(deg_sp, deg0_hbm)

    @pl.when((s == 0) & (c == 1))
    def _():
        pltpu.sync_copy(deg_sp, deg1_hbm)


_deg_call = pl.kernel(
    _deg_body,
    out_type=(
        jax.ShapeDtypeStruct((NP,), jnp.float32),
        jax.ShapeDtypeStruct((NP,), jnp.float32),
    ),
    mesh=_mesh,
    scratch_types=[
        pltpu.VMEM((640,), jnp.float32),
        pltpu.VMEM((W_E,), jnp.float32),
        pltpu.VMEM((W_E,), jnp.int32),
        pltpu.VMEM((DEG_TAIL,), jnp.float32),
        pltpu.VMEM((DEG_TAIL,), jnp.int32),
        pltpu.VMEM_SHARED((NP,), jnp.float32),
    ],
)


def _copy_rows(src, dst, s):
    r0 = pl.multiple_of(s * ROWS_A, 8)

    @pl.when(s < 15)
    def _():
        pltpu.sync_copy(src.at[pl.ds(r0, ROWS_A)], dst.at[pl.ds(r0, ROWS_A)])

    @pl.when(s == 15)
    def _():
        pltpu.sync_copy(src.at[pl.ds(15 * ROWS_A, ROWS_B)],
                        dst.at[pl.ds(15 * ROWS_A, ROWS_B)])


def _agg_body(u0, u1, row_hbm, col_hbm, agg0, agg1,
              ridx, cidx, rows, agg_sp, gsem, ssem):
    c = lax.axis_index("c")
    s = lax.axis_index("s")

    @pl.when(c == 0)
    def _():
        _copy_rows(u0, agg_sp, s)

    @pl.when(c == 1)
    def _():
        _copy_rows(u1, agg_sp, s)

    plsc.subcore_barrier()

    def edge_loop(u_ref):
        def gather(j, b):
            pltpu.async_copy(u_ref.at[ridx.at[j]], rows.at[b], gsem)

        def chunk(k, _):
            cb = pl.multiple_of(s * SROWS + k * C_A, 8)
            pltpu.sync_copy(row_hbm.at[pl.ds(cb, C_A)], ridx)
            pltpu.sync_copy(col_hbm.at[pl.ds(cb, C_A)], cidx)
            gather(0, 0)

            def win(j, _):
                b = lax.rem(j, 2)
                pltpu.make_async_copy(u_ref.at[ridx.at[j]], rows.at[b],
                                      gsem).wait()
                pltpu.async_copy(rows.at[b], agg_sp.at[cidx.at[j]], ssem,
                                 add=True)

                @pl.when(j + 1 < C_A)
                def _():
                    @pl.when(j >= 1)
                    def _():
                        pltpu.make_async_copy(
                            rows.at[1 - b], agg_sp.at[cidx.at[j - 1]],
                            ssem).wait()
                    gather(j + 1, 1 - b)
                return 0
            lax.fori_loop(0, C_A, win, 0)
            pltpu.make_async_copy(rows.at[(C_A - 2) % 2],
                                  agg_sp.at[cidx.at[C_A - 2]], ssem).wait()
            pltpu.make_async_copy(rows.at[(C_A - 1) % 2],
                                  agg_sp.at[cidx.at[C_A - 1]], ssem).wait()
            return 0
        lax.fori_loop(0, NCHUNK, chunk, 0)

    @pl.when(c == 0)
    def _():
        edge_loop(u0)

    @pl.when(c == 1)
    def _():
        edge_loop(u1)

    plsc.subcore_barrier()

    @pl.when(c == 0)
    def _():
        _copy_rows(agg_sp, agg0, s)

    @pl.when(c == 1)
    def _():
        _copy_rows(agg_sp, agg1, s)


_agg_call = pl.kernel(
    _agg_body,
    out_type=(
        jax.ShapeDtypeStruct((N, HH), jnp.float32),
        jax.ShapeDtypeStruct((N, HH), jnp.float32),
    ),
    mesh=_mesh,
    scratch_types=[
        pltpu.VMEM((C_A, W_A), jnp.int32),
        pltpu.VMEM((C_A, W_A), jnp.int32),
        pltpu.VMEM((2, W_A, HH), jnp.float32),
        pltpu.VMEM_SHARED((N, HH), jnp.float32),
        pltpu.SemaphoreType.DMA,
        pltpu.SemaphoreType.DMA,
    ],
)



def _prep_body(deg0_ref, deg1_ref, dinv_ref):
    d = deg0_ref[...] + deg1_ref[...] + 1.0
    r = lax.rsqrt(d)
    r = r * (1.5 - 0.5 * d * r * r)
    dinv_ref[...] = r[:, None]


_prep_call = pl.pallas_call(
    _prep_body,
    out_shape=jax.ShapeDtypeStruct((NP, 1), jnp.float32),
    in_specs=[
        pl.BlockSpec((NP,), lambda: (0,)),
        pl.BlockSpec((NP,), lambda: (0,)),
    ],
    out_specs=pl.BlockSpec((NP, 1), lambda: (0, 0)),
)


def _mm1_body(x_ref, w_ref, dinv_ref, u0_ref, u1_ref):
    h = jnp.dot(x_ref[...], w_ref[...], preferred_element_type=jnp.float32,
                precision=lax.Precision.DEFAULT)
    u = h * dinv_ref[...]
    u0_ref[...] = u[:, :HH]
    u1_ref[...] = u[:, HH:]


_mm1_call = pl.pallas_call(
    _mm1_body,
    grid=(NGRID,),
    out_shape=(
        jax.ShapeDtypeStruct((N, HH), jnp.float32),
        jax.ShapeDtypeStruct((N, HH), jnp.float32),
    ),
    in_specs=[
        pl.BlockSpec((NB, F_IN), lambda i: (i, 0)),
        pl.BlockSpec((F_IN, H), lambda i: (0, 0)),
        pl.BlockSpec((NB, 1), lambda i: (i, 0)),
    ],
    out_specs=(
        pl.BlockSpec((NB, HH), lambda i: (i, 0)),
        pl.BlockSpec((NB, HH), lambda i: (i, 0)),
    ),
)


def _mid_body(a0_ref, a1_ref, dinv_ref, vs_ref, vo_ref, w_ref,
              n0_ref, n1_ref):
    a = jnp.concatenate([a0_ref[...], a1_ref[...]], axis=1)
    h = jnp.maximum(a * dinv_ref[...] * vs_ref[...] + vo_ref[...], 0.0)
    nu = jnp.dot(h, w_ref[...], preferred_element_type=jnp.float32,
                precision=lax.Precision.DEFAULT) * dinv_ref[...]
    n0_ref[...] = nu[:, :HH]
    n1_ref[...] = nu[:, HH:]


_mid_call = pl.pallas_call(
    _mid_body,
    grid=(NGRID,),
    out_shape=(
        jax.ShapeDtypeStruct((N, HH), jnp.float32),
        jax.ShapeDtypeStruct((N, HH), jnp.float32),
    ),
    in_specs=[
        pl.BlockSpec((NB, HH), lambda i: (i, 0)),
        pl.BlockSpec((NB, HH), lambda i: (i, 0)),
        pl.BlockSpec((NB, 1), lambda i: (i, 0)),
        pl.BlockSpec((1, H), lambda i: (0, 0)),
        pl.BlockSpec((1, H), lambda i: (0, 0)),
        pl.BlockSpec((H, H), lambda i: (0, 0)),
    ],
    out_specs=(
        pl.BlockSpec((NB, HH), lambda i: (i, 0)),
        pl.BlockSpec((NB, HH), lambda i: (i, 0)),
    ),
)


def _pool_body(a0_ref, a1_ref, dinv_ref, vs_ref, vo_ref,
               batch_ref, mw1_ref, mb1_ref, mw2_ref, mb2_ref,
               out_ref, s_acc, c_acc):
    i = pl.program_id(0)

    @pl.when(i == 0)
    def _():
        s_acc[...] = jnp.zeros_like(s_acc)
        c_acc[...] = jnp.zeros_like(c_acc)

    a = jnp.concatenate([a0_ref[...], a1_ref[...]], axis=1)
    h = jnp.maximum(a * dinv_ref[...] * vs_ref[...] + vo_ref[...], 0.0)
    b = batch_ref[...][:, 0]
    p = (b[None, :] == lax.broadcasted_iota(jnp.int32, (G, NB), 0)
         ).astype(jnp.float32)
    s_acc[...] += jnp.dot(p, h, preferred_element_type=jnp.float32,
                precision=lax.Precision.HIGHEST)
    c_acc[...] += jnp.sum(p, axis=1, keepdims=True)

    @pl.when(i == NGRID - 1)
    def _():
        pooled = s_acc[...] / jnp.maximum(c_acc[...], 1.0)
        z = jnp.maximum(
            jnp.dot(pooled, mw1_ref[...], preferred_element_type=jnp.float32,
                precision=lax.Precision.DEFAULT)
            + mb1_ref[...], 0.0)
        out_ref[...] = (
            jnp.dot(z, mw2_ref[...], preferred_element_type=jnp.float32,
                precision=lax.Precision.DEFAULT)
            + mb2_ref[...])


_pool_call = pl.pallas_call(
    _pool_body,
    grid=(NGRID,),
    out_shape=jax.ShapeDtypeStruct((G, 1), jnp.float32),
    in_specs=[
        pl.BlockSpec((NB, HH), lambda i: (i, 0)),
        pl.BlockSpec((NB, HH), lambda i: (i, 0)),
        pl.BlockSpec((NB, 1), lambda i: (i, 0)),
        pl.BlockSpec((1, H), lambda i: (0, 0)),
        pl.BlockSpec((1, H), lambda i: (0, 0)),
        pl.BlockSpec((NB, 1), lambda i: (i, 0)),
        pl.BlockSpec((H, H), lambda i: (0, 0)),
        pl.BlockSpec((1, H), lambda i: (0, 0)),
        pl.BlockSpec((H, 1), lambda i: (0, 0)),
        pl.BlockSpec((1, 1), lambda i: (0, 0)),
    ],
    out_specs=pl.BlockSpec((G, 1), lambda i: (0, 0)),
    scratch_shapes=[
        pltpu.VMEM((G, H), jnp.float32),
        pltpu.VMEM((G, 1), jnp.float32),
    ],
)



def kernel(x, edge_index, batch, W1, b1, g1, be1, rm1, rv1,
           W2, b2, g2, be2, rm2, rv2, W3, b3, g3, be3, rm3, rv3,
           mW1, mb1, mW2, mb2):
    row = edge_index[0].astype(jnp.int32)
    col = edge_index[1].astype(jnp.int32)
    row2 = row.reshape(EROWS, W_A)
    col2 = col.reshape(EROWS, W_A)
    batch2 = batch.astype(jnp.int32).reshape(N, 1)

    def fold(gv, bev, rmv, rvv, bv):
        sc = (gv * lax.rsqrt(rvv + EPS)).reshape(1, H)
        off = (bv * sc.reshape(H) + bev - rmv * sc.reshape(H)).reshape(1, H)
        return sc, off

    sc1, vo1 = fold(g1, be1, rm1, rv1, b1)
    sc2, vo2 = fold(g2, be2, rm2, rv2, b2)
    sc3, vo3 = fold(g3, be3, rm3, rv3, b3)

    deg0, deg1 = _deg_call(col)
    dinv = _prep_call(deg0, deg1)

    u0, u1 = _mm1_call(x, W1, dinv)
    a0, a1 = _agg_call(u0, u1, row2, col2)
    u0, u1 = _mid_call(a0, a1, dinv, sc1, vo1, W2)
    a0, a1 = _agg_call(u0, u1, row2, col2)
    u0, u1 = _mid_call(a0, a1, dinv, sc2, vo2, W3)
    a0, a1 = _agg_call(u0, u1, row2, col2)
    logit = _pool_call(a0, a1, dinv, sc3, vo3, batch2,
                       mW1, mb1.reshape(1, H), mW2, mb2.reshape(1, 1))
    return logit.reshape(G)

# --- scband reference (transcript-rebuilt; emitter-appended) ---
"""Pipeline reference for scband-gnn3-layer-binary-31164282700640 (READ-ONLY COPY).

The authoritative reference and input builder live on the scoring server;
editing this copy changes nothing except your own understanding.
"""

import jax, jax.numpy as jnp
import numpy as np

N = 10000
E = 320000
F_IN = 128
H = 256
G = 64
EPS = 1e-5


def setup_inputs(seed: int = 0) -> dict:
    key = jax.random.key(seed)
    ks = jax.random.split(key, 32)
    x = jax.random.normal(ks[0], (N, F_IN), dtype=jnp.float32)
    edge_index = jax.random.randint(ks[1], (2, E), 0, N)
    batch = jnp.sort(jax.random.randint(ks[2], (N,), 0, G))
    s = 0.05
    inp = {
        'x': x,
        'edge_index': edge_index,
        'batch': batch,
        'W1': jax.random.normal(ks[3], (F_IN, H), dtype=jnp.float32) * s,
        'b1': jnp.zeros((H,), dtype=jnp.float32),
        'g1': jnp.ones((H,), dtype=jnp.float32) + jax.random.normal(ks[4], (H,), dtype=jnp.float32) * 0.05,
        'be1': jax.random.normal(ks[5], (H,), dtype=jnp.float32) * 0.05,
        'rm1': jnp.zeros((H,), dtype=jnp.float32),
        'rv1': jnp.ones((H,), dtype=jnp.float32),
        'W2': jax.random.normal(ks[6], (H, H), dtype=jnp.float32) * s,
        'b2': jnp.zeros((H,), dtype=jnp.float32),
        'g2': jnp.ones((H,), dtype=jnp.float32) + jax.random.normal(ks[7], (H,), dtype=jnp.float32) * 0.05,
        'be2': jax.random.normal(ks[8], (H,), dtype=jnp.float32) * 0.05,
        'rm2': jnp.zeros((H,), dtype=jnp.float32),
        'rv2': jnp.ones((H,), dtype=jnp.float32),
        'W3': jax.random.normal(ks[9], (H, H), dtype=jnp.float32) * s,
        'b3': jnp.zeros((H,), dtype=jnp.float32),
        'g3': jnp.ones((H,), dtype=jnp.float32) + jax.random.normal(ks[10], (H,), dtype=jnp.float32) * 0.05,
        'be3': jax.random.normal(ks[11], (H,), dtype=jnp.float32) * 0.05,
        'rm3': jnp.zeros((H,), dtype=jnp.float32),
        'rv3': jnp.ones((H,), dtype=jnp.float32),
        'mW1': jax.random.normal(ks[12], (H, H), dtype=jnp.float32) * s,
        'mb1': jnp.zeros((H,), dtype=jnp.float32),
        'mW2': jax.random.normal(ks[13], (H, 1), dtype=jnp.float32) * s,
        'mb2': jnp.zeros((1,), dtype=jnp.float32),
    }
    return inp


def _gcn_conv(x, ei, ew, W, b):
    row, col = ei[0], ei[1]
    deg = jax.ops.segment_sum(ew, col, num_segments=N)
    dinv = jnp.where(deg > 0, 1.0 / jnp.sqrt(deg), 0.0)
    norm = dinv[row] * ew * dinv[col]
    h = x @ W
    out = jax.ops.segment_sum(norm[:, None] * h[row], col, num_segments=N)
    return out + b


def _bn(x, g, b, rm, rv):
    return (x - rm) / jnp.sqrt(rv + EPS) * g + b


def reference(x, edge_index, batch, W1, b1, g1, be1, rm1, rv1, W2, b2, g2, be2, rm2, rv2, W3, b3, g3, be3, rm3, rv3, mW1, mb1, mW2, mb2):
    loops = jnp.arange(N, dtype=edge_index.dtype)
    ei = jnp.concatenate([edge_index, jnp.stack([loops, loops])], axis=1)
    ew = jnp.ones((ei.shape[1],), dtype=jnp.float32)
    h = jax.nn.relu(_bn(_gcn_conv(x, ei, ew, W1, b1), g1, be1, rm1, rv1))
    h = jax.nn.relu(_bn(_gcn_conv(h, ei, ew, W2, b2), g2, be2, rm2, rv2))
    h = jax.nn.relu(_bn(_gcn_conv(h, ei, ew, W3, b3), g3, be3, rm3, rv3))
    s = jax.ops.segment_sum(h, batch, num_segments=G)
    cnt = jax.ops.segment_sum(jnp.ones((N,), dtype=jnp.float32), batch, num_segments=G)
    pooled = s / jnp.maximum(cnt, 1.0)[:, None]
    z = jax.nn.relu(pooled @ mW1 + mb1)
    logit = (z @ mW2 + mb2).squeeze(-1)
    return logit

if __name__ == "__main__":
    import jax
    _d = setup_inputs()
    print(jax.jit(kernel)(*tuple(_d.values())))

</pallas_src>

<mosaic_0001>
#map = affine_map<(d0, d1) -> (0, 0)>
module attributes {stable_mosaic.version = 14 : i64} {
  func.func @_agg_body(%arg0: i32, %arg1: i32, %arg2: memref<10000x128xf32, #tpu.memory_space<hbm>>, %arg3: memref<10000x128xf32, #tpu.memory_space<hbm>>, %arg4: memref<2560x125xi32, #tpu.memory_space<hbm>>, %arg5: memref<2560x125xi32, #tpu.memory_space<hbm>>, %arg6: memref<10000x128xf32, #tpu.memory_space<hbm>>, %arg7: memref<10000x128xf32, #tpu.memory_space<hbm>>, %arg8: memref<40x125xi32, #tpu.memory_space<vmem>>, %arg9: memref<40x125xi32, #tpu.memory_space<vmem>>, %arg10: memref<2x125x128xf32, #tpu.memory_space<vmem>>, %arg11: memref<10000x128xf32, #tpu.memory_space<vmem_shared>>, %arg12: memref<!tpu.dma_semaphore, #tpu.memory_space<semaphore_mem>>, %arg13: memref<!tpu.dma_semaphore, #tpu.memory_space<semaphore_mem>>) attributes {dimension_semantics = [#tpu.dimension_semantics<core_parallel>, #tpu.dimension_semantics<subcore_parallel>], iteration_bounds = array<i64: 2, 16>, scalar_prefetch = 0 : i64, scratch_operands = 6 : i64, tpu.core_type = #tpu.core_type<sc_vector_subcore>, window_params = [{transform_indices = #map}, {transform_indices = #map}, {transform_indices = #map}, {transform_indices = #map}, {transform_indices = #map}, {transform_indices = #map}]} {
    %eq3A = arith.constant 0 : i32
    %eq3A_0 = arith.cmpi eq, %arg0, %eq3A : i32
    %convert_element_type3A = arith.extui %eq3A_0 : i1 to i32
    %cond3A = arith.constant 0 : i32
    %cond3A_1 = arith.cmpi ne, %convert_element_type3A, %cond3A : i32
    scf.if %cond3A_1 {
      %mul3A = arith.constant 640 : i32
      %mul3A_28 = arith.muli %arg1, %mul3A : i32
      %multiple_of3A = tpu.assume_multiple %mul3A_28, 8 : i32
      %lt3A = arith.constant 15 : i32
      %lt3A_29 = arith.cmpi slt, %arg1, %lt3A : i32
      %convert_element_type3A_30 = arith.extui %lt3A_29 : i1 to i32
      %cond3A_31 = arith.constant 0 : i32
      %cond3A_32 = arith.cmpi ne, %convert_element_type3A_30, %cond3A_31 : i32
      scf.if %cond3A_32 {
        "tpu.region"() ({
          %run_scoped3A = tpu.sem_alloc : memref<!tpu.dma_semaphore, #tpu.memory_space<semaphore_mem>>
          %dma_start3A = arith.constant 0 : i32
          %dma_start3A_38 = tpu.memref_slice %arg11[%multiple_of3A, %dma_start3A] : memref<10000x128xf32, #tpu.memory_space<vmem_shared>> -> memref<640x128xf32, #tpu.memory_space<vmem_shared>>
          %dma_start3A_39 = arith.constant 0 : i32
          %dma_start3A_40 = tpu.memref_slice %arg2[%multiple_of3A, %dma_start3A_39] : memref<10000x128xf32, #tpu.memory_space<hbm>> -> memref<640x128xf32, #tpu.memory_space<hbm>>
          tpu.enqueue_dma source(%dma_start3A_40 : memref<640x128xf32, #tpu.memory_space<hbm>>) target(%dma_start3A_38 : memref<640x128xf32, #tpu.memory_space<vmem_shared>>) target_semaphore(%run_scoped3A : memref<!tpu.dma_semaphore, #tpu.memory_space<semaphore_mem>>)
          %dma_wait3A = arith.constant 0 : i32
          %dma_wait3A_41 = tpu.memref_slice %arg11[%multiple_of3A, %dma_wait3A] : memref<10000x128xf32, #tpu.memory_space<vmem_shared>> -> memref<640x128xf32, #tpu.memory_space<vmem_shared>>
          %dma_wait3A_42 = arith.constant 0 : i32
          %dma_wait3A_43 = tpu.memref_slice %arg2[%multiple_of3A, %dma_wait3A_42] : memref<10000x128xf32, #tpu.memory_space<hbm>> -> memref<640x128xf32, #tpu.memory_space<hbm>>
          tpu.wait_dma2 semaphore(%run_scoped3A : memref<!tpu.dma_semaphore, #tpu.memory_space<semaphore_mem>>) src(%dma_wait3A_43 : memref<640x128xf32, #tpu.memory_space<hbm>>) dst(%dma_wait3A_41 : memref<640x128xf32, #tpu.memory_space<vmem_shared>>)
          tpu.yield
        }) : () -> ()
      } else {
      }
      %eq3A_33 = arith.constant 15 : i32
      %eq3A_34 = arith.cmpi eq, %arg1, %eq3A_33 : i32
      %convert_element_type3A_35 = arith.extui %eq3A_34 : i1 to i32
      %cond3A_36 = arith.constant 0 : i32
      %cond3A_37 = arith.cmpi ne, %convert_element_type3A_35, %cond3A_36 : i32
      scf.if %cond3A_37 {
        "tpu.region"() ({
          %run_scoped3A = tpu.sem_alloc : memref<!tpu.dma_semaphore, #tpu.memory_space<semaphore_mem>>
          %dma_start3A = arith.constant 9600 : i32
          %dma_start3A_38 = arith.constant 0 : i32
          %dma_start3A_39 = tpu.memref_slice %arg11[%dma_start3A, %dma_start3A_38] : memref<10000x128xf32, #tpu.memory_space<vmem_shared>> -> memref<400x128xf32, #tpu.memory_space<vmem_shared>>
          %dma_start3A_40 = arith.constant 9600 : i32
          %dma_start3A_41 = arith.constant 0 : i32
          %dma_start3A_42 = tpu.memref_slice %arg2[%dma_start3A_40, %dma_start3A_41] : memref<10000x128xf32, #tpu.memory_space<hbm>> -> memref<400x128xf32, #tpu.memory_space<hbm>>
          tpu.enqueue_dma source(%dma_start3A_42 : memref<400x128xf32, #tpu.memory_space<hbm>>) target(%dma_start3A_39 : memref<400x128xf32, #tpu.memory_space<vmem_shared>>) target_semaphore(%run_scoped3A : memref<!tpu.dma_semaphore, #tpu.memory_space<semaphore_mem>>)
          %dma_wait3A = arith.constant 9600 : i32
          %dma_wait3A_43 = arith.constant 0 : i32
          %dma_wait3A_44 = tpu.memref_slice %arg11[%dma_wait3A, %dma_wait3A_43] : memref<10000x128xf32, #tpu.memory_space<vmem_shared>> -> memref<400x128xf32, #tpu.memory_space<vmem_shared>>
          %dma_wait3A_45 = arith.constant 9600 : i32
          %dma_wait3A_46 = arith.constant 0 : i32
          %dma_wait3A_47 = tpu.memref_slice %arg2[%dma_wait3A_45, %dma_wait3A_46] : memref<10000x128xf32, #tpu.memory_space<hbm>> -> memref<400x128xf32, #tpu.memory_space<hbm>>
          tpu.wait_dma2 semaphore(%run_scoped3A : memref<!tpu.dma_semaphore, #tpu.memory_space<semaphore_mem>>) src(%dma_wait3A_47 : memref<400x128xf32, #tpu.memory_space<hbm>>) dst(%dma_wait3A_44 : memref<400x128xf32, #tpu.memory_space<vmem_shared>>)
          tpu.yield
        }) : () -> ()
      } else {
      }
    } else {
    }
    %eq3A_2 = arith.constant 1 : i32
    %eq3A_3 = arith.cmpi eq, %arg0, %eq3A_2 : i32
    %convert_element_type3A_4 = arith.extui %eq3A_3 : i1 to i32
    %cond3A_5 = arith.constant 0 : i32
    %cond3A_6 = arith.cmpi ne, %convert_element_type3A_4, %cond3A_5 : i32
    scf.if %cond3A_6 {
      %mul3A = arith.constant 640 : i32
      %mul3A_28 = arith.muli %arg1, %mul3A : i32
      %multiple_of3A = tpu.assume_multiple %mul3A_28, 8 : i32
      %lt3A = arith.constant 15 : i32
      %lt3A_29 = arith.cmpi slt, %arg1, %lt3A : i32
      %convert_element_type3A_30 = arith.extui %lt3A_29 : i1 to i32
      %cond3A_31 = arith.constant 0 : i32
      %cond3A_32 = arith.cmpi ne, %convert_element_type3A_30, %cond3A_31 : i32
      scf.if %cond3A_32 {
        "tpu.region"() ({
          %run_scoped3A = tpu.sem_alloc : memref<!tpu.dma_semaphore, #tpu.memory_space<semaphore_mem>>
          %dma_start3A = arith.constant 0 : i32
          %dma_start3A_38 = tpu.memref_slice %arg11[%multiple_of3A, %dma_start3A] : memref<10000x128xf32, #tpu.memory_space<vmem_shared>> -> memref<640x128xf32, #tpu.memory_space<vmem_shared>>
          %dma_start3A_39 = arith.constant 0 : i32
          %dma_start3A_40 = tpu.memref_slice %arg3[%multiple_of3A, %dma_start3A_39] : memref<10000x128xf32, #tpu.memory_space<hbm>> -> memref<640x128xf32, #tpu.memory_space<hbm>>
          tpu.enqueue_dma source(%dma_start3A_40 : memref<640x128xf32, #tpu.memory_space<hbm>>) target(%dma_start3A_38 : memref<640x128xf32, #tpu.memory_space<vmem_shared>>) target_semaphore(%run_scoped3A : memref<!tpu.dma_semaphore, #tpu.memory_space<semaphore_mem>>)
          %dma_wait3A = arith.constant 0 : i32
          %dma_wait3A_41 = tpu.memref_slice %arg11[%multiple_of3A, %dma_wait3A] : memref<10000x128xf32, #tpu.memory_space<vmem_shared>> -> memref<640x128xf32, #tpu.memory_space<vmem_shared>>
          %dma_wait3A_42 = arith.constant 0 : i32
          %dma_wait3A_43 = tpu.memref_slice %arg3[%multiple_of3A, %dma_wait3A_42] : memref<10000x128xf32, #tpu.memory_space<hbm>> -> memref<640x128xf32, #tpu.memory_space<hbm>>
          tpu.wait_dma2 semaphore(%run_scoped3A : memref<!tpu.dma_semaphore, #tpu.memory_space<semaphore_mem>>) src(%dma_wait3A_43 : memref<640x128xf32, #tpu.memory_space<hbm>>) dst(%dma_wait3A_41 : memref<640x128xf32, #tpu.memory_space<vmem_shared>>)
          tpu.yield
        }) : () -> ()
      } else {
      }
      %eq3A_33 = arith.constant 15 : i32
      %eq3A_34 = arith.cmpi eq, %arg1, %eq3A_33 : i32
      %convert_element_type3A_35 = arith.extui %eq3A_34 : i1 to i32
      %cond3A_36 = arith.constant 0 : i32
      %cond3A_37 = arith.cmpi ne, %convert_element_type3A_35, %cond3A_36 : i32
      scf.if %cond3A_37 {
        "tpu.region"() ({
          %run_scoped3A = tpu.sem_alloc : memref<!tpu.dma_semaphore, #tpu.memory_space<semaphore_mem>>
          %dma_start3A = arith.constant 9600 : i32
          %dma_start3A_38 = arith.constant 0 : i32
          %dma_start3A_39 = tpu.memref_slice %arg11[%dma_start3A, %dma_start3A_38] : memref<10000x128xf32, #tpu.memory_space<vmem_shared>> -> memref<400x128xf32, #tpu.memory_space<vmem_shared>>
          %dma_start3A_40 = arith.constant 9600 : i32
          %dma_start3A_41 = arith.constant 0 : i32
          %dma_start3A_42 = tpu.memref_slice %arg3[%dma_start3A_40, %dma_start3A_41] : memref<10000x128xf32, #tpu.memory_space<hbm>> -> memref<400x128xf32, #tpu.memory_space<hbm>>
          tpu.enqueue_dma source(%dma_start3A_42 : memref<400x128xf32, #tpu.memory_space<hbm>>) target(%dma_start3A_39 : memref<400x128xf32, #tpu.memory_space<vmem_shared>>) target_semaphore(%run_scoped3A : memref<!tpu.dma_semaphore, #tpu.memory_space<semaphore_mem>>)
          %dma_wait3A = arith.constant 9600 : i32
          %dma_wait3A_43 = arith.constant 0 : i32
          %dma_wait3A_44 = tpu.memref_slice %arg11[%dma_wait3A, %dma_wait3A_43] : memref<10000x128xf32, #tpu.memory_space<vmem_shared>> -> memref<400x128xf32, #tpu.memory_space<vmem_shared>>
          %dma_wait3A_45 = arith.constant 9600 : i32
          %dma_wait3A_46 = arith.constant 0 : i32
          %dma_wait3A_47 = tpu.memref_slice %arg3[%dma_wait3A_45, %dma_wait3A_46] : memref<10000x128xf32, #tpu.memory_space<hbm>> -> memref<400x128xf32, #tpu.memory_space<hbm>>
          tpu.wait_dma2 semaphore(%run_scoped3A : memref<!tpu.dma_semaphore, #tpu.memory_space<semaphore_mem>>) src(%dma_wait3A_47 : memref<400x128xf32, #tpu.memory_space<hbm>>) dst(%dma_wait3A_44 : memref<400x128xf32, #tpu.memory_space<vmem_shared>>)
          tpu.yield
        }) : () -> ()
      } else {
      }
    } else {
    }
    %barrier3A = arith.constant 0 : index
    tpu.barrier barrier_id(%barrier3A)
    %eq3A_7 = arith.constant 0 : i32
    %eq3A_8 = arith.cmpi eq, %arg0, %eq3A_7 : i32
    %convert_element_type3A_9 = arith.extui %eq3A_8 : i1 to i32
    %cond3A_10 = arith.constant 0 : i32
    %cond3A_11 = arith.cmpi ne, %convert_element_type3A_9, %cond3A_10 : i32
    scf.if %cond3A_11 {
      %scan3A = arith.constant 0 : i32
      %scan3A_28 = arith.constant 0 : i32
      %scan3A_29 = arith.constant 4 : i32
      %scan3A_30 = arith.addi %scan3A_28, %scan3A_29 : i32
      %scan3A_31 = arith.constant 1 : i32
      %scan3A_32 = scf.for %scan3A_34 = %scan3A_28 to %scan3A_30 step %scan3A_31 iter_args(%scan3A_35 = %scan3A) -> (i32)  : i32 {
        %mul3A = arith.constant 160 : i32
        %mul3A_36 = arith.muli %arg1, %mul3A : i32
        %mul3A_37 = arith.constant 40 : i32
        %mul3A_38 = arith.muli %scan3A_34, %mul3A_37 : i32
        %add3A = arith.addi %mul3A_36, %mul3A_38 : i32
        %multiple_of3A = tpu.assume_multiple %add3A, 8 : i32
        "tpu.region"() ({
          %run_scoped3A = tpu.sem_alloc : memref<!tpu.dma_semaphore, #tpu.memory_space<semaphore_mem>>
          %dma_start3A_81 = arith.constant 0 : i32
          %dma_start3A_82 = tpu.memref_slice %arg4[%multiple_of3A, %dma_start3A_81] : memref<2560x125xi32, #tpu.memory_space<hbm>> -> memref<40x125xi32, #tpu.memory_space<hbm>>
          %dma_start3A_83 = arith.constant 0 : i32
          %dma_start3A_84 = tpu.memref_slice %arg4[%multiple_of3A, %dma_start3A_83] : memref<2560x125xi32, #tpu.memory_space<hbm>> -> memref<40x125xi32, #tpu.memory_space<hbm>>
          tpu.enqueue_dma source(%dma_start3A_84 : memref<40x125xi32, #tpu.memory_space<hbm>>) target(%arg8 : memref<40x125xi32, #tpu.memory_space<vmem>>) target_semaphore(%run_scoped3A : memref<!tpu.dma_semaphore, #tpu.memory_space<semaphore_mem>>)
          %dma_wait3A_85 = arith.constant 0 : i32
          %dma_wait3A_86 = tpu.memref_slice %arg4[%multiple_of3A, %dma_wait3A_85] : memref<2560x125xi32, #tpu.memory_space<hbm>> -> memref<40x125xi32, #tpu.memory_space<hbm>>
          %dma_wait3A_87 = arith.constant 0 : i32
          %dma_wait3A_88 = tpu.memref_slice %arg4[%multiple_of3A, %dma_wait3A_87] : memref<2560x125xi32, #tpu.memory_space<hbm>> -> memref<40x125xi32, #tpu.memory_space<hbm>>
          tpu.wait_dma2 semaphore(%run_scoped3A : memref<!tpu.dma_semaphore, #tpu.memory_space<semaphore_mem>>) src(%dma_wait3A_88 : memref<40x125xi32, #tpu.memory_space<hbm>>) dst(%arg8 : memref<40x125xi32, #tpu.memory_space<vmem>>)
          tpu.yield
        }) : () -> ()
        "tpu.region"() ({
          %run_scoped3A = tpu.sem_alloc : memref<!tpu.dma_semaphore, #tpu.memory_space<semaphore_mem>>
          %dma_start3A_81 = arith.constant 0 : i32
          %dma_start3A_82 = tpu.memref_slice %arg5[%multiple_of3A, %dma_start3A_81] : memref<2560x125xi32, #tpu.memory_space<hbm>> -> memref<40x125xi32, #tpu.memory_space<hbm>>
          %dma_start3A_83 = arith.constant 0 : i32
          %dma_start3A_84 = tpu.memref_slice %arg5[%multiple_of3A, %dma_start3A_83] : memref<2560x125xi32, #tpu.memory_space<hbm>> -> memref<40x125xi32, #tpu.memory_space<hbm>>
          tpu.enqueue_dma source(%dma_start3A_84 : memref<40x125xi32, #tpu.memory_space<hbm>>) target(%arg9 : memref<40x125xi32, #tpu.memory_space<vmem>>) target_semaphore(%run_scoped3A : memref<!tpu.dma_semaphore, #tpu.memory_space<semaphore_mem>>)
          %dma_wait3A_85 = arith.constant 0 : i32
          %dma_wait3A_86 = tpu.memref_slice %arg5[%multiple_of3A, %dma_wait3A_85] : memref<2560x125xi32, #tpu.memory_space<hbm>> -> memref<40x125xi32, #tpu.memory_space<hbm>>
          %dma_wait3A_87 = arith.constant 0 : i32
          %dma_wait3A_88 = tpu.memref_slice %arg5[%multiple_of3A, %dma_wait3A_87] : memref<2560x125xi32, #tpu.memory_space<hbm>> -> memref<40x125xi32, #tpu.memory_space<hbm>>
          tpu.wait_dma2 semaphore(%run_scoped3A : memref<!tpu.dma_semaphore, #tpu.memory_space<semaphore_mem>>) src(%dma_wait3A_88 : memref<40x125xi32, #tpu.memory_space<hbm>>) dst(%arg9 : memref<40x125xi32, #tpu.memory_space<vmem>>)
          tpu.yield
        }) : () -> ()
        %dma_start3A = arith.constant 0 : i32
        %dma_start3A_39 = arith.constant 0 : i32
        %dma_start3A_40 = arith.constant 0 : i32
        %dma_start3A_41 = arith.constant 0 : i32
        %dma_start3A_42 = tpu.memref_slice %arg10[%dma_start3A_39, %dma_start3A_40, %dma_start3A_41] : memref<2x125x128xf32, #tpu.memory_space<vmem>> -> memref<1x125x128xf32, #tpu.memory_space<vmem>>
        %dma_start3A_43 = tpu.memref_squeeze %dma_start3A_42 : memref<1x125x128xf32, #tpu.memory_space<vmem>> -> memref<125x128xf32, #tpu.memory_space<vmem>>
        %dma_start3A_44 = arith.constant 0 : i32
        %dma_start3A_45 = tpu.memref_slice %arg8[%dma_start3A, %dma_start3A_44] : memref<40x125xi32, #tpu.memory_space<vmem>> -> memref<1x125xi32, #tpu.memory_space<vmem>>
        %dma_start3A_46 = tpu.memref_squeeze %dma_start3A_45 : memref<1x125xi32, #tpu.memory_space<vmem>> -> memref<125xi32, #tpu.memory_space<vmem>>
        %dma_start3A_47 = arith.constant 0 : i32
        %dma_start3A_48 = arith.constant 0 : i32
        %dma_start3A_49 = tpu.memref_slice %arg2[%dma_start3A_47, %dma_start3A_48] : memref<10000x128xf32, #tpu.memory_space<hbm>> -> memref<10000x128xf32, #tpu.memory_space<hbm>>
        tpu.enqueue_indirect_dma source(%dma_start3A_49 : memref<10000x128xf32, #tpu.memory_space<hbm>>) target(%dma_start3A_43 : memref<125x128xf32, #tpu.memory_space<vmem>>) offsets(%dma_start3A_46 : memref<125xi32, #tpu.memory_space<vmem>>) semaphore(%arg12 : memref<!tpu.dma_semaphore, #tpu.memory_space<semaphore_mem>>)
        %scan3A_50 = arith.constant 0 : i32
        %scan3A_51 = arith.constant 0 : i32
        %scan3A_52 = arith.constant 40 : i32
        %scan3A_53 = arith.addi %scan3A_51, %scan3A_52 : i32
        %scan3A_54 = arith.constant 1 : i32
        %scan3A_55 = scf.for %scan3A_81 = %scan3A_51 to %scan3A_53 step %scan3A_54 iter_args(%scan3A_82 = %scan3A_50) -> (i32)  : i32 {
          %rem3A = arith.constant 2 : i32
          %rem3A_83 = arith.remsi %scan3A_81, %rem3A : i32
          %dma_wait3A_84 = arith.constant 0 : i32
          %dma_wait3A_85 = arith.constant 0 : i32
          %dma_wait3A_86 = tpu.memref_slice %arg10[%rem3A_83, %dma_wait3A_84, %dma_wait3A_85] : memref<2x125x128xf32, #tpu.memory_space<vmem>> -> memref<1x125x128xf32, #tpu.memory_space<vmem>>
          %dma_wait3A_87 = tpu.memref_squeeze %dma_wait3A_86 : memref<1x125x128xf32, #tpu.memory_space<vmem>> -> memref<125x128xf32, #tpu.memory_space<vmem>>
          %dma_wait3A_88 = arith.constant 0 : i32
          %dma_wait3A_89 = tpu.memref_slice %arg8[%scan3A_81, %dma_wait3A_88] : memref<40x125xi32, #tpu.memory_space<vmem>> -> memref<1x125xi32, #tpu.memory_space<vmem>>
          %dma_wait3A_90 = tpu.memref_squeeze %dma_wait3A_89 : memref<1x125xi32, #tpu.memory_space<vmem>> -> memref<125xi32, #tpu.memory_space<vmem>>
          %dma_wait3A_91 = arith.constant 0 : i32
          %dma_wait3A_92 = arith.constant 0 : i32
          %dma_wait3A_93 = tpu.memref_slice %arg2[%dma_wait3A_91, %dma_wait3A_92] : memref<10000x128xf32, #tpu.memory_space<hbm>> -> memref<10000x128xf32, #tpu.memory_space<hbm>>
          tpu.wait_indirect_dma semaphore(%arg12 : memref<!tpu.dma_semaphore, #tpu.memory_space<semaphore_mem>>) src(%dma_wait3A_93 : memref<10000x128xf32, #tpu.memory_space<hbm>>) dst(%dma_wait3A_87 : memref<125x128xf32, #tpu.memory_space<vmem>>)
          %dma_start3A_94 = arith.constant 0 : i32
          %dma_start3A_95 = arith.constant 0 : i32
          %dma_start3A_96 = tpu.memref_slice %arg10[%rem3A_83, %dma_start3A_94, %dma_start3A_95] : memref<2x125x128xf32, #tpu.memory_space<vmem>> -> memref<1x125x128xf32, #tpu.memory_space<vmem>>
          %dma_start3A_97 = tpu.memref_squeeze %dma_start3A_96 : memref<1x125x128xf32, #tpu.memory_space<vmem>> -> memref<125x128xf32, #tpu.memory_space<vmem>>
          %dma_start3A_98 = arith.constant 0 : i32
          %dma_start3A_99 = tpu.memref_slice %arg9[%scan3A_81, %dma_start3A_98] : memref<40x125xi32, #tpu.memory_space<vmem>> -> memref<1x125xi32, #tpu.memory_space<vmem>>
          %dma_start3A_100 = tpu.memref_squeeze %dma_start3A_99 : memref<1x125xi32, #tpu.memory_space<vmem>> -> memref<125xi32, #tpu.memory_space<vmem>>
          %dma_start3A_101 = arith.constant 0 : i32
          %dma_start3A_102 = arith.constant 0 : i32
          %dma_start3A_103 = tpu.memref_slice %arg11[%dma_start3A_101, %dma_start3A_102] : memref<10000x128xf32, #tpu.memory_space<vmem_shared>> -> memref<10000x128xf32, #tpu.memory_space<vmem_shared>>
          tpu.enqueue_indirect_dma source(%dma_start3A_97 : memref<125x128xf32, #tpu.memory_space<vmem>>) target(%dma_start3A_103 : memref<10000x128xf32, #tpu.memory_space<vmem_shared>>) offsets(%dma_start3A_100 : memref<125xi32, #tpu.memory_space<vmem>>) semaphore(%arg13 : memref<!tpu.dma_semaphore, #tpu.memory_space<semaphore_mem>>) {add = true}
          %add3A_104 = arith.constant 1 : i32
          %add3A_105 = arith.addi %scan3A_81, %add3A_104 : i32
          %lt3A = arith.constant 40 : i32
          %lt3A_106 = arith.cmpi slt, %add3A_105, %lt3A : i32
          %convert_element_type3A_107 = arith.extui %lt3A_106 : i1 to i32
          %cond3A_108 = arith.constant 0 : i32
          %cond3A_109 = arith.cmpi ne, %convert_element_type3A_107, %cond3A_108 : i32
          scf.if %cond3A_109 {
            %ge3A = arith.constant 1 : i32
            %ge3A_111 = arith.cmpi sge, %scan3A_81, %ge3A : i32
            %convert_element_type3A_112 = arith.extui %ge3A_111 : i1 to i32
            %cond3A_113 = arith.constant 0 : i32
            %cond3A_114 = arith.cmpi ne, %convert_element_type3A_112, %cond3A_113 : i32
            scf.if %cond3A_114 {
              %sub3A_128 = arith.constant 1 : i32
              %sub3A_129 = arith.subi %sub3A_128, %rem3A_83 : i32
              %sub3A_130 = arith.constant 1 : i32
              %sub3A_131 = arith.subi %scan3A_81, %sub3A_130 : i32
              %dma_wait3A_132 = arith.constant 0 : i32
              %dma_wait3A_133 = arith.constant 0 : i32
              %dma_wait3A_134 = tpu.memref_slice %arg10[%sub3A_129, %dma_wait3A_132, %dma_wait3A_133] : memref<2x125x128xf32, #tpu.memory_space<vmem>> -> memref<1x125x128xf32, #tpu.memory_space<vmem>>
              %dma_wait3A_135 = tpu.memref_squeeze %dma_wait3A_134 : memref<1x125x128xf32, #tpu.memory_space<vmem>> -> memref<125x128xf32, #tpu.memory_space<vmem>>
              %dma_wait3A_136 = arith.constant 0 : i32
              %dma_wait3A_137 = tpu.memref_slice %arg9[%sub3A_131, %dma_wait3A_136] : memref<40x125xi32, #tpu.memory_space<vmem>> -> memref<1x125xi32, #tpu.memory_space<vmem>>
              %dma_wait3A_138 = tpu.memref_squeeze %dma_wait3A_137 : memref<1x125xi32, #tpu.memory_space<vmem>> -> memref<125xi32, #tpu.memory_space<vmem>>
              %dma_wait3A_139 = arith.constant 0 : i32
              %dma_wait3A_140 = arith.constant 0 : i32
              %dma_wait3A_141 = tpu.memref_slice %arg11[%dma_wait3A_139, %dma_wait3A_140] : memref<10000x128xf32, #tpu.memory_space<vmem_shared>> -> memref<10000x128xf32, #tpu.memory_space<vmem_shared>>
              tpu.wait_indirect_dma semaphore(%arg13 : memref<!tpu.dma_semaphore, #tpu.memory_space<semaphore_mem>>) src(%dma_wait3A_135 : memref<125x128xf32, #tpu.memory_space<vmem>>) dst(%dma_wait3A_141 : memref<10000x128xf32, #tpu.memory_space<vmem_shared>>)
            } else {
            }
            %add3A_115 = arith.constant 1 : i32
            %add3A_116 = arith.addi %scan3A_81, %add3A_115 : i32
            %sub3A = arith.constant 1 : i32
            %sub3A_117 = arith.subi %sub3A, %rem3A_83 : i32
            %dma_start3A_118 = arith.constant 0 : i32
            %dma_start3A_119 = arith.constant 0 : i32
            %dma_start3A_120 = tpu.memref_slice %arg10[%sub3A_117, %dma_start3A_118, %dma_start3A_119] : memref<2x125x128xf32, #tpu.memory_space<vmem>> -> memref<1x125x128xf32, #tpu.memory_space<vmem>>
            %dma_start3A_121 = tpu.memref_squeeze %dma_start3A_120 : memref<1x125x128xf32, #tpu.memory_space<vmem>> -> memref<125x128xf32, #tpu.memory_space<vmem>>
            %dma_start3A_122 = arith.constant 0 : i32
            %dma_start3A_123 = tpu.memref_slice %arg8[%add3A_116, %dma_start3A_122] : memref<40x125xi32, #tpu.memory_space<vmem>> -> memref<1x125xi32, #tpu.memory_space<vmem>>
            %dma_start3A_124 = tpu.memref_squeeze %dma_start3A_123 : memref<1x125xi32, #tpu.memory_space<vmem>> -> memref<125xi32, #tpu.memory_space<vmem>>
            %dma_start3A_125 = arith.constant 0 : i32
            %dma_start3A_126 = arith.constant 0 : i32
            %dma_start3A_127 = tpu.memref_slice %arg2[%dma_start3A_125, %dma_start3A_126] : memref<10000x128xf32, #tpu.memory_space<hbm>> -> memref<10000x128xf32, #tpu.memory_space<hbm>>
            tpu.enqueue_indirect_dma source(%dma_start3A_127 : memref<10000x128xf32, #tpu.memory_space<hbm>>) target(%dma_start3A_121 : memref<125x128xf32, #tpu.memory_space<vmem>>) offsets(%dma_start3A_124 : memref<125xi32, #tpu.memory_space<vmem>>) semaphore(%arg12 : memref<!tpu.dma_semaphore, #tpu.memory_space<semaphore_mem>>)
          } else {
          }
          %scan3A_110 = arith.constant 0 : i32
          scf.yield %scan3A_110 : i32
        }
        %scan3A_56 = arith.constant 40 : i32
        %dma_wait3A = arith.constant 0 : i32
        %dma_wait3A_57 = arith.constant 38 : i32
        %dma_wait3A_58 = arith.constant 0 : i32
        %dma_wait3A_59 = arith.constant 0 : i32
        %dma_wait3A_60 = tpu.memref_slice %arg10[%dma_wait3A, %dma_wait3A_58, %dma_wait3A_59] : memref<2x125x128xf32, #tpu.memory_space<vmem>> -> memref<1x125x128xf32, #tpu.memory_space<vmem>>
        %dma_wait3A_61 = tpu.memref_squeeze %dma_wait3A_60 : memref<1x125x128xf32, #tpu.memory_space<vmem>> -> memref<125x128xf32, #tpu.memory_space<vmem>>
        %dma_wait3A_62 = arith.constant 0 : i32
        %dma_wait3A_63 = tpu.memref_slice %arg9[%dma_wait3A_57, %dma_wait3A_62] : memref<40x125xi32, #tpu.memory_space<vmem>> -> memref<1x125xi32, #tpu.memory_space<vmem>>
        %dma_wait3A_64 = tpu.memref_squeeze %dma_wait3A_63 : memref<1x125xi32, #tpu.memory_space<vmem>> -> memref<125xi32, #tpu.memory_space<vmem>>
        %dma_wait3A_65 = arith.constant 0 : i32
        %dma_wait3A_66 = arith.constant 0 : i32
        %dma_wait3A_67 = tpu.memref_slice %arg11[%dma_wait3A_65, %dma_wait3A_66] : memref<10000x128xf32, #tpu.memory_space<vmem_shared>> -> memref<10000x128xf32, #tpu.memory_space<vmem_shared>>
        tpu.wait_indirect_dma semaphore(%arg13 : memref<!tpu.dma_semaphore, #tpu.memory_space<semaphore_mem>>) src(%dma_wait3A_61 : memref<125x128xf32, #tpu.memory_space<vmem>>) dst(%dma_wait3A_67 : memref<10000x128xf32, #tpu.memory_space<vmem_shared>>)
        %dma_wait3A_68 = arith.constant 1 : i32
        %dma_wait3A_69 = arith.constant 39 : i32
        %dma_wait3A_70 = arith.constant 0 : i32
        %dma_wait3A_71 = arith.constant 0 : i32
        %dma_wait3A_72 = tpu.memref_slice %arg10[%dma_wait3A_68, %dma_wait3A_70, %dma_wait3A_71] : memref<2x125x128xf32, #tpu.memory_space<vmem>> -> memref<1x125x128xf32, #tpu.memory_space<vmem>>
        %dma_wait3A_73 = tpu.memref_squeeze %dma_wait3A_72 : memref<1x125x128xf32, #tpu.memory_space<vmem>> -> memref<125x128xf32, #tpu.memory_space<vmem>>
        %dma_wait3A_74 = arith.constant 0 : i32
        %dma_wait3A_75 = tpu.memref_slice %arg9[%dma_wait3A_69, %dma_wait3A_74] : memref<40x125xi32, #tpu.memory_space<vmem>> -> memref<1x125xi32, #tpu.memory_space<vmem>>
        %dma_wait3A_76 = tpu.memref_squeeze %dma_wait3A_75 : memref<1x125xi32, #tpu.memory_space<vmem>> -> memref<125xi32, #tpu.memory_space<vmem>>
        %dma_wait3A_77 = arith.constant 0 : i32
        %dma_wait3A_78 = arith.constant 0 : i32
        %dma_wait3A_79 = tpu.memref_slice %arg11[%dma_wait3A_77, %dma_wait3A_78] : memref<10000x128xf32, #tpu.memory_space<vmem_shared>> -> memref<10000x128xf32, #tpu.memory_space<vmem_shared>>
        tpu.wait_indirect_dma semaphore(%arg13 : memref<!tpu.dma_semaphore, #tpu.memory_space<semaphore_mem>>) src(%dma_wait3A_73 : memref<125x128xf32, #tpu.memory_space<vmem>>) dst(%dma_wait3A_79 : memref<10000x128xf32, #tpu.memory_space<vmem_shared>>)
        %scan3A_80 = arith.constant 0 : i32
        scf.yield %scan3A_80 : i32
      }
      %scan3A_33 = arith.constant 4 : i32
    } else {
    }
    %eq3A_12 = arith.constant 1 : i32
    %eq3A_13 = arith.cmpi eq, %arg0, %eq3A_12 : i32
    %convert_element_type3A_14 = arith.extui %eq3A_13 : i1 to i32
    %cond3A_15 = arith.constant 0 : i32
    %cond3A_16 = arith.cmpi ne, %convert_element_type3A_14, %cond3A_15 : i32
    scf.if %cond3A_16 {
      %scan3A = arith.constant 0 : i32
      %scan3A_28 = arith.constant 0 : i32
      %scan3A_29 = arith.constant 4 : i32
      %scan3A_30 = arith.addi %scan3A_28, %scan3A_29 : i32
      %scan3A_31 = arith.constant 1 : i32
      %scan3A_32 = scf.for %scan3A_34 = %scan3A_28 to %scan3A_30 step %scan3A_31 iter_args(%scan3A_35 = %scan3A) -> (i32)  : i32 {
        %mul3A = arith.constant 160 : i32
        %mul3A_36 = arith.muli %arg1, %mul3A : i32
        %mul3A_37 = arith.constant 40 : i32
        %mul3A_38 = arith.muli %scan3A_34, %mul3A_37 : i32
        %add3A = arith.addi %mul3A_36, %mul3A_38 : i32
        %multiple_of3A = tpu.assume_multiple %add3A, 8 : i32
        "tpu.region"() ({
          %run_scoped3A = tpu.sem_alloc : memref<!tpu.dma_semaphore, #tpu.memory_space<semaphore_mem>>
          %dma_start3A_81 = arith.constant 0 : i32
          %dma_start3A_82 = tpu.memref_slice %arg4[%multiple_of3A, %dma_start3A_81] : memref<2560x125xi32, #tpu.memory_space<hbm>> -> memref<40x125xi32, #tpu.memory_space<hbm>>
          %dma_start3A_83 = arith.constant 0 : i32
          %dma_start3A_84 = tpu.memref_slice %arg4[%multiple_of3A, %dma_start3A_83] : memref<2560x125xi32, #tpu.memory_space<hbm>> -> memref<40x125xi32, #tpu.memory_space<hbm>>
          tpu.enqueue_dma source(%dma_start3A_84 : memref<40x125xi32, #tpu.memory_space<hbm>>) target(%arg8 : memref<40x125xi32, #tpu.memory_space<vmem>>) target_semaphore(%run_scoped3A : memref<!tpu.dma_semaphore, #tpu.memory_space<semaphore_mem>>)
          %dma_wait3A_85 = arith.constant 0 : i32
          %dma_wait3A_86 = tpu.memref_slice %arg4[%multiple_of3A, %dma_wait3A_85] : memref<2560x125xi32, #tpu.memory_space<hbm>> -> memref<40x125xi32, #tpu.memory_space<hbm>>
          %dma_wait3A_87 = arith.constant 0 : i32
          %dma_wait3A_88 = tpu.memref_slice %arg4[%multiple_of3A, %dma_wait3A_87] : memref<2560x125xi32, #tpu.memory_space<hbm>> -> memref<40x125xi32, #tpu.memory_space<hbm>>
          tpu.wait_dma2 semaphore(%run_scoped3A : memref<!tpu.dma_semaphore, #tpu.memory_space<semaphore_mem>>) src(%dma_wait3A_88 : memref<40x125xi32, #tpu.memory_space<hbm>>) dst(%arg8 : memref<40x125xi32, #tpu.memory_space<vmem>>)
          tpu.yield
        }) : () -> ()
        "tpu.region"() ({
          %run_scoped3A = tpu.sem_alloc : memref<!tpu.dma_semaphore, #tpu.memory_space<semaphore_mem>>
          %dma_start3A_81 = arith.constant 0 : i32
          %dma_start3A_82 = tpu.memref_slice %arg5[%multiple_of3A, %dma_start3A_81] : memref<2560x125xi32, #tpu.memory_space<hbm>> -> memref<40x125xi32, #tpu.memory_space<hbm>>
          %dma_start3A_83 = arith.constant 0 : i32
          %dma_start3A_84 = tpu.memref_slice %arg5[%multiple_of3A, %dma_start3A_83] : memref<2560x125xi32, #tpu.memory_space<hbm>> -> memref<40x125xi32, #tpu.memory_space<hbm>>
          tpu.enqueue_dma source(%dma_start3A_84 : memref<40x125xi32, #tpu.memory_space<hbm>>) target(%arg9 : memref<40x125xi32, #tpu.memory_space<vmem>>) target_semaphore(%run_scoped3A : memref<!tpu.dma_semaphore, #tpu.memory_space<semaphore_mem>>)
          %dma_wait3A_85 = arith.constant 0 : i32
          %dma_wait3A_86 = tpu.memref_slice %arg5[%multiple_of3A, %dma_wait3A_85] : memref<2560x125xi32, #tpu.memory_space<hbm>> -> memref<40x125xi32, #tpu.memory_space<hbm>>
          %dma_wait3A_87 = arith.constant 0 : i32
          %dma_wait3A_88 = tpu.memref_slice %arg5[%multiple_of3A, %dma_wait3A_87] : memref<2560x125xi32, #tpu.memory_space<hbm>> -> memref<40x125xi32, #tpu.memory_space<hbm>>
          tpu.wait_dma2 semaphore(%run_scoped3A : memref<!tpu.dma_semaphore, #tpu.memory_space<semaphore_mem>>) src(%dma_wait3A_88 : memref<40x125xi32, #tpu.memory_space<hbm>>) dst(%arg9 : memref<40x125xi32, #tpu.memory_space<vmem>>)
          tpu.yield
        }) : () -> ()
        %dma_start3A = arith.constant 0 : i32
        %dma_start3A_39 = arith.constant 0 : i32
        %dma_start3A_40 = arith.constant 0 : i32
        %dma_start3A_41 = arith.constant 0 : i32
        %dma_start3A_42 = tpu.memref_slice %arg10[%dma_start3A_39, %dma_start3A_40, %dma_start3A_41] : memref<2x125x128xf32, #tpu.memory_space<vmem>> -> memref<1x125x128xf32, #tpu.memory_space<vmem>>
        %dma_start3A_43 = tpu.memref_squeeze %dma_start3A_42 : memref<1x125x128xf32, #tpu.memory_space<vmem>> -> memref<125x128xf32, #tpu.memory_space<vmem>>
        %dma_start3A_44 = arith.constant 0 : i32
        %dma_start3A_45 = tpu.memref_slice %arg8[%dma_start3A, %dma_start3A_44] : memref<40x125xi32, #tpu.memory_space<vmem>> -> memref<1x125xi32, #tpu.memory_space<vmem>>
        %dma_start3A_46 = tpu.memref_squeeze %dma_start3A_45 : memref<1x125xi32, #tpu.memory_space<vmem>> -> memref<125xi32, #tpu.memory_space<vmem>>
        %dma_start3A_47 = arith.constant 0 : i32
        %dma_start3A_48 = arith.constant 0 : i32
        %dma_start3A_49 = tpu.memref_slice %arg3[%dma_start3A_47, %dma_start3A_48] : memref<10000x128xf32, #tpu.memory_space<hbm>> -> memref<10000x128xf32, #tpu.memory_space<hbm>>
        tpu.enqueue_indirect_dma source(%dma_start3A_49 : memref<10000x128xf32, #tpu.memory_space<hbm>>) target(%dma_start3A_43 : memref<125x128xf32, #tpu.memory_space<vmem>>) offsets(%dma_start3A_46 : memref<125xi32, #tpu.memory_space<vmem>>) semaphore(%arg12 : memref<!tpu.dma_semaphore, #tpu.memory_space<semaphore_mem>>)
        %scan3A_50 = arith.constant 0 : i32
        %scan3A_51 = arith.constant 0 : i32
        %scan3A_52 = arith.constant 40 : i32
        %scan3A_53 = arith.addi %scan3A_51, %scan3A_52 : i32
        %scan3A_54 = arith.constant 1 : i32
        %scan3A_55 = scf.for %scan3A_81 = %scan3A_51 to %scan3A_53 step %scan3A_54 iter_args(%scan3A_82 = %scan3A_50) -> (i32)  : i32 {
          %rem3A = arith.constant 2 : i32
          %rem3A_83 = arith.remsi %scan3A_81, %rem3A : i32
          %dma_wait3A_84 = arith.constant 0 : i32
          %dma_wait3A_85 = arith.constant 0 : i32
          %dma_wait3A_86 = tpu.memref_slice %arg10[%rem3A_83, %dma_wait3A_84, %dma_wait3A_85] : memref<2x125x128xf32, #tpu.memory_space<vmem>> -> memref<1x125x128xf32, #tpu.memory_space<vmem>>
          %dma_wait3A_87 = tpu.memref_squeeze %dma_wait3A_86 : memref<1x125x128xf32, #tpu.memory_space<vmem>> -> memref<125x128xf32, #tpu.memory_space<vmem>>
          %dma_wait3A_88 = arith.constant 0 : i32
          %dma_wait3A_89 = tpu.memref_slice %arg8[%scan3A_81, %dma_wait3A_88] : memref<40x125xi32, #tpu.memory_space<vmem>> -> memref<1x125xi32, #tpu.memory_space<vmem>>
          %dma_wait3A_90 = tpu.memref_squeeze %dma_wait3A_89 : memref<1x125xi32, #tpu.memory_space<vmem>> -> memref<125xi32, #tpu.memory_space<vmem>>
          %dma_wait3A_91 = arith.constant 0 : i32
          %dma_wait3A_92 = arith.constant 0 : i32
          %dma_wait3A_93 = tpu.memref_slice %arg3[%dma_wait3A_91, %dma_wait3A_92] : memref<10000x128xf32, #tpu.memory_space<hbm>> -> memref<10000x128xf32, #tpu.memory_space<hbm>>
          tpu.wait_indirect_dma semaphore(%arg12 : memref<!tpu.dma_semaphore, #tpu.memory_space<semaphore_mem>>) src(%dma_wait3A_93 : memref<10000x128xf32, #tpu.memory_space<hbm>>) dst(%dma_wait3A_87 : memref<125x128xf32, #tpu.memory_space<vmem>>)
          %dma_start3A_94 = arith.constant 0 : i32
          %dma_start3A_95 = arith.constant 0 : i32
          %dma_start3A_96 = tpu.memref_slice %arg10[%rem3A_83, %dma_start3A_94, %dma_start3A_95] : memref<2x125x128xf32, #tpu.memory_space<vmem>> -> memref<1x125x128xf32, #tpu.memory_space<vmem>>
          %dma_start3A_97 = tpu.memref_squeeze %dma_start3A_96 : memref<1x125x128xf32, #tpu.memory_space<vmem>> -> memref<125x128xf32, #tpu.memory_space<vmem>>
          %dma_start3A_98 = arith.constant 0 : i32
          %dma_start3A_99 = tpu.memref_slice %arg9[%scan3A_81, %dma_start3A_98] : memref<40x125xi32, #tpu.memory_space<vmem>> -> memref<1x125xi32, #tpu.memory_space<vmem>>
          %dma_start3A_100 = tpu.memref_squeeze %dma_start3A_99 : memref<1x125xi32, #tpu.memory_space<vmem>> -> memref<125xi32, #tpu.memory_space<vmem>>
          %dma_start3A_101 = arith.constant 0 : i32
          %dma_start3A_102 = arith.constant 0 : i32
          %dma_start3A_103 = tpu.memref_slice %arg11[%dma_start3A_101, %dma_start3A_102] : memref<10000x128xf32, #tpu.memory_space<vmem_shared>> -> memref<10000x128xf32, #tpu.memory_space<vmem_shared>>
          tpu.enqueue_indirect_dma source(%dma_start3A_97 : memref<125x128xf32, #tpu.memory_space<vmem>>) target(%dma_start3A_103 : memref<10000x128xf32, #tpu.memory_space<vmem_shared>>) offsets(%dma_start3A_100 : memref<125xi32, #tpu.memory_space<vmem>>) semaphore(%arg13 : memref<!tpu.dma_semaphore, #tpu.memory_space<semaphore_mem>>) {add = true}
          %add3A_104 = arith.constant 1 : i32
          %add3A_105 = arith.addi %scan3A_81, %add3A_104 : i32
          %lt3A = arith.constant 40 : i32
          %lt3A_106 = arith.cmpi slt, %add3A_105, %lt3A : i32
          %convert_element_type3A_107 = arith.extui %lt3A_106 : i1 to i32
          %cond3A_108 = arith.constant 0 : i32
          %cond3A_109 = arith.cmpi ne, %convert_element_type3A_107, %cond3A_108 : i32
          scf.if %cond3A_109 {
            %ge3A = arith.constant 1 : i32
            %ge3A_111 = arith.cmpi sge, %scan3A_81, %ge3A : i32
            %convert_element_type3A_112 = arith.extui %ge3A_111 : i1 to i32
            %cond3A_113 = arith.constant 0 : i32
            %cond3A_114 = arith.cmpi ne, %convert_element_type3A_112, %cond3A_113 : i32
            scf.if %cond3A_114 {
              %sub3A_128 = arith.constant 1 : i32
              %sub3A_129 = arith.subi %sub3A_128, %rem3A_83 : i32
              %sub3A_130 = arith.constant 1 : i32
              %sub3A_131 = arith.subi %scan3A_81, %sub3A_130 : i32
              %dma_wait3A_132 = arith.constant 0 : i32
              %dma_wait3A_133 = arith.constant 0 : i32
              %dma_wait3A_134 = tpu.memref_slice %arg10[%sub3A_129, %dma_wait3A_132, %dma_wait3A_133] : memref<2x125x128xf32, #tpu.memory_space<vmem>> -> memref<1x125x128xf32, #tpu.memory_space<vmem>>
              %dma_wait3A_135 = tpu.memref_squeeze %dma_wait3A_134 : memref<1x125x128xf32, #tpu.memory_space<vmem>> -> memref<125x128xf32, #tpu.memory_space<vmem>>
              %dma_wait3A_136 = arith.constant 0 : i32
              %dma_wait3A_137 = tpu.memref_slice %arg9[%sub3A_131, %dma_wait3A_136] : memref<40x125xi32, #tpu.memory_space<vmem>> -> memref<1x125xi32, #tpu.memory_space<vmem>>
              %dma_wait3A_138 = tpu.memref_squeeze %dma_wait3A_137 : memref<1x125xi32, #tpu.memory_space<vmem>> -> memref<125xi32, #tpu.memory_space<vmem>>
              %dma_wait3A_139 = arith.constant 0 : i32
              %dma_wait3A_140 = arith.constant 0 : i32
              %dma_wait3A_141 = tpu.memref_slice %arg11[%dma_wait3A_139, %dma_wait3A_140] : memref<10000x128xf32, #tpu.memory_space<vmem_shared>> -> memref<10000x128xf32, #tpu.memory_space<vmem_shared>>
              tpu.wait_indirect_dma semaphore(%arg13 : memref<!tpu.dma_semaphore, #tpu.memory_space<semaphore_mem>>) src(%dma_wait3A_135 : memref<125x128xf32, #tpu.memory_space<vmem>>) dst(%dma_wait3A_141 : memref<10000x128xf32, #tpu.memory_space<vmem_shared>>)
            } else {
            }
            %add3A_115 = arith.constant 1 : i32
            %add3A_116 = arith.addi %scan3A_81, %add3A_115 : i32
            %sub3A = arith.constant 1 : i32
            %sub3A_117 = arith.subi %sub3A, %rem3A_83 : i32
            %dma_start3A_118 = arith.constant 0 : i32
            %dma_start3A_119 = arith.constant 0 : i32
            %dma_start3A_120 = tpu.memref_slice %arg10[%sub3A_117, %dma_start3A_118, %dma_start3A_119] : memref<2x125x128xf32, #tpu.memory_space<vmem>> -> memref<1x125x128xf32, #tpu.memory_space<vmem>>
            %dma_start3A_121 = tpu.memref_squeeze %dma_start3A_120 : memref<1x125x128xf32, #tpu.memory_space<vmem>> -> memref<125x128xf32, #tpu.memory_space<vmem>>
            %dma_start3A_122 = arith.constant 0 : i32
            %dma_start3A_123 = tpu.memref_slice %arg8[%add3A_116, %dma_start3A_122] : memref<40x125xi32, #tpu.memory_space<vmem>> -> memref<1x125xi32, #tpu.memory_space<vmem>>
            %dma_start3A_124 = tpu.memref_squeeze %dma_start3A_123 : memref<1x125xi32, #tpu.memory_space<vmem>> -> memref<125xi32, #tpu.memory_space<vmem>>
            %dma_start3A_125 = arith.constant 0 : i32
            %dma_start3A_126 = arith.constant 0 : i32
            %dma_start3A_127 = tpu.memref_slice %arg3[%dma_start3A_125, %dma_start3A_126] : memref<10000x128xf32, #tpu.memory_space<hbm>> -> memref<10000x128xf32, #tpu.memory_space<hbm>>
            tpu.enqueue_indirect_dma source(%dma_start3A_127 : memref<10000x128xf32, #tpu.memory_space<hbm>>) target(%dma_start3A_121 : memref<125x128xf32, #tpu.memory_space<vmem>>) offsets(%dma_start3A_124 : memref<125xi32, #tpu.memory_space<vmem>>) semaphore(%arg12 : memref<!tpu.dma_semaphore, #tpu.memory_space<semaphore_mem>>)
          } else {
          }
          %scan3A_110 = arith.constant 0 : i32
          scf.yield %scan3A_110 : i32
        }
        %scan3A_56 = arith.constant 40 : i32
        %dma_wait3A = arith.constant 0 : i32
        %dma_wait3A_57 = arith.constant 38 : i32
        %dma_wait3A_58 = arith.constant 0 : i32
        %dma_wait3A_59 = arith.constant 0 : i32
        %dma_wait3A_60 = tpu.memref_slice %arg10[%dma_wait3A, %dma_wait3A_58, %dma_wait3A_59] : memref<2x125x128xf32, #tpu.memory_space<vmem>> -> memref<1x125x128xf32, #tpu.memory_space<vmem>>
        %dma_wait3A_61 = tpu.memref_squeeze %dma_wait3A_60 : memref<1x125x128xf32, #tpu.memory_space<vmem>> -> memref<125x128xf32, #tpu.memory_space<vmem>>
        %dma_wait3A_62 = arith.constant 0 : i32
        %dma_wait3A_63 = tpu.memref_slice %arg9[%dma_wait3A_57, %dma_wait3A_62] : memref<40x125xi32, #tpu.memory_space<vmem>> -> memref<1x125xi32, #tpu.memory_space<vmem>>
        %dma_wait3A_64 = tpu.memref_squeeze %dma_wait3A_63 : memref<1x125xi32, #tpu.memory_space<vmem>> -> memref<125xi32, #tpu.memory_space<vmem>>
        %dma_wait3A_65 = arith.constant 0 : i32
        %dma_wait3A_66 = arith.constant 0 : i32
        %dma_wait3A_67 = tpu.memref_slice %arg11[%dma_wait3A_65, %dma_wait3A_66] : memref<10000x128xf32, #tpu.memory_space<vmem_shared>> -> memref<10000x128xf32, #tpu.memory_space<vmem_shared>>
        tpu.wait_indirect_dma semaphore(%arg13 : memref<!tpu.dma_semaphore, #tpu.memory_space<semaphore_mem>>) src(%dma_wait3A_61 : memref<125x128xf32, #tpu.memory_space<vmem>>) dst(%dma_wait3A_67 : memref<10000x128xf32, #tpu.memory_space<vmem_shared>>)
        %dma_wait3A_68 = arith.constant 1 : i32
        %dma_wait3A_69 = arith.constant 39 : i32
        %dma_wait3A_70 = arith.constant 0 : i32
        %dma_wait3A_71 = arith.constant 0 : i32
        %dma_wait3A_72 = tpu.memref_slice %arg10[%dma_wait3A_68, %dma_wait3A_70, %dma_wait3A_71] : memref<2x125x128xf32, #tpu.memory_space<vmem>> -> memref<1x125x128xf32, #tpu.memory_space<vmem>>
        %dma_wait3A_73 = tpu.memref_squeeze %dma_wait3A_72 : memref<1x125x128xf32, #tpu.memory_space<vmem>> -> memref<125x128xf32, #tpu.memory_space<vmem>>
        %dma_wait3A_74 = arith.constant 0 : i32
        %dma_wait3A_75 = tpu.memref_slice %arg9[%dma_wait3A_69, %dma_wait3A_74] : memref<40x125xi32, #tpu.memory_space<vmem>> -> memref<1x125xi32, #tpu.memory_space<vmem>>
        %dma_wait3A_76 = tpu.memref_squeeze %dma_wait3A_75 : memref<1x125xi32, #tpu.memory_space<vmem>> -> memref<125xi32, #tpu.memory_space<vmem>>
        %dma_wait3A_77 = arith.constant 0 : i32
        %dma_wait3A_78 = arith.constant 0 : i32
        %dma_wait3A_79 = tpu.memref_slice %arg11[%dma_wait3A_77, %dma_wait3A_78] : memref<10000x128xf32, #tpu.memory_space<vmem_shared>> -> memref<10000x128xf32, #tpu.memory_space<vmem_shared>>
        tpu.wait_indirect_dma semaphore(%arg13 : memref<!tpu.dma_semaphore, #tpu.memory_space<semaphore_mem>>) src(%dma_wait3A_73 : memref<125x128xf32, #tpu.memory_space<vmem>>) dst(%dma_wait3A_79 : memref<10000x128xf32, #tpu.memory_space<vmem_shared>>)
        %scan3A_80 = arith.constant 0 : i32
        scf.yield %scan3A_80 : i32
      }
      %scan3A_33 = arith.constant 4 : i32
    } else {
    }
    %barrier3A_17 = arith.constant 0 : index
    tpu.barrier barrier_id(%barrier3A_17)
    %eq3A_18 = arith.constant 0 : i32
    %eq3A_19 = arith.cmpi eq, %arg0, %eq3A_18 : i32
    %convert_element_type3A_20 = arith.extui %eq3A_19 : i1 to i32
    %cond3A_21 = arith.constant 0 : i32
    %cond3A_22 = arith.cmpi ne, %convert_element_type3A_20, %cond3A_21 : i32
    scf.if %cond3A_22 {
      %mul3A = arith.constant 640 : i32
      %mul3A_28 = arith.muli %arg1, %mul3A : i32
      %multiple_of3A = tpu.assume_multiple %mul3A_28, 8 : i32
      %lt3A = arith.constant 15 : i32
      %lt3A_29 = arith.cmpi slt, %arg1, %lt3A : i32
      %convert_element_type3A_30 = arith.extui %lt3A_29 : i1 to i32
      %cond3A_31 = arith.constant 0 : i32
      %cond3A_32 = arith.cmpi ne, %convert_element_type3A_30, %cond3A_31 : i32
      scf.if %cond3A_32 {
        "tpu.region"() ({
          %run_scoped3A = tpu.sem_alloc : memref<!tpu.dma_semaphore, #tpu.memory_space<semaphore_mem>>
          %dma_start3A = arith.constant 0 : i32
          %dma_start3A_38 = tpu.memref_slice %arg6[%multiple_of3A, %dma_start3A] : memref<10000x128xf32, #tpu.memory_space<hbm>> -> memref<640x128xf32, #tpu.memory_space<hbm>>
          %dma_start3A_39 = arith.constant 0 : i32
          %dma_start3A_40 = tpu.memref_slice %arg11[%multiple_of3A, %dma_start3A_39] : memref<10000x128xf32, #tpu.memory_space<vmem_shared>> -> memref<640x128xf32, #tpu.memory_space<vmem_shared>>
          tpu.enqueue_dma source(%dma_start3A_40 : memref<640x128xf32, #tpu.memory_space<vmem_shared>>) target(%dma_start3A_38 : memref<640x128xf32, #tpu.memory_space<hbm>>) target_semaphore(%run_scoped3A : memref<!tpu.dma_semaphore, #tpu.memory_space<semaphore_mem>>)
          %dma_wait3A = arith.constant 0 : i32
          %dma_wait3A_41 = tpu.memref_slice %arg6[%multiple_of3A, %dma_wait3A] : memref<10000x128xf32, #tpu.memory_space<hbm>> -> memref<640x128xf32, #tpu.memory_space<hbm>>
          %dma_wait3A_42 = arith.constant 0 : i32
          %dma_wait3A_43 = tpu.memref_slice %arg11[%multiple_of3A, %dma_wait3A_42] : memref<10000x128xf32, #tpu.memory_space<vmem_shared>> -> memref<640x128xf32, #tpu.memory_space<vmem_shared>>
          tpu.wait_dma2 semaphore(%run_scoped3A : memref<!tpu.dma_semaphore, #tpu.memory_space<semaphore_mem>>) src(%dma_wait3A_43 : memref<640x128xf32, #tpu.memory_space<vmem_shared>>) dst(%dma_wait3A_41 : memref<640x128xf32, #tpu.memory_space<hbm>>)
          tpu.yield
        }) : () -> ()
      } else {
      }
      %eq3A_33 = arith.constant 15 : i32
      %eq3A_34 = arith.cmpi eq, %arg1, %eq3A_33 : i32
      %convert_element_type3A_35 = arith.extui %eq3A_34 : i1 to i32
      %cond3A_36 = arith.constant 0 : i32
      %cond3A_37 = arith.cmpi ne, %convert_element_type3A_35, %cond3A_36 : i32
      scf.if %cond3A_37 {
        "tpu.region"() ({
          %run_scoped3A = tpu.sem_alloc : memref<!tpu.dma_semaphore, #tpu.memory_space<semaphore_mem>>
          %dma_start3A = arith.constant 9600 : i32
          %dma_start3A_38 = arith.constant 0 : i32
          %dma_start3A_39 = tpu.memref_slice %arg6[%dma_start3A, %dma_start3A_38] : memref<10000x128xf32, #tpu.memory_space<hbm>> -> memref<400x128xf32, #tpu.memory_space<hbm>>
          %dma_start3A_40 = arith.constant 9600 : i32
          %dma_start3A_41 = arith.constant 0 : i32
          %dma_start3A_42 = tpu.memref_slice %arg11[%dma_start3A_40, %dma_start3A_41] : memref<10000x128xf32, #tpu.memory_space<vmem_shared>> -> memref<400x128xf32, #tpu.memory_space<vmem_shared>>
          tpu.enqueue_dma source(%dma_start3A_42 : memref<400x128xf32, #tpu.memory_space<vmem_shared>>) target(%dma_start3A_39 : memref<400x128xf32, #tpu.memory_space<hbm>>) target_semaphore(%run_scoped3A : memref<!tpu.dma_semaphore, #tpu.memory_space<semaphore_mem>>)
          %dma_wait3A = arith.constant 9600 : i32
          %dma_wait3A_43 = arith.constant 0 : i32
          %dma_wait3A_44 = tpu.memref_slice %arg6[%dma_wait3A, %dma_wait3A_43] : memref<10000x128xf32, #tpu.memory_space<hbm>> -> memref<400x128xf32, #tpu.memory_space<hbm>>
          %dma_wait3A_45 = arith.constant 9600 : i32
          %dma_wait3A_46 = arith.constant 0 : i32
          %dma_wait3A_47 = tpu.memref_slice %arg11[%dma_wait3A_45, %dma_wait3A_46] : memref<10000x128xf32, #tpu.memory_space<vmem_shared>> -> memref<400x128xf32, #tpu.memory_space<vmem_shared>>
          tpu.wait_dma2 semaphore(%run_scoped3A : memref<!tpu.dma_semaphore, #tpu.memory_space<semaphore_mem>>) src(%dma_wait3A_47 : memref<400x128xf32, #tpu.memory_space<vmem_shared>>) dst(%dma_wait3A_44 : memref<400x128xf32, #tpu.memory_space<hbm>>)
          tpu.yield
        }) : () -> ()
      } else {
      }
    } else {
    }
    %eq3A_23 = arith.constant 1 : i32
    %eq3A_24 = arith.cmpi eq, %arg0, %eq3A_23 : i32
    %convert_element_type3A_25 = arith.extui %eq3A_24 : i1 to i32
    %cond3A_26 = arith.constant 0 : i32
    %cond3A_27 = arith.cmpi ne, %convert_element_type3A_25, %cond3A_26 : i32
    scf.if %cond3A_27 {
      %mul3A = arith.constant 640 : i32
      %mul3A_28 = arith.muli %arg1, %mul3A : i32
      %multiple_of3A = tpu.assume_multiple %mul3A_28, 8 : i32
      %lt3A = arith.constant 15 : i32
      %lt3A_29 = arith.cmpi slt, %arg1, %lt3A : i32
      %convert_element_type3A_30 = arith.extui %lt3A_29 : i1 to i32
      %cond3A_31 = arith.constant 0 : i32
      %cond3A_32 = arith.cmpi ne, %convert_element_type3A_30, %cond3A_31 : i32
      scf.if %cond3A_32 {
        "tpu.region"() ({
          %run_scoped3A = tpu.sem_alloc : memref<!tpu.dma_semaphore, #tpu.memory_space<semaphore_mem>>
          %dma_start3A = arith.constant 0 : i32
          %dma_start3A_38 = tpu.memref_slice %arg7[%multiple_of3A, %dma_start3A] : memref<10000x128xf32, #tpu.memory_space<hbm>> -> memref<640x128xf32, #tpu.memory_space<hbm>>
          %dma_start3A_39 = arith.constant 0 : i32
          %dma_start3A_40 = tpu.memref_slice %arg11[%multiple_of3A, %dma_start3A_39] : memref<10000x128xf32, #tpu.memory_space<vmem_shared>> -> memref<640x128xf32, #tpu.memory_space<vmem_shared>>
          tpu.enqueue_dma source(%dma_start3A_40 : memref<640x128xf32, #tpu.memory_space<vmem_shared>>) target(%dma_start3A_38 : memref<640x128xf32, #tpu.memory_space<hbm>>) target_semaphore(%run_scoped3A : memref<!tpu.dma_semaphore, #tpu.memory_space<semaphore_mem>>)
          %dma_wait3A = arith.constant 0 : i32
          %dma_wait3A_41 = tpu.memref_slice %arg7[%multiple_of3A, %dma_wait3A] : memref<10000x128xf32, #tpu.memory_space<hbm>> -> memref<640x128xf32, #tpu.memory_space<hbm>>
          %dma_wait3A_42 = arith.constant 0 : i32
          %dma_wait3A_43 = tpu.memref_slice %arg11[%multiple_of3A, %dma_wait3A_42] : memref<10000x128xf32, #tpu.memory_space<vmem_shared>> -> memref<640x128xf32, #tpu.memory_space<vmem_shared>>
          tpu.wait_dma2 semaphore(%run_scoped3A : memref<!tpu.dma_semaphore, #tpu.memory_space<semaphore_mem>>) src(%dma_wait3A_43 : memref<640x128xf32, #tpu.memory_space<vmem_shared>>) dst(%dma_wait3A_41 : memref<640x128xf32, #tpu.memory_space<hbm>>)
          tpu.yield
        }) : () -> ()
      } else {
      }
      %eq3A_33 = arith.constant 15 : i32
      %eq3A_34 = arith.cmpi eq, %arg1, %eq3A_33 : i32
      %convert_element_type3A_35 = arith.extui %eq3A_34 : i1 to i32
      %cond3A_36 = arith.constant 0 : i32
      %cond3A_37 = arith.cmpi ne, %convert_element_type3A_35, %cond3A_36 : i32
      scf.if %cond3A_37 {
        "tpu.region"() ({
          %run_scoped3A = tpu.sem_alloc : memref<!tpu.dma_semaphore, #tpu.memory_space<semaphore_mem>>
          %dma_start3A = arith.constant 9600 : i32
          %dma_start3A_38 = arith.constant 0 : i32
          %dma_start3A_39 = tpu.memref_slice %arg7[%dma_start3A, %dma_start3A_38] : memref<10000x128xf32, #tpu.memory_space<hbm>> -> memref<400x128xf32, #tpu.memory_space<hbm>>
          %dma_start3A_40 = arith.constant 9600 : i32
          %dma_start3A_41 = arith.constant 0 : i32
          %dma_start3A_42 = tpu.memref_slice %arg11[%dma_start3A_40, %dma_start3A_41] : memref<10000x128xf32, #tpu.memory_space<vmem_shared>> -> memref<400x128xf32, #tpu.memory_space<vmem_shared>>
          tpu.enqueue_dma source(%dma_start3A_42 : memref<400x128xf32, #tpu.memory_space<vmem_shared>>) target(%dma_start3A_39 : memref<400x128xf32, #tpu.memory_space<hbm>>) target_semaphore(%run_scoped3A : memref<!tpu.dma_semaphore, #tpu.memory_space<semaphore_mem>>)
          %dma_wait3A = arith.constant 9600 : i32
          %dma_wait3A_43 = arith.constant 0 : i32
          %dma_wait3A_44 = tpu.memref_slice %arg7[%dma_wait3A, %dma_wait3A_43] : memref<10000x128xf32, #tpu.memory_space<hbm>> -> memref<400x128xf32, #tpu.memory_space<hbm>>
          %dma_wait3A_45 = arith.constant 9600 : i32
          %dma_wait3A_46 = arith.constant 0 : i32
          %dma_wait3A_47 = tpu.memref_slice %arg11[%dma_wait3A_45, %dma_wait3A_46] : memref<10000x128xf32, #tpu.memory_space<vmem_shared>> -> memref<400x128xf32, #tpu.memory_space<vmem_shared>>
          tpu.wait_dma2 semaphore(%run_scoped3A : memref<!tpu.dma_semaphore, #tpu.memory_space<semaphore_mem>>) src(%dma_wait3A_47 : memref<400x128xf32, #tpu.memory_space<vmem_shared>>) dst(%dma_wait3A_44 : memref<400x128xf32, #tpu.memory_space<hbm>>)
          tpu.yield
        }) : () -> ()
      } else {
      }
    } else {
    }
    return
  }
}

#map = affine_map<(d0, d1) -> (0)>
module attributes {stable_mosaic.version = 14 : i64} {
  func.func @_deg_body(%arg0: i32, %arg1: i32, %arg2: memref<320000xi32, #tpu.memory_space<hbm>>, %arg3: memref<10240xf32, #tpu.memory_space<hbm>>, %arg4: memref<10240xf32, #tpu.memory_space<hbm>>, %arg5: memref<640xf32, #tpu.memory_space<vmem>>, %arg6: memref<128xf32, #tpu.memory_space<vmem>>, %arg7: memref<128xi32, #tpu.memory_space<vmem>>, %arg8: memref<16xf32, #tpu.memory_space<vmem>>, %arg9: memref<16xi32, #tpu.memory_space<vmem>>, %arg10: memref<10240xf32, #tpu.memory_space<vmem_shared>>) attributes {dimension_semantics = [#tpu.dimension_semantics<core_parallel>, #tpu.dimension_semantics<subcore_parallel>], iteration_bounds = array<i64: 2, 16>, scalar_prefetch = 0 : i64, scratch_operands = 6 : i64, tpu.core_type = #tpu.core_type<sc_vector_subcore>, window_params = [{transform_indices = #map}, {transform_indices = #map}, {transform_indices = #map}]} {
    %scan3A = arith.constant 0 : i32
    %scan3A_0 = arith.constant 0 : i32
    %scan3A_1 = arith.constant 40 : i32
    %scan3A_2 = arith.addi %scan3A_0, %scan3A_1 : i32
    %scan3A_3 = arith.constant 1 : i32
    %scan3A_4 = scf.for %scan3A_45 = %scan3A_0 to %scan3A_2 step %scan3A_3 iter_args(%scan3A_46 = %scan3A) -> (i32)  : i32 {
      %broadcast_in_dim3A_47 = arith.constant 0.000000e+00 : f32
      %broadcast_in_dim3A_48 = vector.broadcast %broadcast_in_dim3A_47 : f32 to vector<16xf32>
      %mul3A_49 = arith.constant 16 : i32
      %mul3A_50 = arith.muli %scan3A_45, %mul3A_49 : i32
      %swap3A_51 = arith.index_cast %mul3A_50 : i32 to index
      %swap3A_52 = tpu.vector_load %arg5[%swap3A_51] {strides = array<i32>} : memref<640xf32, #tpu.memory_space<vmem>>, vector<16xf32>,
      %swap3A_53 = vector.shape_cast %swap3A_52 : vector<16xf32> to vector<16xf32>
      %swap3A_54 = vector.shape_cast %broadcast_in_dim3A_48 : vector<16xf32> to vector<16xf32>
      tpu.vector_store %arg5[%swap3A_51], %swap3A_54 {strides = array<i32>} : memref<640xf32, #tpu.memory_space<vmem>>, vector<16xf32>,
      %scan3A_55 = arith.constant 0 : i32
      scf.yield %scan3A_55 : i32
    }
    %scan3A_5 = arith.constant 40 : i32
    %scan3A_6 = arith.constant 0 : i32
    %scan3A_7 = arith.constant 0 : i32
    %scan3A_8 = arith.constant 8 : i32
    %scan3A_9 = arith.addi %scan3A_7, %scan3A_8 : i32
    %scan3A_10 = arith.constant 1 : i32
    %scan3A_11 = scf.for %scan3A_45 = %scan3A_7 to %scan3A_9 step %scan3A_10 iter_args(%scan3A_46 = %scan3A_6) -> (i32)  : i32 {
      %broadcast_in_dim3A_47 = arith.constant 1.000000e+00 : f32
      %broadcast_in_dim3A_48 = vector.broadcast %broadcast_in_dim3A_47 : f32 to vector<16xf32>
      %mul3A_49 = arith.constant 16 : i32
      %mul3A_50 = arith.muli %scan3A_45, %mul3A_49 : i32
      %swap3A_51 = arith.index_cast %mul3A_50 : i32 to index
      %swap3A_52 = tpu.vector_load %arg6[%swap3A_51] {strides = array<i32>} : memref<128xf32, #tpu.memory_space<vmem>>, vector<16xf32>,
      %swap3A_53 = vector.shape_cast %swap3A_52 : vector<16xf32> to vector<16xf32>
      %swap3A_54 = vector.shape_cast %broadcast_in_dim3A_48 : vector<16xf32> to vector<16xf32>
      tpu.vector_store %arg6[%swap3A_51], %swap3A_54 {strides = array<i32>} : memref<128xf32, #tpu.memory_space<vmem>>, vector<16xf32>,
      %scan3A_55 = arith.constant 0 : i32
      scf.yield %scan3A_55 : i32
    }
    %scan3A_12 = arith.constant 8 : i32
    %broadcast_in_dim3A = arith.constant 1.000000e+00 : f32
    %broadcast_in_dim3A_13 = vector.broadcast %broadcast_in_dim3A : f32 to vector<16xf32>
    %swap3A = arith.constant 0 : index
    %swap3A_14 = tpu.vector_load %arg8[%swap3A] {strides = array<i32>} : memref<16xf32, #tpu.memory_space<vmem>>, vector<16xf32>,
    %swap3A_15 = vector.shape_cast %swap3A_14 : vector<16xf32> to vector<16xf32>
    %swap3A_16 = vector.shape_cast %broadcast_in_dim3A_13 : vector<16xf32> to vector<16xf32>
    tpu.vector_store %arg8[%swap3A], %swap3A_16 {strides = array<i32>} : memref<16xf32, #tpu.memory_space<vmem>>, vector<16xf32>,
    %mul3A = arith.constant 640 : i32
    %mul3A_17 = arith.muli %arg1, %mul3A : i32
    %multiple_of3A = tpu.assume_multiple %mul3A_17, 8 : i32
    "tpu.region"() ({
      %run_scoped3A = tpu.sem_alloc : memref<!tpu.dma_semaphore, #tpu.memory_space<semaphore_mem>>
      %dma_start3A = tpu.memref_slice %arg10[%multiple_of3A] : memref<10240xf32, #tpu.memory_space<vmem_shared>> -> memref<640xf32, #tpu.memory_space<vmem_shared>>
      %dma_start3A_45 = tpu.memref_slice %arg10[%multiple_of3A] : memref<10240xf32, #tpu.memory_space<vmem_shared>> -> memref<640xf32, #tpu.memory_space<vmem_shared>>
      tpu.enqueue_dma source(%arg5 : memref<640xf32, #tpu.memory_space<vmem>>) target(%dma_start3A_45 : memref<640xf32, #tpu.memory_space<vmem_shared>>) target_semaphore(%run_scoped3A : memref<!tpu.dma_semaphore, #tpu.memory_space<semaphore_mem>>)
      %dma_wait3A = tpu.memref_slice %arg10[%multiple_of3A] : memref<10240xf32, #tpu.memory_space<vmem_shared>> -> memref<640xf32, #tpu.memory_space<vmem_shared>>
      %dma_wait3A_46 = tpu.memref_slice %arg10[%multiple_of3A] : memref<10240xf32, #tpu.memory_space<vmem_shared>> -> memref<640xf32, #tpu.memory_space<vmem_shared>>
      tpu.wait_dma2 semaphore(%run_scoped3A : memref<!tpu.dma_semaphore, #tpu.memory_space<semaphore_mem>>) src(%arg5 : memref<640xf32, #tpu.memory_space<vmem>>) dst(%dma_wait3A_46 : memref<640xf32, #tpu.memory_space<vmem_shared>>)
      tpu.yield
    }) : () -> ()
    %barrier3A = arith.constant 0 : index
    tpu.barrier barrier_id(%barrier3A)
    %mul3A_18 = arith.constant 16 : i32
    %mul3A_19 = arith.muli %arg0, %mul3A_18 : i32
    %add3A = arith.addi %mul3A_19, %arg1 : i32
    %mul3A_20 = arith.constant 10000 : i32
    %mul3A_21 = arith.muli %add3A, %mul3A_20 : i32
    %scan3A_22 = arith.constant 0 : i32
    %scan3A_23 = arith.constant 0 : i32
    %scan3A_24 = arith.constant 78 : i32
    %scan3A_25 = arith.addi %scan3A_23, %scan3A_24 : i32
    %scan3A_26 = arith.constant 1 : i32
    %scan3A_27 = scf.for %scan3A_45 = %scan3A_23 to %scan3A_25 step %scan3A_26 iter_args(%scan3A_46 = %scan3A_22) -> (i32)  : i32 {
      %mul3A_47 = arith.constant 128 : i32
      %mul3A_48 = arith.muli %scan3A_45, %mul3A_47 : i32
      %add3A_49 = arith.addi %mul3A_21, %mul3A_48 : i32
      %multiple_of3A_50 = tpu.assume_multiple %add3A_49, 8 : i32
      "tpu.region"() ({
        %run_scoped3A = tpu.sem_alloc : memref<!tpu.dma_semaphore, #tpu.memory_space<semaphore_mem>>
        %dma_start3A = tpu.memref_slice %arg2[%multiple_of3A_50] : memref<320000xi32, #tpu.memory_space<hbm>> -> memref<128xi32, #tpu.memory_space<hbm>>
        %dma_start3A_52 = tpu.memref_slice %arg2[%multiple_of3A_50] : memref<320000xi32, #tpu.memory_space<hbm>> -> memref<128xi32, #tpu.memory_space<hbm>>
        tpu.enqueue_dma source(%dma_start3A_52 : memref<128xi32, #tpu.memory_space<hbm>>) target(%arg7 : memref<128xi32, #tpu.memory_space<vmem>>) target_semaphore(%run_scoped3A : memref<!tpu.dma_semaphore, #tpu.memory_space<semaphore_mem>>)
        %dma_wait3A = tpu.memref_slice %arg2[%multiple_of3A_50] : memref<320000xi32, #tpu.memory_space<hbm>> -> memref<128xi32, #tpu.memory_space<hbm>>
        %dma_wait3A_53 = tpu.memref_slice %arg2[%multiple_of3A_50] : memref<320000xi32, #tpu.memory_space<hbm>> -> memref<128xi32, #tpu.memory_space<hbm>>
        tpu.wait_dma2 semaphore(%run_scoped3A : memref<!tpu.dma_semaphore, #tpu.memory_space<semaphore_mem>>) src(%dma_wait3A_53 : memref<128xi32, #tpu.memory_space<hbm>>) dst(%arg7 : memref<128xi32, #tpu.memory_space<vmem>>)
        tpu.yield
      }) : () -> ()
      "tpu.region"() ({
        %run_scoped3A = tpu.sem_alloc : memref<!tpu.dma_semaphore, #tpu.memory_space<semaphore_mem>>
        %dma_start3A = arith.constant 0 : i32
        %dma_start3A_52 = tpu.memref_slice %arg10[%dma_start3A] : memref<10240xf32, #tpu.memory_space<vmem_shared>> -> memref<10240xf32, #tpu.memory_space<vmem_shared>>
        tpu.enqueue_indirect_dma source(%arg6 : memref<128xf32, #tpu.memory_space<vmem>>) target(%dma_start3A_52 : memref<10240xf32, #tpu.memory_space<vmem_shared>>) offsets(%arg7 : memref<128xi32, #tpu.memory_space<vmem>>) semaphore(%run_scoped3A : memref<!tpu.dma_semaphore, #tpu.memory_space<semaphore_mem>>) {add = true}
        %dma_wait3A = arith.constant 0 : i32
        %dma_wait3A_53 = tpu.memref_slice %arg10[%dma_wait3A] : memref<10240xf32, #tpu.memory_space<vmem_shared>> -> memref<10240xf32, #tpu.memory_space<vmem_shared>>
        tpu.wait_indirect_dma semaphore(%run_scoped3A : memref<!tpu.dma_semaphore, #tpu.memory_space<semaphore_mem>>) src(%arg6 : memref<128xf32, #tpu.memory_space<vmem>>) dst(%dma_wait3A_53 : memref<10240xf32, #tpu.memory_space<vmem_shared>>)
        tpu.yield
      }) : () -> ()
      %scan3A_51 = arith.constant 0 : i32
      scf.yield %scan3A_51 : i32
    }
    %scan3A_28 = arith.constant 78 : i32
    %add3A_29 = arith.constant 9984 : i32
    %add3A_30 = arith.addi %mul3A_21, %add3A_29 : i32
    %multiple_of3A_31 = tpu.assume_multiple %add3A_30, 8 : i32
    "tpu.region"() ({
      %run_scoped3A = tpu.sem_alloc : memref<!tpu.dma_semaphore, #tpu.memory_space<semaphore_mem>>
      %dma_start3A = tpu.memref_slice %arg2[%multiple_of3A_31] : memref<320000xi32, #tpu.memory_space<hbm>> -> memref<16xi32, #tpu.memory_space<hbm>>
      %dma_start3A_45 = tpu.memref_slice %arg2[%multiple_of3A_31] : memref<320000xi32, #tpu.memory_space<hbm>> -> memref<16xi32, #tpu.memory_space<hbm>>
      tpu.enqueue_dma source(%dma_start3A_45 : memref<16xi32, #tpu.memory_space<hbm>>) target(%arg9 : memref<16xi32, #tpu.memory_space<vmem>>) target_semaphore(%run_scoped3A : memref<!tpu.dma_semaphore, #tpu.memory_space<semaphore_mem>>)
      %dma_wait3A = tpu.memref_slice %arg2[%multiple_of3A_31] : memref<320000xi32, #tpu.memory_space<hbm>> -> memref<16xi32, #tpu.memory_space<hbm>>
      %dma_wait3A_46 = tpu.memref_slice %arg2[%multiple_of3A_31] : memref<320000xi32, #tpu.memory_space<hbm>> -> memref<16xi32, #tpu.memory_space<hbm>>
      tpu.wait_dma2 semaphore(%run_scoped3A : memref<!tpu.dma_semaphore, #tpu.memory_space<semaphore_mem>>) src(%dma_wait3A_46 : memref<16xi32, #tpu.memory_space<hbm>>) dst(%arg9 : memref<16xi32, #tpu.memory_space<vmem>>)
      tpu.yield
    }) : () -> ()
    "tpu.region"() ({
      %run_scoped3A = tpu.sem_alloc : memref<!tpu.dma_semaphore, #tpu.memory_space<semaphore_mem>>
      %dma_start3A = arith.constant 0 : i32
      %dma_start3A_45 = tpu.memref_slice %arg10[%dma_start3A] : memref<10240xf32, #tpu.memory_space<vmem_shared>> -> memref<10240xf32, #tpu.memory_space<vmem_shared>>
      tpu.enqueue_indirect_dma source(%arg8 : memref<16xf32, #tpu.memory_space<vmem>>) target(%dma_start3A_45 : memref<10240xf32, #tpu.memory_space<vmem_shared>>) offsets(%arg9 : memref<16xi32, #tpu.memory_space<vmem>>) semaphore(%run_scoped3A : memref<!tpu.dma_semaphore, #tpu.memory_space<semaphore_mem>>) {add = true}
      %dma_wait3A = arith.constant 0 : i32
      %dma_wait3A_46 = tpu.memref_slice %arg10[%dma_wait3A] : memref<10240xf32, #tpu.memory_space<vmem_shared>> -> memref<10240xf32, #tpu.memory_space<vmem_shared>>
      tpu.wait_indirect_dma semaphore(%run_scoped3A : memref<!tpu.dma_semaphore, #tpu.memory_space<semaphore_mem>>) src(%arg8 : memref<16xf32, #tpu.memory_space<vmem>>) dst(%dma_wait3A_46 : memref<10240xf32, #tpu.memory_space<vmem_shared>>)
      tpu.yield
    }) : () -> ()
    %barrier3A_32 = arith.constant 0 : index
    tpu.barrier barrier_id(%barrier3A_32)
    %eq3A = arith.constant 0 : i32
    %eq3A_33 = arith.cmpi eq, %arg1, %eq3A : i32
    %eq3A_34 = arith.constant 0 : i32
    %eq3A_35 = arith.cmpi eq, %arg0, %eq3A_34 : i32
    %and3A = arith.andi %eq3A_33, %eq3A_35 : i1
    %convert_element_type3A = arith.extui %and3A : i1 to i32
    %cond3A = arith.constant 0 : i32
    %cond3A_36 = arith.cmpi ne, %convert_element_type3A, %cond3A : i32
    scf.if %cond3A_36 {
      "tpu.region"() ({
        %run_scoped3A = tpu.sem_alloc : memref<!tpu.dma_semaphore, #tpu.memory_space<semaphore_mem>>
        tpu.enqueue_dma source(%arg10 : memref<10240xf32, #tpu.memory_space<vmem_shared>>) target(%arg3 : memref<10240xf32, #tpu.memory_space<hbm>>) target_semaphore(%run_scoped3A : memref<!tpu.dma_semaphore, #tpu.memory_space<semaphore_mem>>)
        tpu.wait_dma2 semaphore(%run_scoped3A : memref<!tpu.dma_semaphore, #tpu.memory_space<semaphore_mem>>) src(%arg10 : memref<10240xf32, #tpu.memory_space<vmem_shared>>) dst(%arg3 : memref<10240xf32, #tpu.memory_space<hbm>>)
        tpu.yield
      }) : () -> ()
    } else {
    }
    %eq3A_37 = arith.constant 0 : i32
    %eq3A_38 = arith.cmpi eq, %arg1, %eq3A_37 : i32
    %eq3A_39 = arith.constant 1 : i32
    %eq3A_40 = arith.cmpi eq, %arg0, %eq3A_39 : i32
    %and3A_41 = arith.andi %eq3A_38, %eq3A_40 : i1
    %convert_element_type3A_42 = arith.extui %and3A_41 : i1 to i32
    %cond3A_43 = arith.constant 0 : i32
    %cond3A_44 = arith.cmpi ne, %convert_element_type3A_42, %cond3A_43 : i32
    scf.if %cond3A_44 {
      "tpu.region"() ({
        %run_scoped3A = tpu.sem_alloc : memref<!tpu.dma_semaphore, #tpu.memory_space<semaphore_mem>>
        tpu.enqueue_dma source(%arg10 : memref<10240xf32, #tpu.memory_space<vmem_shared>>) target(%arg4 : memref<10240xf32, #tpu.memory_space<hbm>>) target_semaphore(%run_scoped3A : memref<!tpu.dma_semaphore, #tpu.memory_space<semaphore_mem>>)
        tpu.wait_dma2 semaphore(%run_scoped3A : memref<!tpu.dma_semaphore, #tpu.memory_space<semaphore_mem>>) src(%arg10 : memref<10240xf32, #tpu.memory_space<vmem_shared>>) dst(%arg4 : memref<10240xf32, #tpu.memory_space<hbm>>)
        tpu.yield
      }) : () -> ()
    } else {
    }
    return
  }
}

#map = affine_map<(d0, d1) -> (0, 0)>
module attributes {stable_mosaic.version = 14 : i64} {
  func.func @_agg_body(%arg0: i32, %arg1: i32, %arg2: memref<10000x128xf32, #tpu.memory_space<hbm>>, %arg3: memref<10000x128xf32, #tpu.memory_space<hbm>>, %arg4: memref<2560x125xi32, #tpu.memory_space<hbm>>, %arg5: memref<2560x125xi32, #tpu.memory_space<hbm>>, %arg6: memref<10000x128xf32, #tpu.memory_space<hbm>>, %arg7: memref<10000x128xf32, #tpu.memory_space<hbm>>, %arg8: memref<40x125xi32, #tpu.memory_space<vmem>>, %arg9: memref<40x125xi32, #tpu.memory_space<vmem>>, %arg10: memref<2x125x128xf32, #tpu.memory_space<vmem>>, %arg11: memref<10000x128xf32, #tpu.memory_space<vmem_shared>>, %arg12: memref<!tpu.dma_semaphore, #tpu.memory_space<semaphore_mem>>, %arg13: memref<!tpu.dma_semaphore, #tpu.memory_space<semaphore_mem>>) attributes {dimension_semantics = [#tpu.dimension_semantics<core_parallel>, #tpu.dimension_semantics<subcore_parallel>], iteration_bounds = array<i64: 2, 16>, scalar_prefetch = 0 : i64, scratch_operands = 6 : i64, tpu.core_type = #tpu.core_type<sc_vector_subcore>, window_params = [{transform_indices = #map}, {transform_indices = #map}, {transform_indices = #map}, {transform_indices = #map}, {transform_indices = #map}, {transform_indices = #map}]} {
    %eq3A = arith.constant 0 : i32
    %eq3A_0 = arith.cmpi eq, %arg0, %eq3A : i32
    %convert_element_type3A = arith.extui %eq3A_0 : i1 to i32
    %cond3A = arith.constant 0 : i32
    %cond3A_1 = arith.cmpi ne, %convert_element_type3A, %cond3A : i32
    scf.if %cond3A_1 {
      %mul3A = arith.constant 640 : i32
      %mul3A_28 = arith.muli %arg1, %mul3A : i32
      %multiple_of3A = tpu.assume_multiple %mul3A_28, 8 : i32
      %lt3A = arith.constant 15 : i32
      %lt3A_29 = arith.cmpi slt, %arg1, %lt3A : i32
      %convert_element_type3A_30 = arith.extui %lt3A_29 : i1 to i32
      %cond3A_31 = arith.constant 0 : i32
      %cond3A_32 = arith.cmpi ne, %convert_element_type3A_30, %cond3A_31 : i32
      scf.if %cond3A_32 {
        "tpu.region"() ({
          %run_scoped3A = tpu.sem_alloc : memref<!tpu.dma_semaphore, #tpu.memory_space<semaphore_mem>>
          %dma_start3A = arith.constant 0 : i32
          %dma_start3A_38 = tpu.memref_slice %arg11[%multiple_of3A, %dma_start3A] : memref<10000x128xf32, #tpu.memory_space<vmem_shared>> -> memref<640x128xf32, #tpu.memory_space<vmem_shared>>
          %dma_start3A_39 = arith.constant 0 : i32
          %dma_start3A_40 = tpu.memref_slice %arg2[%multiple_of3A, %dma_start3A_39] : memref<10000x128xf32, #tpu.memory_space<hbm>> -> memref<640x128xf32, #tpu.memory_space<hbm>>
          tpu.enqueue_dma source(%dma_start3A_40 : memref<640x128xf32, #tpu.memory_space<hbm>>) target(%dma_start3A_38 : memref<640x128xf32, #tpu.memory_space<vmem_shared>>) target_semaphore(%run_scoped3A : memref<!tpu.dma_semaphore, #tpu.memory_space<semaphore_mem>>)
          %dma_wait3A = arith.constant 0 : i32
          %dma_wait3A_41 = tpu.memref_slice %arg11[%multiple_of3A, %dma_wait3A] : memref<10000x128xf32, #tpu.memory_space<vmem_shared>> -> memref<640x128xf32, #tpu.memory_space<vmem_shared>>
          %dma_wait3A_42 = arith.constant 0 : i32
          %dma_wait3A_43 = tpu.memref_slice %arg2[%multiple_of3A, %dma_wait3A_42] : memref<10000x128xf32, #tpu.memory_space<hbm>> -> memref<640x128xf32, #tpu.memory_space<hbm>>
          tpu.wait_dma2 semaphore(%run_scoped3A : memref<!tpu.dma_semaphore, #tpu.memory_space<semaphore_mem>>) src(%dma_wait3A_43 : memref<640x128xf32, #tpu.memory_space<hbm>>) dst(%dma_wait3A_41 : memref<640x128xf32, #tpu.memory_space<vmem_shared>>)
          tpu.yield
        }) : () -> ()
      } else {
      }
      %eq3A_33 = arith.constant 15 : i32
      %eq3A_34 = arith.cmpi eq, %arg1, %eq3A_33 : i32
      %convert_element_type3A_35 = arith.extui %eq3A_34 : i1 to i32
      %cond3A_36 = arith.constant 0 : i32
      %cond3A_37 = arith.cmpi ne, %convert_element_type3A_35, %cond3A_36 : i32
      scf.if %cond3A_37 {
        "tpu.region"() ({
          %run_scoped3A = tpu.sem_alloc : memref<!tpu.dma_semaphore, #tpu.memory_space<semaphore_mem>>
          %dma_start3A = arith.constant 9600 : i32
          %dma_start3A_38 = arith.constant 0 : i32
          %dma_start3A_39 = tpu.memref_slice %arg11[%dma_start3A, %dma_start3A_38] : memref<10000x128xf32, #tpu.memory_space<vmem_shared>> -> memref<400x128xf32, #tpu.memory_space<vmem_shared>>
          %dma_start3A_40 = arith.constant 9600 : i32
          %dma_start3A_41 = arith.constant 0 : i32
          %dma_start3A_42 = tpu.memref_slice %arg2[%dma_start3A_40, %dma_start3A_41] : memref<10000x128xf32, #tpu.memory_space<hbm>> -> memref<400x128xf32, #tpu.memory_space<hbm>>
          tpu.enqueue_dma source(%dma_start3A_42 : memref<400x128xf32, #tpu.memory_space<hbm>>) target(%dma_start3A_39 : memref<400x128xf32, #tpu.memory_space<vmem_shared>>) target_semaphore(%run_scoped3A : memref<!tpu.dma_semaphore, #tpu.memory_space<semaphore_mem>>)
          %dma_wait3A = arith.constant 9600 : i32
          %dma_wait3A_43 = arith.constant 0 : i32
          %dma_wait3A_44 = tpu.memref_slice %arg11[%dma_wait3A, %dma_wait3A_43] : memref<10000x128xf32, #tpu.memory_space<vmem_shared>> -> memref<400x128xf32, #tpu.memory_space<vmem_shared>>
          %dma_wait3A_45 = arith.constant 9600 : i32
          %dma_wait3A_46 = arith.constant 0 : i32
          %dma_wait3A_47 = tpu.memref_slice %arg2[%dma_wait3A_45, %dma_wait3A_46] : memref<10000x128xf32, #tpu.memory_space<hbm>> -> memref<400x128xf32, #tpu.memory_space<hbm>>
          tpu.wait_dma2 semaphore(%run_scoped3A : memref<!tpu.dma_semaphore, #tpu.memory_space<semaphore_mem>>) src(%dma_wait3A_47 : memref<400x128xf32, #tpu.memory_space<hbm>>) dst(%dma_wait3A_44 : memref<400x128xf32, #tpu.memory_space<vmem_shared>>)
          tpu.yield
        }) : () -> ()
      } else {
      }
    } else {
    }
    %eq3A_2 = arith.constant 1 : i32
    %eq3A_3 = arith.cmpi eq, %arg0, %eq3A_2 : i32
    %convert_element_type3A_4 = arith.extui %eq3A_3 : i1 to i32
    %cond3A_5 = arith.constant 0 : i32
    %cond3A_6 = arith.cmpi ne, %convert_element_type3A_4, %cond3A_5 : i32
    scf.if %cond3A_6 {
      %mul3A = arith.constant 640 : i32
      %mul3A_28 = arith.muli %arg1, %mul3A : i32
      %multiple_of3A = tpu.assume_multiple %mul3A_28, 8 : i32
      %lt3A = arith.constant 15 : i32
      %lt3A_29 = arith.cmpi slt, %arg1, %lt3A : i32
      %convert_element_type3A_30 = arith.extui %lt3A_29 : i1 to i32
      %cond3A_31 = arith.constant 0 : i32
      %cond3A_32 = arith.cmpi ne, %convert_element_type3A_30, %cond3A_31 : i32
      scf.if %cond3A_32 {
        "tpu.region"() ({
          %run_scoped3A = tpu.sem_alloc : memref<!tpu.dma_semaphore, #tpu.memory_space<semaphore_mem>>
          %dma_start3A = arith.constant 0 : i32
          %dma_start3A_38 = tpu.memref_slice %arg11[%multiple_of3A, %dma_start3A] : memref<10000x128xf32, #tpu.memory_space<vmem_shared>> -> memref<640x128xf32, #tpu.memory_space<vmem_shared>>
          %dma_start3A_39 = arith.constant 0 : i32
          %dma_start3A_40 = tpu.memref_slice %arg3[%multiple_of3A, %dma_start3A_39] : memref<10000x128xf32, #tpu.memory_space<hbm>> -> memref<640x128xf32, #tpu.memory_space<hbm>>
          tpu.enqueue_dma source(%dma_start3A_40 : memref<640x128xf32, #tpu.memory_space<hbm>>) target(%dma_start3A_38 : memref<640x128xf32, #tpu.memory_space<vmem_shared>>) target_semaphore(%run_scoped3A : memref<!tpu.dma_semaphore, #tpu.memory_space<semaphore_mem>>)
          %dma_wait3A = arith.constant 0 : i32
          %dma_wait3A_41 = tpu.memref_slice %arg11[%multiple_of3A, %dma_wait3A] : memref<10000x128xf32, #tpu.memory_space<vmem_shared>> -> memref<640x128xf32, #tpu.memory_space<vmem_shared>>
          %dma_wait3A_42 = arith.constant 0 : i32
          %dma_wait3A_43 = tpu.memref_slice %arg3[%multiple_of3A, %dma_wait3A_42] : memref<10000x128xf32, #tpu.memory_space<hbm>> -> memref<640x128xf32, #tpu.memory_space<hbm>>
          tpu.wait_dma2 semaphore(%run_scoped3A : memref<!tpu.dma_semaphore, #tpu.memory_space<semaphore_mem>>) src(%dma_wait3A_43 : memref<640x128xf32, #tpu.memory_space<hbm>>) dst(%dma_wait3A_41 : memref<640x128xf32, #tpu.memory_space<vmem_shared>>)
          tpu.yield
        }) : () -> ()
      } else {
      }
      %eq3A_33 = arith.constant 15 : i32
      %eq3A_34 = arith.cmpi eq, %arg1, %eq3A_33 : i32
      %convert_element_type3A_35 = arith.extui %eq3A_34 : i1 to i32
      %cond3A_36 = arith.constant 0 : i32
      %cond3A_37 = arith.cmpi ne, %convert_element_type3A_35, %cond3A_36 : i32
      scf.if %cond3A_37 {
        "tpu.region"() ({
          %run_scoped3A = tpu.sem_alloc : memref<!tpu.dma_semaphore, #tpu.memory_space<semaphore_mem>>
          %dma_start3A = arith.constant 9600 : i32
          %dma_start3A_38 = arith.constant 0 : i32
          %dma_start3A_39 = tpu.memref_slice %arg11[%dma_start3A, %dma_start3A_38] : memref<10000x128xf32, #tpu.memory_space<vmem_shared>> -> memref<400x128xf32, #tpu.memory_space<vmem_shared>>
          %dma_start3A_40 = arith.constant 9600 : i32
          %dma_start3A_41 = arith.constant 0 : i32
          %dma_start3A_42 = tpu.memref_slice %arg3[%dma_start3A_40, %dma_start3A_41] : memref<10000x128xf32, #tpu.memory_space<hbm>> -> memref<400x128xf32, #tpu.memory_space<hbm>>
          tpu.enqueue_dma source(%dma_start3A_42 : memref<400x128xf32, #tpu.memory_space<hbm>>) target(%dma_start3A_39 : memref<400x128xf32, #tpu.memory_space<vmem_shared>>) target_semaphore(%run_scoped3A : memref<!tpu.dma_semaphore, #tpu.memory_space<semaphore_mem>>)
          %dma_wait3A = arith.constant 9600 : i32
          %dma_wait3A_43 = arith.constant 0 : i32
          %dma_wait3A_44 = tpu.memref_slice %arg11[%dma_wait3A, %dma_wait3A_43] : memref<10000x128xf32, #tpu.memory_space<vmem_shared>> -> memref<400x128xf32, #tpu.memory_space<vmem_shared>>
          %dma_wait3A_45 = arith.constant 9600 : i32
          %dma_wait3A_46 = arith.constant 0 : i32
          %dma_wait3A_47 = tpu.memref_slice %arg3[%dma_wait3A_45, %dma_wait3A_46] : memref<10000x128xf32, #tpu.memory_space<hbm>> -> memref<400x128xf32, #tpu.memory_space<hbm>>
          tpu.wait_dma2 semaphore(%run_scoped3A : memref<!tpu.dma_semaphore, #tpu.memory_space<semaphore_mem>>) src(%dma_wait3A_47 : memref<400x128xf32, #tpu.memory_space<hbm>>) dst(%dma_wait3A_44 : memref<400x128xf32, #tpu.memory_space<vmem_shared>>)
          tpu.yield
        }) : () -> ()
      } else {
      }
    } else {
    }
    %barrier3A = arith.constant 0 : index
    tpu.barrier barrier_id(%barrier3A)
    %eq3A_7 = arith.constant 0 : i32
    %eq3A_8 = arith.cmpi eq, %arg0, %eq3A_7 : i32
    %convert_element_type3A_9 = arith.extui %eq3A_8 : i1 to i32
    %cond3A_10 = arith.constant 0 : i32
    %cond3A_11 = arith.cmpi ne, %convert_element_type3A_9, %cond3A_10 : i32
    scf.if %cond3A_11 {
      %scan3A = arith.constant 0 : i32
      %scan3A_28 = arith.constant 0 : i32
      %scan3A_29 = arith.constant 4 : i32
      %scan3A_30 = arith.addi %scan3A_28, %scan3A_29 : i32
      %scan3A_31 = arith.constant 1 : i32
      %scan3A_32 = scf.for %scan3A_34 = %scan3A_28 to %scan3A_30 step %scan3A_31 iter_args(%scan3A_35 = %scan3A) -> (i32)  : i32 {
        %mul3A = arith.constant 160 : i32
        %mul3A_36 = arith.muli %arg1, %mul3A : i32
        %mul3A_37 = arith.constant 40 : i32
        %mul3A_38 = arith.muli %scan3A_34, %mul3A_37 : i32
        %add3A = arith.addi %mul3A_36, %mul3A_38 : i32
        %multiple_of3A = tpu.assume_multiple %add3A, 8 : i32
        "tpu.region"() ({
          %run_scoped3A = tpu.sem_alloc : memref<!tpu.dma_semaphore, #tpu.memory_space<semaphore_mem>>
          %dma_start3A_81 = arith.constant 0 : i32
          %dma_start3A_82 = tpu.memref_slice %arg4[%multiple_of3A, %dma_start3A_81] : memref<2560x125xi32, #tpu.memory_space<hbm>> -> memref<40x125xi32, #tpu.memory_space<hbm>>
          %dma_start3A_83 = arith.constant 0 : i32
          %dma_start3A_84 = tpu.memref_slice %arg4[%multiple_of3A, %dma_start3A_83] : memref<2560x125xi32, #tpu.memory_space<hbm>> -> memref<40x125xi32, #tpu.memory_space<hbm>>
          tpu.enqueue_dma source(%dma_start3A_84 : memref<40x125xi32, #tpu.memory_space<hbm>>) target(%arg8 : memref<40x125xi32, #tpu.memory_space<vmem>>) target_semaphore(%run_scoped3A : memref<!tpu.dma_semaphore, #tpu.memory_space<semaphore_mem>>)
          %dma_wait3A_85 = arith.constant 0 : i32
          %dma_wait3A_86 = tpu.memref_slice %arg4[%multiple_of3A, %dma_wait3A_85] : memref<2560x125xi32, #tpu.memory_space<hbm>> -> memref<40x125xi32, #tpu.memory_space<hbm>>
          %dma_wait3A_87 = arith.constant 0 : i32
          %dma_wait3A_88 = tpu.memref_slice %arg4[%multiple_of3A, %dma_wait3A_87] : memref<2560x125xi32, #tpu.memory_space<hbm>> -> memref<40x125xi32, #tpu.memory_space<hbm>>
          tpu.wait_dma2 semaphore(%run_scoped3A : memref<!tpu.dma_semaphore, #tpu.memory_space<semaphore_mem>>) src(%dma_wait3A_88 : memref<40x125xi32, #tpu.memory_space<hbm>>) dst(%arg8 : memref<40x125xi32, #tpu.memory_space<vmem>>)
          tpu.yield
        }) : () -> ()
        "tpu.region"() ({
          %run_scoped3A = tpu.sem_alloc : memref<!tpu.dma_semaphore, #tpu.memory_space<semaphore_mem>>
          %dma_start3A_81 = arith.constant 0 : i32
          %dma_start3A_82 = tpu.memref_slice %arg5[%multiple_of3A, %dma_start3A_81] : memref<2560x125xi32, #tpu.memory_space<hbm>> -> memref<40x125xi32, #tpu.memory_space<hbm>>
          %dma_start3A_83 = arith.constant 0 : i32
          %dma_start3A_84 = tpu.memref_slice %arg5[%multiple_of3A, %dma_start3A_83] : memref<2560x125xi32, #tpu.memory_space<hbm>> -> memref<40x125xi32, #tpu.memory_space<hbm>>
          tpu.enqueue_dma source(%dma_start3A_84 : memref<40x125xi32, #tpu.memory_space<hbm>>) target(%arg9 : memref<40x125xi32, #tpu.memory_space<vmem>>) target_semaphore(%run_scoped3A : memref<!tpu.dma_semaphore, #tpu.memory_space<semaphore_mem>>)
          %dma_wait3A_85 = arith.constant 0 : i32
          %dma_wait3A_86 = tpu.memref_slice %arg5[%multiple_of3A, %dma_wait3A_85] : memref<2560x125xi32, #tpu.memory_space<hbm>> -> memref<40x125xi32, #tpu.memory_space<hbm>>
          %dma_wait3A_87 = arith.constant 0 : i32
          %dma_wait3A_88 = tpu.memref_slice %arg5[%multiple_of3A, %dma_wait3A_87] : memref<2560x125xi32, #tpu.memory_space<hbm>> -> memref<40x125xi32, #tpu.memory_space<hbm>>
          tpu.wait_dma2 semaphore(%run_scoped3A : memref<!tpu.dma_semaphore, #tpu.memory_space<semaphore_mem>>) src(%dma_wait3A_88 : memref<40x125xi32, #tpu.memory_space<hbm>>) dst(%arg9 : memref<40x125xi32, #tpu.memory_space<vmem>>)
          tpu.yield
        }) : () -> ()
        %dma_start3A = arith.constant 0 : i32
        %dma_start3A_39 = arith.constant 0 : i32
        %dma_start3A_40 = arith.constant 0 : i32
        %dma_start3A_41 = arith.constant 0 : i32
        %dma_start3A_42 = tpu.memref_slice %arg10[%dma_start3A_39, %dma_start3A_40, %dma_start3A_41] : memref<2x125x128xf32, #tpu.memory_space<vmem>> -> memref<1x125x128xf32, #tpu.memory_space<vmem>>
        %dma_start3A_43 = tpu.memref_squeeze %dma_start3A_42 : memref<1x125x128xf32, #tpu.memory_space<vmem>> -> memref<125x128xf32, #tpu.memory_space<vmem>>
        %dma_start3A_44 = arith.constant 0 : i32
        %dma_start3A_45 = tpu.memref_slice %arg8[%dma_start3A, %dma_start3A_44] : memref<40x125xi32, #tpu.memory_space<vmem>> -> memref<1x125xi32, #tpu.memory_space<vmem>>
        %dma_start3A_46 = tpu.memref_squeeze %dma_start3A_45 : memref<1x125xi32, #tpu.memory_space<vmem>> -> memref<125xi32, #tpu.memory_space<vmem>>
        %dma_start3A_47 = arith.constant 0 : i32
        %dma_start3A_48 = arith.constant 0 : i32
        %dma_start3A_49 = tpu.memref_slice %arg2[%dma_start3A_47, %dma_start3A_48] : memref<10000x128xf32, #tpu.memory_space<hbm>> -> memref<10000x128xf32, #tpu.memory_space<hbm>>
        tpu.enqueue_indirect_dma source(%dma_start3A_49 : memref<10000x128xf32, #tpu.memory_space<hbm>>) target(%dma_start3A_43 : memref<125x128xf32, #tpu.memory_space<vmem>>) offsets(%dma_start3A_46 : memref<125xi32, #tpu.memory_space<vmem>>) semaphore(%arg12 : memref<!tpu.dma_semaphore, #tpu.memory_space<semaphore_mem>>)
        %scan3A_50 = arith.constant 0 : i32
        %scan3A_51 = arith.constant 0 : i32
        %scan3A_52 = arith.constant 40 : i32
        %scan3A_53 = arith.addi %scan3A_51, %scan3A_52 : i32
        %scan3A_54 = arith.constant 1 : i32
        %scan3A_55 = scf.for %scan3A_81 = %scan3A_51 to %scan3A_53 step %scan3A_54 iter_args(%scan3A_82 = %scan3A_50) -> (i32)  : i32 {
          %rem3A = arith.constant 2 : i32
          %rem3A_83 = arith.remsi %scan3A_81, %rem3A : i32
          %dma_wait3A_84 = arith.constant 0 : i32
          %dma_wait3A_85 = arith.constant 0 : i32
          %dma_wait3A_86 = tpu.memref_slice %arg10[%rem3A_83, %dma_wait3A_84, %dma_wait3A_85] : memref<2x125x128xf32, #tpu.memory_space<vmem>> -> memref<1x125x128xf32, #tpu.memory_space<vmem>>
          %dma_wait3A_87 = tpu.memref_squeeze %dma_wait3A_86 : memref<1x125x128xf32, #tpu.memory_space<vmem>> -> memref<125x128xf32, #tpu.memory_space<vmem>>
          %dma_wait3A_88 = arith.constant 0 : i32
          %dma_wait3A_89 = tpu.memref_slice %arg8[%scan3A_81, %dma_wait3A_88] : memref<40x125xi32, #tpu.memory_space<vmem>> -> memref<1x125xi32, #tpu.memory_space<vmem>>
          %dma_wait3A_90 = tpu.memref_squeeze %dma_wait3A_89 : memref<1x125xi32, #tpu.memory_space<vmem>> -> memref<125xi32, #tpu.memory_space<vmem>>
          %dma_wait3A_91 = arith.constant 0 : i32
          %dma_wait3A_92 = arith.constant 0 : i32
          %dma_wait3A_93 = tpu.memref_slice %arg2[%dma_wait3A_91, %dma_wait3A_92] : memref<10000x128xf32, #tpu.memory_space<hbm>> -> memref<10000x128xf32, #tpu.memory_space<hbm>>
          tpu.wait_indirect_dma semaphore(%arg12 : memref<!tpu.dma_semaphore, #tpu.memory_space<semaphore_mem>>) src(%dma_wait3A_93 : memref<10000x128xf32, #tpu.memory_space<hbm>>) dst(%dma_wait3A_87 : memref<125x128xf32, #tpu.memory_space<vmem>>)
          %dma_start3A_94 = arith.constant 0 : i32
          %dma_start3A_95 = arith.constant 0 : i32
          %dma_start3A_96 = tpu.memref_slice %arg10[%rem3A_83, %dma_start3A_94, %dma_start3A_95] : memref<2x125x128xf32, #tpu.memory_space<vmem>> -> memref<1x125x128xf32, #tpu.memory_space<vmem>>
          %dma_start3A_97 = tpu.memref_squeeze %dma_start3A_96 : memref<1x125x128xf32, #tpu.memory_space<vmem>> -> memref<125x128xf32, #tpu.memory_space<vmem>>
          %dma_start3A_98 = arith.constant 0 : i32
          %dma_start3A_99 = tpu.memref_slice %arg9[%scan3A_81, %dma_start3A_98] : memref<40x125xi32, #tpu.memory_space<vmem>> -> memref<1x125xi32, #tpu.memory_space<vmem>>
          %dma_start3A_100 = tpu.memref_squeeze %dma_start3A_99 : memref<1x125xi32, #tpu.memory_space<vmem>> -> memref<125xi32, #tpu.memory_space<vmem>>
          %dma_start3A_101 = arith.constant 0 : i32
          %dma_start3A_102 = arith.constant 0 : i32
          %dma_start3A_103 = tpu.memref_slice %arg11[%dma_start3A_101, %dma_start3A_102] : memref<10000x128xf32, #tpu.memory_space<vmem_shared>> -> memref<10000x128xf32, #tpu.memory_space<vmem_shared>>
          tpu.enqueue_indirect_dma source(%dma_start3A_97 : memref<125x128xf32, #tpu.memory_space<vmem>>) target(%dma_start3A_103 : memref<10000x128xf32, #tpu.memory_space<vmem_shared>>) offsets(%dma_start3A_100 : memref<125xi32, #tpu.memory_space<vmem>>) semaphore(%arg13 : memref<!tpu.dma_semaphore, #tpu.memory_space<semaphore_mem>>) {add = true}
          %add3A_104 = arith.constant 1 : i32
          %add3A_105 = arith.addi %scan3A_81, %add3A_104 : i32
          %lt3A = arith.constant 40 : i32
          %lt3A_106 = arith.cmpi slt, %add3A_105, %lt3A : i32
          %convert_element_type3A_107 = arith.extui %lt3A_106 : i1 to i32
          %cond3A_108 = arith.constant 0 : i32
          %cond3A_109 = arith.cmpi ne, %convert_element_type3A_107, %cond3A_108 : i32
          scf.if %cond3A_109 {
            %ge3A = arith.constant 1 : i32
            %ge3A_111 = arith.cmpi sge, %scan3A_81, %ge3A : i32
            %convert_element_type3A_112 = arith.extui %ge3A_111 : i1 to i32
            %cond3A_113 = arith.constant 0 : i32
            %cond3A_114 = arith.cmpi ne, %convert_element_type3A_112, %cond3A_113 : i32
            scf.if %cond3A_114 {
              %sub3A_128 = arith.constant 1 : i32
              %sub3A_129 = arith.subi %sub3A_128, %rem3A_83 : i32
              %sub3A_130 = arith.constant 1 : i32
              %sub3A_131 = arith.subi %scan3A_81, %sub3A_130 : i32
              %dma_wait3A_132 = arith.constant 0 : i32
              %dma_wait3A_133 = arith.constant 0 : i32
              %dma_wait3A_134 = tpu.memref_slice %arg10[%sub3A_129, %dma_wait3A_132, %dma_wait3A_133] : memref<2x125x128xf32, #tpu.memory_space<vmem>> -> memref<1x125x128xf32, #tpu.memory_space<vmem>>
              %dma_wait3A_135 = tpu.memref_squeeze %dma_wait3A_134 : memref<1x125x128xf32, #tpu.memory_space<vmem>> -> memref<125x128xf32, #tpu.memory_space<vmem>>
              %dma_wait3A_136 = arith.constant 0 : i32
              %dma_wait3A_137 = tpu.memref_slice %arg9[%sub3A_131, %dma_wait3A_136] : memref<40x125xi32, #tpu.memory_space<vmem>> -> memref<1x125xi32, #tpu.memory_space<vmem>>
              %dma_wait3A_138 = tpu.memref_squeeze %dma_wait3A_137 : memref<1x125xi32, #tpu.memory_space<vmem>> -> memref<125xi32, #tpu.memory_space<vmem>>
              %dma_wait3A_139 = arith.constant 0 : i32
              %dma_wait3A_140 = arith.constant 0 : i32
              %dma_wait3A_141 = tpu.memref_slice %arg11[%dma_wait3A_139, %dma_wait3A_140] : memref<10000x128xf32, #tpu.memory_space<vmem_shared>> -> memref<10000x128xf32, #tpu.memory_space<vmem_shared>>
              tpu.wait_indirect_dma semaphore(%arg13 : memref<!tpu.dma_semaphore, #tpu.memory_space<semaphore_mem>>) src(%dma_wait3A_135 : memref<125x128xf32, #tpu.memory_space<vmem>>) dst(%dma_wait3A_141 : memref<10000x128xf32, #tpu.memory_space<vmem_shared>>)
            } else {
            }
            %add3A_115 = arith.constant 1 : i32
            %add3A_116 = arith.addi %scan3A_81, %add3A_115 : i32
            %sub3A = arith.constant 1 : i32
            %sub3A_117 = arith.subi %sub3A, %rem3A_83 : i32
            %dma_start3A_118 = arith.constant 0 : i32
            %dma_start3A_119 = arith.constant 0 : i32
            %dma_start3A_120 = tpu.memref_slice %arg10[%sub3A_117, %dma_start3A_118, %dma_start3A_119] : memref<2x125x128xf32, #tpu.memory_space<vmem>> -> memref<1x125x128xf32, #tpu.memory_space<vmem>>
            %dma_start3A_121 = tpu.memref_squeeze %dma_start3A_120 : memref<1x125x128xf32, #tpu.memory_space<vmem>> -> memref<125x128xf32, #tpu.memory_space<vmem>>
            %dma_start3A_122 = arith.constant 0 : i32
            %dma_start3A_123 = tpu.memref_slice %arg8[%add3A_116, %dma_start3A_122] : memref<40x125xi32, #tpu.memory_space<vmem>> -> memref<1x125xi32, #tpu.memory_space<vmem>>
            %dma_start3A_124 = tpu.memref_squeeze %dma_start3A_123 : memref<1x125xi32, #tpu.memory_space<vmem>> -> memref<125xi32, #tpu.memory_space<vmem>>
            %dma_start3A_125 = arith.constant 0 : i32
            %dma_start3A_126 = arith.constant 0 : i32
            %dma_start3A_127 = tpu.memref_slice %arg2[%dma_start3A_125, %dma_start3A_126] : memref<10000x128xf32, #tpu.memory_space<hbm>> -> memref<10000x128xf32, #tpu.memory_space<hbm>>
            tpu.enqueue_indirect_dma source(%dma_start3A_127 : memref<10000x128xf32, #tpu.memory_space<hbm>>) target(%dma_start3A_121 : memref<125x128xf32, #tpu.memory_space<vmem>>) offsets(%dma_start3A_124 : memref<125xi32, #tpu.memory_space<vmem>>) semaphore(%arg12 : memref<!tpu.dma_semaphore, #tpu.memory_space<semaphore_mem>>)
          } else {
          }
          %scan3A_110 = arith.constant 0 : i32
          scf.yield %scan3A_110 : i32
        }
        %scan3A_56 = arith.constant 40 : i32
        %dma_wait3A = arith.constant 0 : i32
        %dma_wait3A_57 = arith.constant 38 : i32
        %dma_wait3A_58 = arith.constant 0 : i32
        %dma_wait3A_59 = arith.constant 0 : i32
        %dma_wait3A_60 = tpu.memref_slice %arg10[%dma_wait3A, %dma_wait3A_58, %dma_wait3A_59] : memref<2x125x128xf32, #tpu.memory_space<vmem>> -> memref<1x125x128xf32, #tpu.memory_space<vmem>>
        %dma_wait3A_61 = tpu.memref_squeeze %dma_wait3A_60 : memref<1x125x128xf32, #tpu.memory_space<vmem>> -> memref<125x128xf32, #tpu.memory_space<vmem>>
        %dma_wait3A_62 = arith.constant 0 : i32
        %dma_wait3A_63 = tpu.memref_slice %arg9[%dma_wait3A_57, %dma_wait3A_62] : memref<40x125xi32, #tpu.memory_space<vmem>> -> memref<1x125xi32, #tpu.memory_space<vmem>>
        %dma_wait3A_64 = tpu.memref_squeeze %dma_wait3A_63 : memref<1x125xi32, #tpu.memory_space<vmem>> -> memref<125xi32, #tpu.memory_space<vmem>>
        %dma_wait3A_65 = arith.constant 0 : i32
        %dma_wait3A_66 = arith.constant 0 : i32
        %dma_wait3A_67 = tpu.memref_slice %arg11[%dma_wait3A_65, %dma_wait3A_66] : memref<10000x128xf32, #tpu.memory_space<vmem_shared>> -> memref<10000x128xf32, #tpu.memory_space<vmem_shared>>
        tpu.wait_indirect_dma semaphore(%arg13 : memref<!tpu.dma_semaphore, #tpu.memory_space<semaphore_mem>>) src(%dma_wait3A_61 : memref<125x128xf32, #tpu.memory_space<vmem>>) dst(%dma_wait3A_67 : memref<10000x128xf32, #tpu.memory_space<vmem_shared>>)
        %dma_wait3A_68 = arith.constant 1 : i32
        %dma_wait3A_69 = arith.constant 39 : i32
        %dma_wait3A_70 = arith.constant 0 : i32
        %dma_wait3A_71 = arith.constant 0 : i32
        %dma_wait3A_72 = tpu.memref_slice %arg10[%dma_wait3A_68, %dma_wait3A_70, %dma_wait3A_71] : memref<2x125x128xf32, #tpu.memory_space<vmem>> -> memref<1x125x128xf32, #tpu.memory_space<vmem>>
        %dma_wait3A_73 = tpu.memref_squeeze %dma_wait3A_72 : memref<1x125x128xf32, #tpu.memory_space<vmem>> -> memref<125x128xf32, #tpu.memory_space<vmem>>
        %dma_wait3A_74 = arith.constant 0 : i32
        %dma_wait3A_75 = tpu.memref_slice %arg9[%dma_wait3A_69, %dma_wait3A_74] : memref<40x125xi32, #tpu.memory_space<vmem>> -> memref<1x125xi32, #tpu.memory_space<vmem>>
        %dma_wait3A_76 = tpu.memref_squeeze %dma_wait3A_75 : memref<1x125xi32, #tpu.memory_space<vmem>> -> memref<125xi32, #tpu.memory_space<vmem>>
        %dma_wait3A_77 = arith.constant 0 : i32
        %dma_wait3A_78 = arith.constant 0 : i32
        %dma_wait3A_79 = tpu.memref_slice %arg11[%dma_wait3A_77, %dma_wait3A_78] : memref<10000x128xf32, #tpu.memory_space<vmem_shared>> -> memref<10000x128xf32, #tpu.memory_space<vmem_shared>>
        tpu.wait_indirect_dma semaphore(%arg13 : memref<!tpu.dma_semaphore, #tpu.memory_space<semaphore_mem>>) src(%dma_wait3A_73 : memref<125x128xf32, #tpu.memory_space<vmem>>) dst(%dma_wait3A_79 : memref<10000x128xf32, #tpu.memory_space<vmem_shared>>)
        %scan3A_80 = arith.constant 0 : i32
        scf.yield %scan3A_80 : i32
      }
      %scan3A_33 = arith.constant 4 : i32
    } else {
    }
    %eq3A_12 = arith.constant 1 : i32
    %eq3A_13 = arith.cmpi eq, %arg0, %eq3A_12 : i32
    %convert_element_type3A_14 = arith.extui %eq3A_13 : i1 to i32
    %cond3A_15 = arith.constant 0 : i32
    %cond3A_16 = arith.cmpi ne, %convert_element_type3A_14, %cond3A_15 : i32
    scf.if %cond3A_16 {
      %scan3A = arith.constant 0 : i32
      %scan3A_28 = arith.constant 0 : i32
      %scan3A_29 = arith.constant 4 : i32
      %scan3A_30 = arith.addi %scan3A_28, %scan3A_29 : i32
      %scan3A_31 = arith.constant 1 : i32
      %scan3A_32 = scf.for %scan3A_34 = %scan3A_28 to %scan3A_30 step %scan3A_31 iter_args(%scan3A_35 = %scan3A) -> (i32)  : i32 {
        %mul3A = arith.constant 160 : i32
        %mul3A_36 = arith.muli %arg1, %mul3A : i32
        %mul3A_37 = arith.constant 40 : i32
        %mul3A_38 = arith.muli %scan3A_34, %mul3A_37 : i32
        %add3A = arith.addi %mul3A_36, %mul3A_38 : i32
        %multiple_of3A = tpu.assume_multiple %add3A, 8 : i32
        "tpu.region"() ({
          %run_scoped3A = tpu.sem_alloc : memref<!tpu.dma_semaphore, #tpu.memory_space<semaphore_mem>>
          %dma_start3A_81 = arith.constant 0 : i32
          %dma_start3A_82 = tpu.memref_slice %arg4[%multiple_of3A, %dma_start3A_81] : memref<2560x125xi32, #tpu.memory_space<hbm>> -> memref<40x125xi32, #tpu.memory_space<hbm>>
          %dma_start3A_83 = arith.constant 0 : i32
          %dma_start3A_84 = tpu.memref_slice %arg4[%multiple_of3A, %dma_start3A_83] : memref<2560x125xi32, #tpu.memory_space<hbm>> -> memref<40x125xi32, #tpu.memory_space<hbm>>
          tpu.enqueue_dma source(%dma_start3A_84 : memref<40x125xi32, #tpu.memory_space<hbm>>) target(%arg8 : memref<40x125xi32, #tpu.memory_space<vmem>>) target_semaphore(%run_scoped3A : memref<!tpu.dma_semaphore, #tpu.memory_space<semaphore_mem>>)
          %dma_wait3A_85 = arith.constant 0 : i32
          %dma_wait3A_86 = tpu.memref_slice %arg4[%multiple_of3A, %dma_wait3A_85] : memref<2560x125xi32, #tpu.memory_space<hbm>> -> memref<40x125xi32, #tpu.memory_space<hbm>>
          %dma_wait3A_87 = arith.constant 0 : i32
          %dma_wait3A_88 = tpu.memref_slice %arg4[%multiple_of3A, %dma_wait3A_87] : memref<2560x125xi32, #tpu.memory_space<hbm>> -> memref<40x125xi32, #tpu.memory_space<hbm>>
          tpu.wait_dma2 semaphore(%run_scoped3A : memref<!tpu.dma_semaphore, #tpu.memory_space<semaphore_mem>>) src(%dma_wait3A_88 : memref<40x125xi32, #tpu.memory_space<hbm>>) dst(%arg8 : memref<40x125xi32, #tpu.memory_space<vmem>>)
          tpu.yield
        }) : () -> ()
        "tpu.region"() ({
          %run_scoped3A = tpu.sem_alloc : memref<!tpu.dma_semaphore, #tpu.memory_space<semaphore_mem>>
          %dma_start3A_81 = arith.constant 0 : i32
          %dma_start3A_82 = tpu.memref_slice %arg5[%multiple_of3A, %dma_start3A_81] : memref<2560x125xi32, #tpu.memory_space<hbm>> -> memref<40x125xi32, #tpu.memory_space<hbm>>
          %dma_start3A_83 = arith.constant 0 : i32
          %dma_start3A_84 = tpu.memref_slice %arg5[%multiple_of3A, %dma_start3A_83] : memref<2560x125xi32, #tpu.memory_space<hbm>> -> memref<40x125xi32, #tpu.memory_space<hbm>>
          tpu.enqueue_dma source(%dma_start3A_84 : memref<40x125xi32, #tpu.memory_space<hbm>>) target(%arg9 : memref<40x125xi32, #tpu.memory_space<vmem>>) target_semaphore(%run_scoped3A : memref<!tpu.dma_semaphore, #tpu.memory_space<semaphore_mem>>)
          %dma_wait3A_85 = arith.constant 0 : i32
          %dma_wait3A_86 = tpu.memref_slice %arg5[%multiple_of3A, %dma_wait3A_85] : memref<2560x125xi32, #tpu.memory_space<hbm>> -> memref<40x125xi32, #tpu.memory_space<hbm>>
          %dma_wait3A_87 = arith.constant 0 : i32
          %dma_wait3A_88 = tpu.memref_slice %arg5[%multiple_of3A, %dma_wait3A_87] : memref<2560x125xi32, #tpu.memory_space<hbm>> -> memref<40x125xi32, #tpu.memory_space<hbm>>
          tpu.wait_dma2 semaphore(%run_scoped3A : memref<!tpu.dma_semaphore, #tpu.memory_space<semaphore_mem>>) src(%dma_wait3A_88 : memref<40x125xi32, #tpu.memory_space<hbm>>) dst(%arg9 : memref<40x125xi32, #tpu.memory_space<vmem>>)
          tpu.yield
        }) : () -> ()
        %dma_start3A = arith.constant 0 : i32
        %dma_start3A_39 = arith.constant 0 : i32
        %dma_start3A_40 = arith.constant 0 : i32
        %dma_start3A_41 = arith.constant 0 : i32
        %dma_start3A_42 = tpu.memref_slice %arg10[%dma_start3A_39, %dma_start3A_40, %dma_start3A_41] : memref<2x125x128xf32, #tpu.memory_space<vmem>> -> memref<1x125x128xf32, #tpu.memory_space<vmem>>
        %dma_start3A_43 = tpu.memref_squeeze %dma_start3A_42 : memref<1x125x128xf32, #tpu.memory_space<vmem>> -> memref<125x128xf32, #tpu.memory_space<vmem>>
        %dma_start3A_44 = arith.constant 0 : i32
        %dma_start3A_45 = tpu.memref_slice %arg8[%dma_start3A, %dma_start3A_44] : memref<40x125xi32, #tpu.memory_space<vmem>> -> memref<1x125xi32, #tpu.memory_space<vmem>>
        %dma_start3A_46 = tpu.memref_squeeze %dma_start3A_45 : memref<1x125xi32, #tpu.memory_space<vmem>> -> memref<125xi32, #tpu.memory_space<vmem>>
        %dma_start3A_47 = arith.constant 0 : i32
        %dma_start3A_48 = arith.constant 0 : i32
        %dma_start3A_49 = tpu.memref_slice %arg3[%dma_start3A_47, %dma_start3A_48] : memref<10000x128xf32, #tpu.memory_space<hbm>> -> memref<10000x128xf32, #tpu.memory_space<hbm>>
        tpu.enqueue_indirect_dma source(%dma_start3A_49 : memref<10000x128xf32, #tpu.memory_space<hbm>>) target(%dma_start3A_43 : memref<125x128xf32, #tpu.memory_space<vmem>>) offsets(%dma_start3A_46 : memref<125xi32, #tpu.memory_space<vmem>>) semaphore(%arg12 : memref<!tpu.dma_semaphore, #tpu.memory_space<semaphore_mem>>)
        %scan3A_50 = arith.constant 0 : i32
        %scan3A_51 = arith.constant 0 : i32
        %scan3A_52 = arith.constant 40 : i32
        %scan3A_53 = arith.addi %scan3A_51, %scan3A_52 : i32
        %scan3A_54 = arith.constant 1 : i32
        %scan3A_55 = scf.for %scan3A_81 = %scan3A_51 to %scan3A_53 step %scan3A_54 iter_args(%scan3A_82 = %scan3A_50) -> (i32)  : i32 {
          %rem3A = arith.constant 2 : i32
          %rem3A_83 = arith.remsi %scan3A_81, %rem3A : i32
          %dma_wait3A_84 = arith.constant 0 : i32
          %dma_wait3A_85 = arith.constant 0 : i32
          %dma_wait3A_86 = tpu.memref_slice %arg10[%rem3A_83, %dma_wait3A_84, %dma_wait3A_85] : memref<2x125x128xf32, #tpu.memory_space<vmem>> -> memref<1x125x128xf32, #tpu.memory_space<vmem>>
          %dma_wait3A_87 = tpu.memref_squeeze %dma_wait3A_86 : memref<1x125x128xf32, #tpu.memory_space<vmem>> -> memref<125x128xf32, #tpu.memory_space<vmem>>
          %dma_wait3A_88 = arith.constant 0 : i32
          %dma_wait3A_89 = tpu.memref_slice %arg8[%scan3A_81, %dma_wait3A_88] : memref<40x125xi32, #tpu.memory_space<vmem>> -> memref<1x125xi32, #tpu.memory_space<vmem>>
          %dma_wait3A_90 = tpu.memref_squeeze %dma_wait3A_89 : memref<1x125xi32, #tpu.memory_space<vmem>> -> memref<125xi32, #tpu.memory_space<vmem>>
          %dma_wait3A_91 = arith.constant 0 : i32
          %dma_wait3A_92 = arith.constant 0 : i32
          %dma_wait3A_93 = tpu.memref_slice %arg3[%dma_wait3A_91, %dma_wait3A_92] : memref<10000x128xf32, #tpu.memory_space<hbm>> -> memref<10000x128xf32, #tpu.memory_space<hbm>>
          tpu.wait_indirect_dma semaphore(%arg12 : memref<!tpu.dma_semaphore, #tpu.memory_space<semaphore_mem>>) src(%dma_wait3A_93 : memref<10000x128xf32, #tpu.memory_space<hbm>>) dst(%dma_wait3A_87 : memref<125x128xf32, #tpu.memory_space<vmem>>)
          %dma_start3A_94 = arith.constant 0 : i32
          %dma_start3A_95 = arith.constant 0 : i32
          %dma_start3A_96 = tpu.memref_slice %arg10[%rem3A_83, %dma_start3A_94, %dma_start3A_95] : memref<2x125x128xf32, #tpu.memory_space<vmem>> -> memref<1x125x128xf32, #tpu.memory_space<vmem>>
          %dma_start3A_97 = tpu.memref_squeeze %dma_start3A_96 : memref<1x125x128xf32, #tpu.memory_space<vmem>> -> memref<125x128xf32, #tpu.memory_space<vmem>>
          %dma_start3A_98 = arith.constant 0 : i32
          %dma_start3A_99 = tpu.memref_slice %arg9[%scan3A_81, %dma_start3A_98] : memref<40x125xi32, #tpu.memory_space<vmem>> -> memref<1x125xi32, #tpu.memory_space<vmem>>
          %dma_start3A_100 = tpu.memref_squeeze %dma_start3A_99 : memref<1x125xi32, #tpu.memory_space<vmem>> -> memref<125xi32, #tpu.memory_space<vmem>>
          %dma_start3A_101 = arith.constant 0 : i32
          %dma_start3A_102 = arith.constant 0 : i32
          %dma_start3A_103 = tpu.memref_slice %arg11[%dma_start3A_101, %dma_start3A_102] : memref<10000x128xf32, #tpu.memory_space<vmem_shared>> -> memref<10000x128xf32, #tpu.memory_space<vmem_shared>>
          tpu.enqueue_indirect_dma source(%dma_start3A_97 : memref<125x128xf32, #tpu.memory_space<vmem>>) target(%dma_start3A_103 : memref<10000x128xf32, #tpu.memory_space<vmem_shared>>) offsets(%dma_start3A_100 : memref<125xi32, #tpu.memory_space<vmem>>) semaphore(%arg13 : memref<!tpu.dma_semaphore, #tpu.memory_space<semaphore_mem>>) {add = true}
          %add3A_104 = arith.constant 1 : i32
          %add3A_105 = arith.addi %scan3A_81, %add3A_104 : i32
          %lt3A = arith.constant 40 : i32
          %lt3A_106 = arith.cmpi slt, %add3A_105, %lt3A : i32
          %convert_element_type3A_107 = arith.extui %lt3A_106 : i1 to i32
          %cond3A_108 = arith.constant 0 : i32
          %cond3A_109 = arith.cmpi ne, %convert_element_type3A_107, %cond3A_108 : i32
          scf.if %cond3A_109 {
            %ge3A = arith.constant 1 : i32
            %ge3A_111 = arith.cmpi sge, %scan3A_81, %ge3A : i32
            %convert_element_type3A_112 = arith.extui %ge3A_111 : i1 to i32
            %cond3A_113 = arith.constant 0 : i32
            %cond3A_114 = arith.cmpi ne, %convert_element_type3A_112, %cond3A_113 : i32
            scf.if %cond3A_114 {
              %sub3A_128 = arith.constant 1 : i32
              %sub3A_129 = arith.subi %sub3A_128, %rem3A_83 : i32
              %sub3A_130 = arith.constant 1 : i32
              %sub3A_131 = arith.subi %scan3A_81, %sub3A_130 : i32
              %dma_wait3A_132 = arith.constant 0 : i32
              %dma_wait3A_133 = arith.constant 0 : i32
              %dma_wait3A_134 = tpu.memref_slice %arg10[%sub3A_129, %dma_wait3A_132, %dma_wait3A_133] : memref<2x125x128xf32, #tpu.memory_space<vmem>> -> memref<1x125x128xf32, #tpu.memory_space<vmem>>
              %dma_wait3A_135 = tpu.memref_squeeze %dma_wait3A_134 : memref<1x125x128xf32, #tpu.memory_space<vmem>> -> memref<125x128xf32, #tpu.memory_space<vmem>>
              %dma_wait3A_136 = arith.constant 0 : i32
              %dma_wait3A_137 = tpu.memref_slice %arg9[%sub3A_131, %dma_wait3A_136] : memref<40x125xi32, #tpu.memory_space<vmem>> -> memref<1x125xi32, #tpu.memory_space<vmem>>
              %dma_wait3A_138 = tpu.memref_squeeze %dma_wait3A_137 : memref<1x125xi32, #tpu.memory_space<vmem>> -> memref<125xi32, #tpu.memory_space<vmem>>
              %dma_wait3A_139 = arith.constant 0 : i32
              %dma_wait3A_140 = arith.constant 0 : i32
              %dma_wait3A_141 = tpu.memref_slice %arg11[%dma_wait3A_139, %dma_wait3A_140] : memref<10000x128xf32, #tpu.memory_space<vmem_shared>> -> memref<10000x128xf32, #tpu.memory_space<vmem_shared>>
              tpu.wait_indirect_dma semaphore(%arg13 : memref<!tpu.dma_semaphore, #tpu.memory_space<semaphore_mem>>) src(%dma_wait3A_135 : memref<125x128xf32, #tpu.memory_space<vmem>>) dst(%dma_wait3A_141 : memref<10000x128xf32, #tpu.memory_space<vmem_shared>>)
            } else {
            }
            %add3A_115 = arith.constant 1 : i32
            %add3A_116 = arith.addi %scan3A_81, %add3A_115 : i32
            %sub3A = arith.constant 1 : i32
            %sub3A_117 = arith.subi %sub3A, %rem3A_83 : i32
            %dma_start3A_118 = arith.constant 0 : i32
            %dma_start3A_119 = arith.constant 0 : i32
            %dma_start3A_120 = tpu.memref_slice %arg10[%sub3A_117, %dma_start3A_118, %dma_start3A_119] : memref<2x125x128xf32, #tpu.memory_space<vmem>> -> memref<1x125x128xf32, #tpu.memory_space<vmem>>
            %dma_start3A_121 = tpu.memref_squeeze %dma_start3A_120 : memref<1x125x128xf32, #tpu.memory_space<vmem>> -> memref<125x128xf32, #tpu.memory_space<vmem>>
            %dma_start3A_122 = arith.constant 0 : i32
            %dma_start3A_123 = tpu.memref_slice %arg8[%add3A_116, %dma_start3A_122] : memref<40x125xi32, #tpu.memory_space<vmem>> -> memref<1x125xi32, #tpu.memory_space<vmem>>
            %dma_start3A_124 = tpu.memref_squeeze %dma_start3A_123 : memref<1x125xi32, #tpu.memory_space<vmem>> -> memref<125xi32, #tpu.memory_space<vmem>>
            %dma_start3A_125 = arith.constant 0 : i32
            %dma_start3A_126 = arith.constant 0 : i32
            %dma_start3A_127 = tpu.memref_slice %arg3[%dma_start3A_125, %dma_start3A_126] : memref<10000x128xf32, #tpu.memory_space<hbm>> -> memref<10000x128xf32, #tpu.memory_space<hbm>>
            tpu.enqueue_indirect_dma source(%dma_start3A_127 : memref<10000x128xf32, #tpu.memory_space<hbm>>) target(%dma_start3A_121 : memref<125x128xf32, #tpu.memory_space<vmem>>) offsets(%dma_start3A_124 : memref<125xi32, #tpu.memory_space<vmem>>) semaphore(%arg12 : memref<!tpu.dma_semaphore, #tpu.memory_space<semaphore_mem>>)
          } else {
          }
          %scan3A_110 = arith.constant 0 : i32
          scf.yield %scan3A_110 : i32
        }
        %scan3A_56 = arith.constant 40 : i32
        %dma_wait3A = arith.constant 0 : i32
        %dma_wait3A_57 = arith.constant 38 : i32
        %dma_wait3A_58 = arith.constant 0 : i32
        %dma_wait3A_59 = arith.constant 0 : i32
        %dma_wait3A_60 = tpu.memref_slice %arg10[%dma_wait3A, %dma_wait3A_58, %dma_wait3A_59] : memref<2x125x128xf32, #tpu.memory_space<vmem>> -> memref<1x125x128xf32, #tpu.memory_space<vmem>>
        %dma_wait3A_61 = tpu.memref_squeeze %dma_wait3A_60 : memref<1x125x128xf32, #tpu.memory_space<vmem>> -> memref<125x128xf32, #tpu.memory_space<vmem>>
        %dma_wait3A_62 = arith.constant 0 : i32
        %dma_wait3A_63 = tpu.memref_slice %arg9[%dma_wait3A_57, %dma_wait3A_62] : memref<40x125xi32, #tpu.memory_space<vmem>> -> memref<1x125xi32, #tpu.memory_space<vmem>>
        %dma_wait3A_64 = tpu.memref_squeeze %dma_wait3A_63 : memref<1x125xi32, #tpu.memory_space<vmem>> -> memref<125xi32, #tpu.memory_space<vmem>>
        %dma_wait3A_65 = arith.constant 0 : i32
        %dma_wait3A_66 = arith.constant 0 : i32
        %dma_wait3A_67 = tpu.memref_slice %arg11[%dma_wait3A_65, %dma_wait3A_66] : memref<10000x128xf32, #tpu.memory_space<vmem_shared>> -> memref<10000x128xf32, #tpu.memory_space<vmem_shared>>
        tpu.wait_indirect_dma semaphore(%arg13 : memref<!tpu.dma_semaphore, #tpu.memory_space<semaphore_mem>>) src(%dma_wait3A_61 : memref<125x128xf32, #tpu.memory_space<vmem>>) dst(%dma_wait3A_67 : memref<10000x128xf32, #tpu.memory_space<vmem_shared>>)
        %dma_wait3A_68 = arith.constant 1 : i32
        %dma_wait3A_69 = arith.constant 39 : i32
        %dma_wait3A_70 = arith.constant 0 : i32
        %dma_wait3A_71 = arith.constant 0 : i32
        %dma_wait3A_72 = tpu.memref_slice %arg10[%dma_wait3A_68, %dma_wait3A_70, %dma_wait3A_71] : memref<2x125x128xf32, #tpu.memory_space<vmem>> -> memref<1x125x128xf32, #tpu.memory_space<vmem>>
        %dma_wait3A_73 = tpu.memref_squeeze %dma_wait3A_72 : memref<1x125x128xf32, #tpu.memory_space<vmem>> -> memref<125x128xf32, #tpu.memory_space<vmem>>
        %dma_wait3A_74 = arith.constant 0 : i32
        %dma_wait3A_75 = tpu.memref_slice %arg9[%dma_wait3A_69, %dma_wait3A_74] : memref<40x125xi32, #tpu.memory_space<vmem>> -> memref<1x125xi32, #tpu.memory_space<vmem>>
        %dma_wait3A_76 = tpu.memref_squeeze %dma_wait3A_75 : memref<1x125xi32, #tpu.memory_space<vmem>> -> memref<125xi32, #tpu.memory_space<vmem>>
        %dma_wait3A_77 = arith.constant 0 : i32
        %dma_wait3A_78 = arith.constant 0 : i32
        %dma_wait3A_79 = tpu.memref_slice %arg11[%dma_wait3A_77, %dma_wait3A_78] : memref<10000x128xf32, #tpu.memory_space<vmem_shared>> -> memref<10000x128xf32, #tpu.memory_space<vmem_shared>>
        tpu.wait_indirect_dma semaphore(%arg13 : memref<!tpu.dma_semaphore, #tpu.memory_space<semaphore_mem>>) src(%dma_wait3A_73 : memref<125x128xf32, #tpu.memory_space<vmem>>) dst(%dma_wait3A_79 : memref<10000x128xf32, #tpu.memory_space<vmem_shared>>)
        %scan3A_80 = arith.constant 0 : i32
        scf.yield %scan3A_80 : i32
      }
      %scan3A_33 = arith.constant 4 : i32
    } else {
    }
    %barrier3A_17 = arith.constant 0 : index
    tpu.barrier barrier_id(%barrier3A_17)
    %eq3A_18 = arith.constant 0 : i32
    %eq3A_19 = arith.cmpi eq, %arg0, %eq3A_18 : i32
    %convert_element_type3A_20 = arith.extui %eq3A_19 : i1 to i32
    %cond3A_21 = arith.constant 0 : i32
    %cond3A_22 = arith.cmpi ne, %convert_element_type3A_20, %cond3A_21 : i32
    scf.if %cond3A_22 {
      %mul3A = arith.constant 640 : i32
      %mul3A_28 = arith.muli %arg1, %mul3A : i32
      %multiple_of3A = tpu.assume_multiple %mul3A_28, 8 : i32
      %lt3A = arith.constant 15 : i32
      %lt3A_29 = arith.cmpi slt, %arg1, %lt3A : i32
      %convert_element_type3A_30 = arith.extui %lt3A_29 : i1 to i32
      %cond3A_31 = arith.constant 0 : i32
      %cond3A_32 = arith.cmpi ne, %convert_element_type3A_30, %cond3A_31 : i32
      scf.if %cond3A_32 {
        "tpu.region"() ({
          %run_scoped3A = tpu.sem_alloc : memref<!tpu.dma_semaphore, #tpu.memory_space<semaphore_mem>>
          %dma_start3A = arith.constant 0 : i32
          %dma_start3A_38 = tpu.memref_slice %arg6[%multiple_of3A, %dma_start3A] : memref<10000x128xf32, #tpu.memory_space<hbm>> -> memref<640x128xf32, #tpu.memory_space<hbm>>
          %dma_start3A_39 = arith.constant 0 : i32
          %dma_start3A_40 = tpu.memref_slice %arg11[%multiple_of3A, %dma_start3A_39] : memref<10000x128xf32, #tpu.memory_space<vmem_shared>> -> memref<640x128xf32, #tpu.memory_space<vmem_shared>>
          tpu.enqueue_dma source(%dma_start3A_40 : memref<640x128xf32, #tpu.memory_space<vmem_shared>>) target(%dma_start3A_38 : memref<640x128xf32, #tpu.memory_space<hbm>>) target_semaphore(%run_scoped3A : memref<!tpu.dma_semaphore, #tpu.memory_space<semaphore_mem>>)
          %dma_wait3A = arith.constant 0 : i32
          %dma_wait3A_41 = tpu.memref_slice %arg6[%multiple_of3A, %dma_wait3A] : memref<10000x128xf32, #tpu.memory_space<hbm>> -> memref<640x128xf32, #tpu.memory_space<hbm>>
          %dma_wait3A_42 = arith.constant 0 : i32
          %dma_wait3A_43 = tpu.memref_slice %arg11[%multiple_of3A, %dma_wait3A_42] : memref<10000x128xf32, #tpu.memory_space<vmem_shared>> -> memref<640x128xf32, #tpu.memory_space<vmem_shared>>
          tpu.wait_dma2 semaphore(%run_scoped3A : memref<!tpu.dma_semaphore, #tpu.memory_space<semaphore_mem>>) src(%dma_wait3A_43 : memref<640x128xf32, #tpu.memory_space<vmem_shared>>) dst(%dma_wait3A_41 : memref<640x128xf32, #tpu.memory_space<hbm>>)
          tpu.yield
        }) : () -> ()
      } else {
      }
      %eq3A_33 = arith.constant 15 : i32
      %eq3A_34 = arith.cmpi eq, %arg1, %eq3A_33 : i32
      %convert_element_type3A_35 = arith.extui %eq3A_34 : i1 to i32
      %cond3A_36 = arith.constant 0 : i32
      %cond3A_37 = arith.cmpi ne, %convert_element_type3A_35, %cond3A_36 : i32
      scf.if %cond3A_37 {
        "tpu.region"() ({
          %run_scoped3A = tpu.sem_alloc : memref<!tpu.dma_semaphore, #tpu.memory_space<semaphore_mem>>
          %dma_start3A = arith.constant 9600 : i32
          %dma_start3A_38 = arith.constant 0 : i32
          %dma_start3A_39 = tpu.memref_slice %arg6[%dma_start3A, %dma_start3A_38] : memref<10000x128xf32, #tpu.memory_space<hbm>> -> memref<400x128xf32, #tpu.memory_space<hbm>>
          %dma_start3A_40 = arith.constant 9600 : i32
          %dma_start3A_41 = arith.constant 0 : i32
          %dma_start3A_42 = tpu.memref_slice %arg11[%dma_start3A_40, %dma_start3A_41] : memref<10000x128xf32, #tpu.memory_space<vmem_shared>> -> memref<400x128xf32, #tpu.memory_space<vmem_shared>>
          tpu.enqueue_dma source(%dma_start3A_42 : memref<400x128xf32, #tpu.memory_space<vmem_shared>>) target(%dma_start3A_39 : memref<400x128xf32, #tpu.memory_space<hbm>>) target_semaphore(%run_scoped3A : memref<!tpu.dma_semaphore, #tpu.memory_space<semaphore_mem>>)
          %dma_wait3A = arith.constant 9600 : i32
          %dma_wait3A_43 = arith.constant 0 : i32
          %dma_wait3A_44 = tpu.memref_slice %arg6[%dma_wait3A, %dma_wait3A_43] : memref<10000x128xf32, #tpu.memory_space<hbm>> -> memref<400x128xf32, #tpu.memory_space<hbm>>
          %dma_wait3A_45 = arith.constant 9600 : i32
          %dma_wait3A_46 = arith.constant 0 : i32
          %dma_wait3A_47 = tpu.memref_slice %arg11[%dma_wait3A_45, %dma_wait3A_46] : memref<10000x128xf32, #tpu.memory_space<vmem_shared>> -> memref<400x128xf32, #tpu.memory_space<vmem_shared>>
          tpu.wait_dma2 semaphore(%run_scoped3A : memref<!tpu.dma_semaphore, #tpu.memory_space<semaphore_mem>>) src(%dma_wait3A_47 : memref<400x128xf32, #tpu.memory_space<vmem_shared>>) dst(%dma_wait3A_44 : memref<400x128xf32, #tpu.memory_space<hbm>>)
          tpu.yield
        }) : () -> ()
      } else {
      }
    } else {
    }
    %eq3A_23 = arith.constant 1 : i32
    %eq3A_24 = arith.cmpi eq, %arg0, %eq3A_23 : i32
    %convert_element_type3A_25 = arith.extui %eq3A_24 : i1 to i32
    %cond3A_26 = arith.constant 0 : i32
    %cond3A_27 = arith.cmpi ne, %convert_element_type3A_25, %cond3A_26 : i32
    scf.if %cond3A_27 {
      %mul3A = arith.constant 640 : i32
      %mul3A_28 = arith.muli %arg1, %mul3A : i32
      %multiple_of3A = tpu.assume_multiple %mul3A_28, 8 : i32
      %lt3A = arith.constant 15 : i32
      %lt3A_29 = arith.cmpi slt, %arg1, %lt3A : i32
      %convert_element_type3A_30 = arith.extui %lt3A_29 : i1 to i32
      %cond3A_31 = arith.constant 0 : i32
      %cond3A_32 = arith.cmpi ne, %convert_element_type3A_30, %cond3A_31 : i32
      scf.if %cond3A_32 {
        "tpu.region"() ({
          %run_scoped3A = tpu.sem_alloc : memref<!tpu.dma_semaphore, #tpu.memory_space<semaphore_mem>>
          %dma_start3A = arith.constant 0 : i32
          %dma_start3A_38 = tpu.memref_slice %arg7[%multiple_of3A, %dma_start3A] : memref<10000x128xf32, #tpu.memory_space<hbm>> -> memref<640x128xf32, #tpu.memory_space<hbm>>
          %dma_start3A_39 = arith.constant 0 : i32
          %dma_start3A_40 = tpu.memref_slice %arg11[%multiple_of3A, %dma_start3A_39] : memref<10000x128xf32, #tpu.memory_space<vmem_shared>> -> memref<640x128xf32, #tpu.memory_space<vmem_shared>>
          tpu.enqueue_dma source(%dma_start3A_40 : memref<640x128xf32, #tpu.memory_space<vmem_shared>>) target(%dma_start3A_38 : memref<640x128xf32, #tpu.memory_space<hbm>>) target_semaphore(%run_scoped3A : memref<!tpu.dma_semaphore, #tpu.memory_space<semaphore_mem>>)
          %dma_wait3A = arith.constant 0 : i32
          %dma_wait3A_41 = tpu.memref_slice %arg7[%multiple_of3A, %dma_wait3A] : memref<10000x128xf32, #tpu.memory_space<hbm>> -> memref<640x128xf32, #tpu.memory_space<hbm>>
          %dma_wait3A_42 = arith.constant 0 : i32
          %dma_wait3A_43 = tpu.memref_slice %arg11[%multiple_of3A, %dma_wait3A_42] : memref<10000x128xf32, #tpu.memory_space<vmem_shared>> -> memref<640x128xf32, #tpu.memory_space<vmem_shared>>
          tpu.wait_dma2 semaphore(%run_scoped3A : memref<!tpu.dma_semaphore, #tpu.memory_space<semaphore_mem>>) src(%dma_wait3A_43 : memref<640x128xf32, #tpu.memory_space<vmem_shared>>) dst(%dma_wait3A_41 : memref<640x128xf32, #tpu.memory_space<hbm>>)
          tpu.yield
        }) : () -> ()
      } else {
      }
      %eq3A_33 = arith.constant 15 : i32
      %eq3A_34 = arith.cmpi eq, %arg1, %eq3A_33 : i32
      %convert_element_type3A_35 = arith.extui %eq3A_34 : i1 to i32
      %cond3A_36 = arith.constant 0 : i32
      %cond3A_37 = arith.cmpi ne, %convert_element_type3A_35, %cond3A_36 : i32
      scf.if %cond3A_37 {
        "tpu.region"() ({
          %run_scoped3A = tpu.sem_alloc : memref<!tpu.dma_semaphore, #tpu.memory_space<semaphore_mem>>
          %dma_start3A = arith.constant 9600 : i32
          %dma_start3A_38 = arith.constant 0 : i32
          %dma_start3A_39 = tpu.memref_slice %arg7[%dma_start3A, %dma_start3A_38] : memref<10000x128xf32, #tpu.memory_space<hbm>> -> memref<400x128xf32, #tpu.memory_space<hbm>>
          %dma_start3A_40 = arith.constant 9600 : i32
          %dma_start3A_41 = arith.constant 0 : i32
          %dma_start3A_42 = tpu.memref_slice %arg11[%dma_start3A_40, %dma_start3A_41] : memref<10000x128xf32, #tpu.memory_space<vmem_shared>> -> memref<400x128xf32, #tpu.memory_space<vmem_shared>>
          tpu.enqueue_dma source(%dma_start3A_42 : memref<400x128xf32, #tpu.memory_space<vmem_shared>>) target(%dma_start3A_39 : memref<400x128xf32, #tpu.memory_space<hbm>>) target_semaphore(%run_scoped3A : memref<!tpu.dma_semaphore, #tpu.memory_space<semaphore_mem>>)
          %dma_wait3A = arith.constant 9600 : i32
          %dma_wait3A_43 = arith.constant 0 : i32
          %dma_wait3A_44 = tpu.memref_slice %arg7[%dma_wait3A, %dma_wait3A_43] : memref<10000x128xf32, #tpu.memory_space<hbm>> -> memref<400x128xf32, #tpu.memory_space<hbm>>
          %dma_wait3A_45 = arith.constant 9600 : i32
          %dma_wait3A_46 = arith.constant 0 : i32
          %dma_wait3A_47 = tpu.memref_slice %arg11[%dma_wait3A_45, %dma_wait3A_46] : memref<10000x128xf32, #tpu.memory_space<vmem_shared>> -> memref<400x128xf32, #tpu.memory_space<vmem_shared>>
          tpu.wait_dma2 semaphore(%run_scoped3A : memref<!tpu.dma_semaphore, #tpu.memory_space<semaphore_mem>>) src(%dma_wait3A_47 : memref<400x128xf32, #tpu.memory_space<vmem_shared>>) dst(%dma_wait3A_44 : memref<400x128xf32, #tpu.memory_space<hbm>>)
          tpu.yield
        }) : () -> ()
      } else {
      }
    } else {
    }
    return
  }
}

#map = affine_map<(d0, d1) -> (0, 0)>
module attributes {stable_mosaic.version = 14 : i64} {
  func.func @_agg_body(%arg0: i32, %arg1: i32, %arg2: memref<10000x128xf32, #tpu.memory_space<hbm>>, %arg3: memref<10000x128xf32, #tpu.memory_space<hbm>>, %arg4: memref<2560x125xi32, #tpu.memory_space<hbm>>, %arg5: memref<2560x125xi32, #tpu.memory_space<hbm>>, %arg6: memref<10000x128xf32, #tpu.memory_space<hbm>>, %arg7: memref<10000x128xf32, #tpu.memory_space<hbm>>, %arg8: memref<40x125xi32, #tpu.memory_space<vmem>>, %arg9: memref<40x125xi32, #tpu.memory_space<vmem>>, %arg10: memref<2x125x128xf32, #tpu.memory_space<vmem>>, %arg11: memref<10000x128xf32, #tpu.memory_space<vmem_shared>>, %arg12: memref<!tpu.dma_semaphore, #tpu.memory_space<semaphore_mem>>, %arg13: memref<!tpu.dma_semaphore, #tpu.memory_space<semaphore_mem>>) attributes {dimension_semantics = [#tpu.dimension_semantics<core_parallel>, #tpu.dimension_semantics<subcore_parallel>], iteration_bounds = array<i64: 2, 16>, scalar_prefetch = 0 : i64, scratch_operands = 6 : i64, tpu.core_type = #tpu.core_type<sc_vector_subcore>, window_params = [{transform_indices = #map}, {transform_indices = #map}, {transform_indices = #map}, {transform_indices = #map}, {transform_indices = #map}, {transform_indices = #map}]} {
    %eq3A = arith.constant 0 : i32
    %eq3A_0 = arith.cmpi eq, %arg0, %eq3A : i32
    %convert_element_type3A = arith.extui %eq3A_0 : i1 to i32
    %cond3A = arith.constant 0 : i32
    %cond3A_1 = arith.cmpi ne, %convert_element_type3A, %cond3A : i32
    scf.if %cond3A_1 {
      %mul3A = arith.constant 640 : i32
      %mul3A_28 = arith.muli %arg1, %mul3A : i32
      %multiple_of3A = tpu.assume_multiple %mul3A_28, 8 : i32
      %lt3A = arith.constant 15 : i32
      %lt3A_29 = arith.cmpi slt, %arg1, %lt3A : i32
      %convert_element_type3A_30 = arith.extui %lt3A_29 : i1 to i32
      %cond3A_31 = arith.constant 0 : i32
      %cond3A_32 = arith.cmpi ne, %convert_element_type3A_30, %cond3A_31 : i32
      scf.if %cond3A_32 {
        "tpu.region"() ({
          %run_scoped3A = tpu.sem_alloc : memref<!tpu.dma_semaphore, #tpu.memory_space<semaphore_mem>>
          %dma_start3A = arith.constant 0 : i32
          %dma_start3A_38 = tpu.memref_slice %arg11[%multiple_of3A, %dma_start3A] : memref<10000x128xf32, #tpu.memory_space<vmem_shared>> -> memref<640x128xf32, #tpu.memory_space<vmem_shared>>
          %dma_start3A_39 = arith.constant 0 : i32
          %dma_start3A_40 = tpu.memref_slice %arg2[%multiple_of3A, %dma_start3A_39] : memref<10000x128xf32, #tpu.memory_space<hbm>> -> memref<640x128xf32, #tpu.memory_space<hbm>>
          tpu.enqueue_dma source(%dma_start3A_40 : memref<640x128xf32, #tpu.memory_space<hbm>>) target(%dma_start3A_38 : memref<640x128xf32, #tpu.memory_space<vmem_shared>>) target_semaphore(%run_scoped3A : memref<!tpu.dma_semaphore, #tpu.memory_space<semaphore_mem>>)
          %dma_wait3A = arith.constant 0 : i32
          %dma_wait3A_41 = tpu.memref_slice %arg11[%multiple_of3A, %dma_wait3A] : memref<10000x128xf32, #tpu.memory_space<vmem_shared>> -> memref<640x128xf32, #tpu.memory_space<vmem_shared>>
          %dma_wait3A_42 = arith.constant 0 : i32
          %dma_wait3A_43 = tpu.memref_slice %arg2[%multiple_of3A, %dma_wait3A_42] : memref<10000x128xf32, #tpu.memory_space<hbm>> -> memref<640x128xf32, #tpu.memory_space<hbm>>
          tpu.wait_dma2 semaphore(%run_scoped3A : memref<!tpu.dma_semaphore, #tpu.memory_space<semaphore_mem>>) src(%dma_wait3A_43 : memref<640x128xf32, #tpu.memory_space<hbm>>) dst(%dma_wait3A_41 : memref<640x128xf32, #tpu.memory_space<vmem_shared>>)
          tpu.yield
        }) : () -> ()
      } else {
      }
      %eq3A_33 = arith.constant 15 : i32
      %eq3A_34 = arith.cmpi eq, %arg1, %eq3A_33 : i32
      %convert_element_type3A_35 = arith.extui %eq3A_34 : i1 to i32
      %cond3A_36 = arith.constant 0 : i32
      %cond3A_37 = arith.cmpi ne, %convert_element_type3A_35, %cond3A_36 : i32
      scf.if %cond3A_37 {
        "tpu.region"() ({
          %run_scoped3A = tpu.sem_alloc : memref<!tpu.dma_semaphore, #tpu.memory_space<semaphore_mem>>
          %dma_start3A = arith.constant 9600 : i32
          %dma_start3A_38 = arith.constant 0 : i32
          %dma_start3A_39 = tpu.memref_slice %arg11[%dma_start3A, %dma_start3A_38] : memref<10000x128xf32, #tpu.memory_space<vmem_shared>> -> memref<400x128xf32, #tpu.memory_space<vmem_shared>>
          %dma_start3A_40 = arith.constant 9600 : i32
          %dma_start3A_41 = arith.constant 0 : i32
          %dma_start3A_42 = tpu.memref_slice %arg2[%dma_start3A_40, %dma_start3A_41] : memref<10000x128xf32, #tpu.memory_space<hbm>> -> memref<400x128xf32, #tpu.memory_space<hbm>>
          tpu.enqueue_dma source(%dma_start3A_42 : memref<400x128xf32, #tpu.memory_space<hbm>>) target(%dma_start3A_39 : memref<400x128xf32, #tpu.memory_space<vmem_shared>>) target_semaphore(%run_scoped3A : memref<!tpu.dma_semaphore, #tpu.memory_space<semaphore_mem>>)
          %dma_wait3A = arith.constant 9600 : i32
          %dma_wait3A_43 = arith.constant 0 : i32
          %dma_wait3A_44 = tpu.memref_slice %arg11[%dma_wait3A, %dma_wait3A_43] : memref<10000x128xf32, #tpu.memory_space<vmem_shared>> -> memref<400x128xf32, #tpu.memory_space<vmem_shared>>
          %dma_wait3A_45 = arith.constant 9600 : i32
          %dma_wait3A_46 = arith.constant 0 : i32
          %dma_wait3A_47 = tpu.memref_slice %arg2[%dma_wait3A_45, %dma_wait3A_46] : memref<10000x128xf32, #tpu.memory_space<hbm>> -> memref<400x128xf32, #tpu.memory_space<hbm>>
          tpu.wait_dma2 semaphore(%run_scoped3A : memref<!tpu.dma_semaphore, #tpu.memory_space<semaphore_mem>>) src(%dma_wait3A_47 : memref<400x128xf32, #tpu.memory_space<hbm>>) dst(%dma_wait3A_44 : memref<400x128xf32, #tpu.memory_space<vmem_shared>>)
          tpu.yield
        }) : () -> ()
      } else {
      }
    } else {
    }
    %eq3A_2 = arith.constant 1 : i32
    %eq3A_3 = arith.cmpi eq, %arg0, %eq3A_2 : i32
    %convert_element_type3A_4 = arith.extui %eq3A_3 : i1 to i32
    %cond3A_5 = arith.constant 0 : i32
    %cond3A_6 = arith.cmpi ne, %convert_element_type3A_4, %cond3A_5 : i32
    scf.if %cond3A_6 {
      %mul3A = arith.constant 640 : i32
      %mul3A_28 = arith.muli %arg1, %mul3A : i32
      %multiple_of3A = tpu.assume_multiple %mul3A_28, 8 : i32
      %lt3A = arith.constant 15 : i32
      %lt3A_29 = arith.cmpi slt, %arg1, %lt3A : i32
      %convert_element_type3A_30 = arith.extui %lt3A_29 : i1 to i32
      %cond3A_31 = arith.constant 0 : i32
      %cond3A_32 = arith.cmpi ne, %convert_element_type3A_30, %cond3A_31 : i32
      scf.if %cond3A_32 {
        "tpu.region"() ({
          %run_scoped3A = tpu.sem_alloc : memref<!tpu.dma_semaphore, #tpu.memory_space<semaphore_mem>>
          %dma_start3A = arith.constant 0 : i32
          %dma_start3A_38 = tpu.memref_slice %arg11[%multiple_of3A, %dma_start3A] : memref<10000x128xf32, #tpu.memory_space<vmem_shared>> -> memref<640x128xf32, #tpu.memory_space<vmem_shared>>
          %dma_start3A_39 = arith.constant 0 : i32
          %dma_start3A_40 = tpu.memref_slice %arg3[%multiple_of3A, %dma_start3A_39] : memref<10000x128xf32, #tpu.memory_space<hbm>> -> memref<640x128xf32, #tpu.memory_space<hbm>>
          tpu.enqueue_dma source(%dma_start3A_40 : memref<640x128xf32, #tpu.memory_space<hbm>>) target(%dma_start3A_38 : memref<640x128xf32, #tpu.memory_space<vmem_shared>>) target_semaphore(%run_scoped3A : memref<!tpu.dma_semaphore, #tpu.memory_space<semaphore_mem>>)
          %dma_wait3A = arith.constant 0 : i32
          %dma_wait3A_41 = tpu.memref_slice %arg11[%multiple_of3A, %dma_wait3A] : memref<10000x128xf32, #tpu.memory_space<vmem_shared>> -> memref<640x128xf32, #tpu.memory_space<vmem_shared>>
          %dma_wait3A_42 = arith.constant 0 : i32
          %dma_wait3A_43 = tpu.memref_slice %arg3[%multiple_of3A, %dma_wait3A_42] : memref<10000x128xf32, #tpu.memory_space<hbm>> -> memref<640x128xf32, #tpu.memory_space<hbm>>
          tpu.wait_dma2 semaphore(%run_scoped3A : memref<!tpu.dma_semaphore, #tpu.memory_space<semaphore_mem>>) src(%dma_wait3A_43 : memref<640x128xf32, #tpu.memory_space<hbm>>) dst(%dma_wait3A_41 : memref<640x128xf32, #tpu.memory_space<vmem_shared>>)
          tpu.yield
        }) : () -> ()
      } else {
      }
      %eq3A_33 = arith.constant 15 : i32
      %eq3A_34 = arith.cmpi eq, %arg1, %eq3A_33 : i32
      %convert_element_type3A_35 = arith.extui %eq3A_34 : i1 to i32
      %cond3A_36 = arith.constant 0 : i32
      %cond3A_37 = arith.cmpi ne, %convert_element_type3A_35, %cond3A_36 : i32
      scf.if %cond3A_37 {
        "tpu.region"() ({
          %run_scoped3A = tpu.sem_alloc : memref<!tpu.dma_semaphore, #tpu.memory_space<semaphore_mem>>
          %dma_start3A = arith.constant 9600 : i32
          %dma_start3A_38 = arith.constant 0 : i32
          %dma_start3A_39 = tpu.memref_slice %arg11[%dma_start3A, %dma_start3A_38] : memref<10000x128xf32, #tpu.memory_space<vmem_shared>> -> memref<400x128xf32, #tpu.memory_space<vmem_shared>>
          %dma_start3A_40 = arith.constant 9600 : i32
          %dma_start3A_41 = arith.constant 0 : i32
          %dma_start3A_42 = tpu.memref_slice %arg3[%dma_start3A_40, %dma_start3A_41] : memref<10000x128xf32, #tpu.memory_space<hbm>> -> memref<400x128xf32, #tpu.memory_space<hbm>>
          tpu.enqueue_dma source(%dma_start3A_42 : memref<400x128xf32, #tpu.memory_space<hbm>>) target(%dma_start3A_39 : memref<400x128xf32, #tpu.memory_space<vmem_shared>>) target_semaphore(%run_scoped3A : memref<!tpu.dma_semaphore, #tpu.memory_space<semaphore_mem>>)
          %dma_wait3A = arith.constant 9600 : i32
          %dma_wait3A_43 = arith.constant 0 : i32
          %dma_wait3A_44 = tpu.memref_slice %arg11[%dma_wait3A, %dma_wait3A_43] : memref<10000x128xf32, #tpu.memory_space<vmem_shared>> -> memref<400x128xf32, #tpu.memory_space<vmem_shared>>
          %dma_wait3A_45 = arith.constant 9600 : i32
          %dma_wait3A_46 = arith.constant 0 : i32
          %dma_wait3A_47 = tpu.memref_slice %arg3[%dma_wait3A_45, %dma_wait3A_46] : memref<10000x128xf32, #tpu.memory_space<hbm>> -> memref<400x128xf32, #tpu.memory_space<hbm>>
          tpu.wait_dma2 semaphore(%run_scoped3A : memref<!tpu.dma_semaphore, #tpu.memory_space<semaphore_mem>>) src(%dma_wait3A_47 : memref<400x128xf32, #tpu.memory_space<hbm>>) dst(%dma_wait3A_44 : memref<400x128xf32, #tpu.memory_space<vmem_shared>>)
          tpu.yield
        }) : () -> ()
      } else {
      }
    } else {
    }
    %barrier3A = arith.constant 0 : index
    tpu.barrier barrier_id(%barrier3A)
    %eq3A_7 = arith.constant 0 : i32
    %eq3A_8 = arith.cmpi eq, %arg0, %eq3A_7 : i32
    %convert_element_type3A_9 = arith.extui %eq3A_8 : i1 to i32
    %cond3A_10 = arith.constant 0 : i32
    %cond3A_11 = arith.cmpi ne, %convert_element_type3A_9, %cond3A_10 : i32
    scf.if %cond3A_11 {
      %scan3A = arith.constant 0 : i32
      %scan3A_28 = arith.constant 0 : i32
      %scan3A_29 = arith.constant 4 : i32
      %scan3A_30 = arith.addi %scan3A_28, %scan3A_29 : i32
      %scan3A_31 = arith.constant 1 : i32
      %scan3A_32 = scf.for %scan3A_34 = %scan3A_28 to %scan3A_30 step %scan3A_31 iter_args(%scan3A_35 = %scan3A) -> (i32)  : i32 {
        %mul3A = arith.constant 160 : i32
        %mul3A_36 = arith.muli %arg1, %mul3A : i32
        %mul3A_37 = arith.constant 40 : i32
        %mul3A_38 = arith.muli %scan3A_34, %mul3A_37 : i32
        %add3A = arith.addi %mul3A_36, %mul3A_38 : i32
        %multiple_of3A = tpu.assume_multiple %add3A, 8 : i32
        "tpu.region"() ({
          %run_scoped3A = tpu.sem_alloc : memref<!tpu.dma_semaphore, #tpu.memory_space<semaphore_mem>>
          %dma_start3A_81 = arith.constant 0 : i32
          %dma_start3A_82 = tpu.memref_slice %arg4[%multiple_of3A, %dma_start3A_81] : memref<2560x125xi32, #tpu.memory_space<hbm>> -> memref<40x125xi32, #tpu.memory_space<hbm>>
          %dma_start3A_83 = arith.constant 0 : i32
          %dma_start3A_84 = tpu.memref_slice %arg4[%multiple_of3A, %dma_start3A_83] : memref<2560x125xi32, #tpu.memory_space<hbm>> -> memref<40x125xi32, #tpu.memory_space<hbm>>
          tpu.enqueue_dma source(%dma_start3A_84 : memref<40x125xi32, #tpu.memory_space<hbm>>) target(%arg8 : memref<40x125xi32, #tpu.memory_space<vmem>>) target_semaphore(%run_scoped3A : memref<!tpu.dma_semaphore, #tpu.memory_space<semaphore_mem>>)
          %dma_wait3A_85 = arith.constant 0 : i32
          %dma_wait3A_86 = tpu.memref_slice %arg4[%multiple_of3A, %dma_wait3A_85] : memref<2560x125xi32, #tpu.memory_space<hbm>> -> memref<40x125xi32, #tpu.memory_space<hbm>>
          %dma_wait3A_87 = arith.constant 0 : i32
          %dma_wait3A_88 = tpu.memref_slice %arg4[%multiple_of3A, %dma_wait3A_87] : memref<2560x125xi32, #tpu.memory_space<hbm>> -> memref<40x125xi32, #tpu.memory_space<hbm>>
          tpu.wait_dma2 semaphore(%run_scoped3A : memref<!tpu.dma_semaphore, #tpu.memory_space<semaphore_mem>>) src(%dma_wait3A_88 : memref<40x125xi32, #tpu.memory_space<hbm>>) dst(%arg8 : memref<40x125xi32, #tpu.memory_space<vmem>>)
          tpu.yield
        }) : () -> ()
        "tpu.region"() ({
          %run_scoped3A = tpu.sem_alloc : memref<!tpu.dma_semaphore, #tpu.memory_space<semaphore_mem>>
          %dma_start3A_81 = arith.constant 0 : i32
          %dma_start3A_82 = tpu.memref_slice %arg5[%multiple_of3A, %dma_start3A_81] : memref<2560x125xi32, #tpu.memory_space<hbm>> -> memref<40x125xi32, #tpu.memory_space<hbm>>
          %dma_start3A_83 = arith.constant 0 : i32
          %dma_start3A_84 = tpu.memref_slice %arg5[%multiple_of3A, %dma_start3A_83] : memref<2560x125xi32, #tpu.memory_space<hbm>> -> memref<40x125xi32, #tpu.memory_space<hbm>>
          tpu.enqueue_dma source(%dma_start3A_84 : memref<40x125xi32, #tpu.memory_space<hbm>>) target(%arg9 : memref<40x125xi32, #tpu.memory_space<vmem>>) target_semaphore(%run_scoped3A : memref<!tpu.dma_semaphore, #tpu.memory_space<semaphore_mem>>)
          %dma_wait3A_85 = arith.constant 0 : i32
          %dma_wait3A_86 = tpu.memref_slice %arg5[%multiple_of3A, %dma_wait3A_85] : memref<2560x125xi32, #tpu.memory_space<hbm>> -> memref<40x125xi32, #tpu.memory_space<hbm>>
          %dma_wait3A_87 = arith.constant 0 : i32
          %dma_wait3A_88 = tpu.memref_slice %arg5[%multiple_of3A, %dma_wait3A_87] : memref<2560x125xi32, #tpu.memory_space<hbm>> -> memref<40x125xi32, #tpu.memory_space<hbm>>
          tpu.wait_dma2 semaphore(%run_scoped3A : memref<!tpu.dma_semaphore, #tpu.memory_space<semaphore_mem>>) src(%dma_wait3A_88 : memref<40x125xi32, #tpu.memory_space<hbm>>) dst(%arg9 : memref<40x125xi32, #tpu.memory_space<vmem>>)
          tpu.yield
        }) : () -> ()
        %dma_start3A = arith.constant 0 : i32
        %dma_start3A_39 = arith.constant 0 : i32
        %dma_start3A_40 = arith.constant 0 : i32
        %dma_start3A_41 = arith.constant 0 : i32
        %dma_start3A_42 = tpu.memref_slice %arg10[%dma_start3A_39, %dma_start3A_40, %dma_start3A_41] : memref<2x125x128xf32, #tpu.memory_space<vmem>> -> memref<1x125x128xf32, #tpu.memory_space<vmem>>
        %dma_start3A_43 = tpu.memref_squeeze %dma_start3A_42 : memref<1x125x128xf32, #tpu.memory_space<vmem>> -> memref<125x128xf32, #tpu.memory_space<vmem>>
        %dma_start3A_44 = arith.constant 0 : i32
        %dma_start3A_45 = tpu.memref_slice %arg8[%dma_start3A, %dma_start3A_44] : memref<40x125xi32, #tpu.memory_space<vmem>> -> memref<1x125xi32, #tpu.memory_space<vmem>>
        %dma_start3A_46 = tpu.memref_squeeze %dma_start3A_45 : memref<1x125xi32, #tpu.memory_space<vmem>> -> memref<125xi32, #tpu.memory_space<vmem>>
        %dma_start3A_47 = arith.constant 0 : i32
        %dma_start3A_48 = arith.constant 0 : i32
        %dma_start3A_49 = tpu.memref_slice %arg2[%dma_start3A_47, %dma_start3A_48] : memref<10000x128xf32, #tpu.memory_space<hbm>> -> memref<10000x128xf32, #tpu.memory_space<hbm>>
        tpu.enqueue_indirect_dma source(%dma_start3A_49 : memref<10000x128xf32, #tpu.memory_space<hbm>>) target(%dma_start3A_43 : memref<125x128xf32, #tpu.memory_space<vmem>>) offsets(%dma_start3A_46 : memref<125xi32, #tpu.memory_space<vmem>>) semaphore(%arg12 : memref<!tpu.dma_semaphore, #tpu.memory_space<semaphore_mem>>)
        %scan3A_50 = arith.constant 0 : i32
        %scan3A_51 = arith.constant 0 : i32
        %scan3A_52 = arith.constant 40 : i32
        %scan3A_53 = arith.addi %scan3A_51, %scan3A_52 : i32
        %scan3A_54 = arith.constant 1 : i32
        %scan3A_55 = scf.for %scan3A_81 = %scan3A_51 to %scan3A_53 step %scan3A_54 iter_args(%scan3A_82 = %scan3A_50) -> (i32)  : i32 {
          %rem3A = arith.constant 2 : i32
          %rem3A_83 = arith.remsi %scan3A_81, %rem3A : i32
          %dma_wait3A_84 = arith.constant 0 : i32
          %dma_wait3A_85 = arith.constant 0 : i32
          %dma_wait3A_86 = tpu.memref_slice %arg10[%rem3A_83, %dma_wait3A_84, %dma_wait3A_85] : memref<2x125x128xf32, #tpu.memory_space<vmem>> -> memref<1x125x128xf32, #tpu.memory_space<vmem>>
          %dma_wait3A_87 = tpu.memref_squeeze %dma_wait3A_86 : memref<1x125x128xf32, #tpu.memory_space<vmem>> -> memref<125x128xf32, #tpu.memory_space<vmem>>
          %dma_wait3A_88 = arith.constant 0 : i32
          %dma_wait3A_89 = tpu.memref_slice %arg8[%scan3A_81, %dma_wait3A_88] : memref<40x125xi32, #tpu.memory_space<vmem>> -> memref<1x125xi32, #tpu.memory_space<vmem>>
          %dma_wait3A_90 = tpu.memref_squeeze %dma_wait3A_89 : memref<1x125xi32, #tpu.memory_space<vmem>> -> memref<125xi32, #tpu.memory_space<vmem>>
          %dma_wait3A_91 = arith.constant 0 : i32
          %dma_wait3A_92 = arith.constant 0 : i32
          %dma_wait3A_93 = tpu.memref_slice %arg2[%dma_wait3A_91, %dma_wait3A_92] : memref<10000x128xf32, #tpu.memory_space<hbm>> -> memref<10000x128xf32, #tpu.memory_space<hbm>>
          tpu.wait_indirect_dma semaphore(%arg12 : memref<!tpu.dma_semaphore, #tpu.memory_space<semaphore_mem>>) src(%dma_wait3A_93 : memref<10000x128xf32, #tpu.memory_space<hbm>>) dst(%dma_wait3A_87 : memref<125x128xf32, #tpu.memory_space<vmem>>)
          %dma_start3A_94 = arith.constant 0 : i32
          %dma_start3A_95 = arith.constant 0 : i32
          %dma_start3A_96 = tpu.memref_slice %arg10[%rem3A_83, %dma_start3A_94, %dma_start3A_95] : memref<2x125x128xf32, #tpu.memory_space<vmem>> -> memref<1x125x128xf32, #tpu.memory_space<vmem>>
          %dma_start3A_97 = tpu.memref_squeeze %dma_start3A_96 : memref<1x125x128xf32, #tpu.memory_space<vmem>> -> memref<125x128xf32, #tpu.memory_space<vmem>>
          %dma_start3A_98 = arith.constant 0 : i32
          %dma_start3A_99 = tpu.memref_slice %arg9[%scan3A_81, %dma_start3A_98] : memref<40x125xi32, #tpu.memory_space<vmem>> -> memref<1x125xi32, #tpu.memory_space<vmem>>
          %dma_start3A_100 = tpu.memref_squeeze %dma_start3A_99 : memref<1x125xi32, #tpu.memory_space<vmem>> -> memref<125xi32, #tpu.memory_space<vmem>>
          %dma_start3A_101 = arith.constant 0 : i32
          %dma_start3A_102 = arith.constant 0 : i32
          %dma_start3A_103 = tpu.memref_slice %arg11[%dma_start3A_101, %dma_start3A_102] : memref<10000x128xf32, #tpu.memory_space<vmem_shared>> -> memref<10000x128xf32, #tpu.memory_space<vmem_shared>>
          tpu.enqueue_indirect_dma source(%dma_start3A_97 : memref<125x128xf32, #tpu.memory_space<vmem>>) target(%dma_start3A_103 : memref<10000x128xf32, #tpu.memory_space<vmem_shared>>) offsets(%dma_start3A_100 : memref<125xi32, #tpu.memory_space<vmem>>) semaphore(%arg13 : memref<!tpu.dma_semaphore, #tpu.memory_space<semaphore_mem>>) {add = true}
          %add3A_104 = arith.constant 1 : i32
          %add3A_105 = arith.addi %scan3A_81, %add3A_104 : i32
          %lt3A = arith.constant 40 : i32
          %lt3A_106 = arith.cmpi slt, %add3A_105, %lt3A : i32
          %convert_element_type3A_107 = arith.extui %lt3A_106 : i1 to i32
          %cond3A_108 = arith.constant 0 : i32
          %cond3A_109 = arith.cmpi ne, %convert_element_type3A_107, %cond3A_108 : i32
          scf.if %cond3A_109 {
            %ge3A = arith.constant 1 : i32
            %ge3A_111 = arith.cmpi sge, %scan3A_81, %ge3A : i32
            %convert_element_type3A_112 = arith.extui %ge3A_111 : i1 to i32
            %cond3A_113 = arith.constant 0 : i32
            %cond3A_114 = arith.cmpi ne, %convert_element_type3A_112, %cond3A_113 : i32
            scf.if %cond3A_114 {
              %sub3A_128 = arith.constant 1 : i32
              %sub3A_129 = arith.subi %sub3A_128, %rem3A_83 : i32
              %sub3A_130 = arith.constant 1 : i32
              %sub3A_131 = arith.subi %scan3A_81, %sub3A_130 : i32
              %dma_wait3A_132 = arith.constant 0 : i32
              %dma_wait3A_133 = arith.constant 0 : i32
              %dma_wait3A_134 = tpu.memref_slice %arg10[%sub3A_129, %dma_wait3A_132, %dma_wait3A_133] : memref<2x125x128xf32, #tpu.memory_space<vmem>> -> memref<1x125x128xf32, #tpu.memory_space<vmem>>
              %dma_wait3A_135 = tpu.memref_squeeze %dma_wait3A_134 : memref<1x125x128xf32, #tpu.memory_space<vmem>> -> memref<125x128xf32, #tpu.memory_space<vmem>>
              %dma_wait3A_136 = arith.constant 0 : i32
              %dma_wait3A_137 = tpu.memref_slice %arg9[%sub3A_131, %dma_wait3A_136] : memref<40x125xi32, #tpu.memory_space<vmem>> -> memref<1x125xi32, #tpu.memory_space<vmem>>
              %dma_wait3A_138 = tpu.memref_squeeze %dma_wait3A_137 : memref<1x125xi32, #tpu.memory_space<vmem>> -> memref<125xi32, #tpu.memory_space<vmem>>
              %dma_wait3A_139 = arith.constant 0 : i32
              %dma_wait3A_140 = arith.constant 0 : i32
              %dma_wait3A_141 = tpu.memref_slice %arg11[%dma_wait3A_139, %dma_wait3A_140] : memref<10000x128xf32, #tpu.memory_space<vmem_shared>> -> memref<10000x128xf32, #tpu.memory_space<vmem_shared>>
              tpu.wait_indirect_dma semaphore(%arg13 : memref<!tpu.dma_semaphore, #tpu.memory_space<semaphore_mem>>) src(%dma_wait3A_135 : memref<125x128xf32, #tpu.memory_space<vmem>>) dst(%dma_wait3A_141 : memref<10000x128xf32, #tpu.memory_space<vmem_shared>>)
            } else {
            }
            %add3A_115 = arith.constant 1 : i32
            %add3A_116 = arith.addi %scan3A_81, %add3A_115 : i32
            %sub3A = arith.constant 1 : i32
            %sub3A_117 = arith.subi %sub3A, %rem3A_83 : i32
            %dma_start3A_118 = arith.constant 0 : i32
            %dma_start3A_119 = arith.constant 0 : i32
            %dma_start3A_120 = tpu.memref_slice %arg10[%sub3A_117, %dma_start3A_118, %dma_start3A_119] : memref<2x125x128xf32, #tpu.memory_space<vmem>> -> memref<1x125x128xf32, #tpu.memory_space<vmem>>
            %dma_start3A_121 = tpu.memref_squeeze %dma_start3A_120 : memref<1x125x128xf32, #tpu.memory_space<vmem>> -> memref<125x128xf32, #tpu.memory_space<vmem>>
            %dma_start3A_122 = arith.constant 0 : i32
            %dma_start3A_123 = tpu.memref_slice %arg8[%add3A_116, %dma_start3A_122] : memref<40x125xi32, #tpu.memory_space<vmem>> -> memref<1x125xi32, #tpu.memory_space<vmem>>
            %dma_start3A_124 = tpu.memref_squeeze %dma_start3A_123 : memref<1x125xi32, #tpu.memory_space<vmem>> -> memref<125xi32, #tpu.memory_space<vmem>>
            %dma_start3A_125 = arith.constant 0 : i32
            %dma_start3A_126 = arith.constant 0 : i32
            %dma_start3A_127 = tpu.memref_slice %arg2[%dma_start3A_125, %dma_start3A_126] : memref<10000x128xf32, #tpu.memory_space<hbm>> -> memref<10000x128xf32, #tpu.memory_space<hbm>>
            tpu.enqueue_indirect_dma source(%dma_start3A_127 : memref<10000x128xf32, #tpu.memory_space<hbm>>) target(%dma_start3A_121 : memref<125x128xf32, #tpu.memory_space<vmem>>) offsets(%dma_start3A_124 : memref<125xi32, #tpu.memory_space<vmem>>) semaphore(%arg12 : memref<!tpu.dma_semaphore, #tpu.memory_space<semaphore_mem>>)
          } else {
          }
          %scan3A_110 = arith.constant 0 : i32
          scf.yield %scan3A_110 : i32
        }
        %scan3A_56 = arith.constant 40 : i32
        %dma_wait3A = arith.constant 0 : i32
        %dma_wait3A_57 = arith.constant 38 : i32
        %dma_wait3A_58 = arith.constant 0 : i32
        %dma_wait3A_59 = arith.constant 0 : i32
        %dma_wait3A_60 = tpu.memref_slice %arg10[%dma_wait3A, %dma_wait3A_58, %dma_wait3A_59] : memref<2x125x128xf32, #tpu.memory_space<vmem>> -> memref<1x125x128xf32, #tpu.memory_space<vmem>>
        %dma_wait3A_61 = tpu.memref_squeeze %dma_wait3A_60 : memref<1x125x128xf32, #tpu.memory_space<vmem>> -> memref<125x128xf32, #tpu.memory_space<vmem>>
        %dma_wait3A_62 = arith.constant 0 : i32
        %dma_wait3A_63 = tpu.memref_slice %arg9[%dma_wait3A_57, %dma_wait3A_62] : memref<40x125xi32, #tpu.memory_space<vmem>> -> memref<1x125xi32, #tpu.memory_space<vmem>>
        %dma_wait3A_64 = tpu.memref_squeeze %dma_wait3A_63 : memref<1x125xi32, #tpu.memory_space<vmem>> -> memref<125xi32, #tpu.memory_space<vmem>>
        %dma_wait3A_65 = arith.constant 0 : i32
        %dma_wait3A_66 = arith.constant 0 : i32
        %dma_wait3A_67 = tpu.memref_slice %arg11[%dma_wait3A_65, %dma_wait3A_66] : memref<10000x128xf32, #tpu.memory_space<vmem_shared>> -> memref<10000x128xf32, #tpu.memory_space<vmem_shared>>
        tpu.wait_indirect_dma semaphore(%arg13 : memref<!tpu.dma_semaphore, #tpu.memory_space<semaphore_mem>>) src(%dma_wait3A_61 : memref<125x128xf32, #tpu.memory_space<vmem>>) dst(%dma_wait3A_67 : memref<10000x128xf32, #tpu.memory_space<vmem_shared>>)
        %dma_wait3A_68 = arith.constant 1 : i32
        %dma_wait3A_69 = arith.constant 39 : i32
        %dma_wait3A_70 = arith.constant 0 : i32
        %dma_wait3A_71 = arith.constant 0 : i32
        %dma_wait3A_72 = tpu.memref_slice %arg10[%dma_wait3A_68, %dma_wait3A_70, %dma_wait3A_71] : memref<2x125x128xf32, #tpu.memory_space<vmem>> -> memref<1x125x128xf32, #tpu.memory_space<vmem>>
        %dma_wait3A_73 = tpu.memref_squeeze %dma_wait3A_72 : memref<1x125x128xf32, #tpu.memory_space<vmem>> -> memref<125x128xf32, #tpu.memory_space<vmem>>
        %dma_wait3A_74 = arith.constant 0 : i32
        %dma_wait3A_75 = tpu.memref_slice %arg9[%dma_wait3A_69, %dma_wait3A_74] : memref<40x125xi32, #tpu.memory_space<vmem>> -> memref<1x125xi32, #tpu.memory_space<vmem>>
        %dma_wait3A_76 = tpu.memref_squeeze %dma_wait3A_75 : memref<1x125xi32, #tpu.memory_space<vmem>> -> memref<125xi32, #tpu.memory_space<vmem>>
        %dma_wait3A_77 = arith.constant 0 : i32
        %dma_wait3A_78 = arith.constant 0 : i32
        %dma_wait3A_79 = tpu.memref_slice %arg11[%dma_wait3A_77, %dma_wait3A_78] : memref<10000x128xf32, #tpu.memory_space<vmem_shared>> -> memref<10000x128xf32, #tpu.memory_space<vmem_shared>>
        tpu.wait_indirect_dma semaphore(%arg13 : memref<!tpu.dma_semaphore, #tpu.memory_space<semaphore_mem>>) src(%dma_wait3A_73 : memref<125x128xf32, #tpu.memory_space<vmem>>) dst(%dma_wait3A_79 : memref<10000x128xf32, #tpu.memory_space<vmem_shared>>)
        %scan3A_80 = arith.constant 0 : i32
        scf.yield %scan3A_80 : i32
      }
      %scan3A_33 = arith.constant 4 : i32
    } else {
    }
    %eq3A_12 = arith.constant 1 : i32
    %eq3A_13 = arith.cmpi eq, %arg0, %eq3A_12 : i32
    %convert_element_type3A_14 = arith.extui %eq3A_13 : i1 to i32
    %cond3A_15 = arith.constant 0 : i32
    %cond3A_16 = arith.cmpi ne, %convert_element_type3A_14, %cond3A_15 : i32
    scf.if %cond3A_16 {
      %scan3A = arith.constant 0 : i32
      %scan3A_28 = arith.constant 0 : i32
      %scan3A_29 = arith.constant 4 : i32
      %scan3A_30 = arith.addi %scan3A_28, %scan3A_29 : i32
      %scan3A_31 = arith.constant 1 : i32
      %scan3A_32 = scf.for %scan3A_34 = %scan3A_28 to %scan3A_30 step %scan3A_31 iter_args(%scan3A_35 = %scan3A) -> (i32)  : i32 {
        %mul3A = arith.constant 160 : i32
        %mul3A_36 = arith.muli %arg1, %mul3A : i32
        %mul3A_37 = arith.constant 40 : i32
        %mul3A_38 = arith.muli %scan3A_34, %mul3A_37 : i32
        %add3A = arith.addi %mul3A_36, %mul3A_38 : i32
        %multiple_of3A = tpu.assume_multiple %add3A, 8 : i32
        "tpu.region"() ({
          %run_scoped3A = tpu.sem_alloc : memref<!tpu.dma_semaphore, #tpu.memory_space<semaphore_mem>>
          %dma_start3A_81 = arith.constant 0 : i32
          %dma_start3A_82 = tpu.memref_slice %arg4[%multiple_of3A, %dma_start3A_81] : memref<2560x125xi32, #tpu.memory_space<hbm>> -> memref<40x125xi32, #tpu.memory_space<hbm>>
          %dma_start3A_83 = arith.constant 0 : i32
          %dma_start3A_84 = tpu.memref_slice %arg4[%multiple_of3A, %dma_start3A_83] : memref<2560x125xi32, #tpu.memory_space<hbm>> -> memref<40x125xi32, #tpu.memory_space<hbm>>
          tpu.enqueue_dma source(%dma_start3A_84 : memref<40x125xi32, #tpu.memory_space<hbm>>) target(%arg8 : memref<40x125xi32, #tpu.memory_space<vmem>>) target_semaphore(%run_scoped3A : memref<!tpu.dma_semaphore, #tpu.memory_space<semaphore_mem>>)
          %dma_wait3A_85 = arith.constant 0 : i32
          %dma_wait3A_86 = tpu.memref_slice %arg4[%multiple_of3A, %dma_wait3A_85] : memref<2560x125xi32, #tpu.memory_space<hbm>> -> memref<40x125xi32, #tpu.memory_space<hbm>>
          %dma_wait3A_87 = arith.constant 0 : i32
          %dma_wait3A_88 = tpu.memref_slice %arg4[%multiple_of3A, %dma_wait3A_87] : memref<2560x125xi32, #tpu.memory_space<hbm>> -> memref<40x125xi32, #tpu.memory_space<hbm>>
          tpu.wait_dma2 semaphore(%run_scoped3A : memref<!tpu.dma_semaphore, #tpu.memory_space<semaphore_mem>>) src(%dma_wait3A_88 : memref<40x125xi32, #tpu.memory_space<hbm>>) dst(%arg8 : memref<40x125xi32, #tpu.memory_space<vmem>>)
          tpu.yield
        }) : () -> ()
        "tpu.region"() ({
          %run_scoped3A = tpu.sem_alloc : memref<!tpu.dma_semaphore, #tpu.memory_space<semaphore_mem>>
          %dma_start3A_81 = arith.constant 0 : i32
          %dma_start3A_82 = tpu.memref_slice %arg5[%multiple_of3A, %dma_start3A_81] : memref<2560x125xi32, #tpu.memory_space<hbm>> -> memref<40x125xi32, #tpu.memory_space<hbm>>
          %dma_start3A_83 = arith.constant 0 : i32
          %dma_start3A_84 = tpu.memref_slice %arg5[%multiple_of3A, %dma_start3A_83] : memref<2560x125xi32, #tpu.memory_space<hbm>> -> memref<40x125xi32, #tpu.memory_space<hbm>>
          tpu.enqueue_dma source(%dma_start3A_84 : memref<40x125xi32, #tpu.memory_space<hbm>>) target(%arg9 : memref<40x125xi32, #tpu.memory_space<vmem>>) target_semaphore(%run_scoped3A : memref<!tpu.dma_semaphore, #tpu.memory_space<semaphore_mem>>)
          %dma_wait3A_85 = arith.constant 0 : i32
          %dma_wait3A_86 = tpu.memref_slice %arg5[%multiple_of3A, %dma_wait3A_85] : memref<2560x125xi32, #tpu.memory_space<hbm>> -> memref<40x125xi32, #tpu.memory_space<hbm>>
          %dma_wait3A_87 = arith.constant 0 : i32
          %dma_wait3A_88 = tpu.memref_slice %arg5[%multiple_of3A, %dma_wait3A_87] : memref<2560x125xi32, #tpu.memory_space<hbm>> -> memref<40x125xi32, #tpu.memory_space<hbm>>
          tpu.wait_dma2 semaphore(%run_scoped3A : memref<!tpu.dma_semaphore, #tpu.memory_space<semaphore_mem>>) src(%dma_wait3A_88 : memref<40x125xi32, #tpu.memory_space<hbm>>) dst(%arg9 : memref<40x125xi32, #tpu.memory_space<vmem>>)
          tpu.yield
        }) : () -> ()
        %dma_start3A = arith.constant 0 : i32
        %dma_start3A_39 = arith.constant 0 : i32
        %dma_start3A_40 = arith.constant 0 : i32
        %dma_start3A_41 = arith.constant 0 : i32
        %dma_start3A_42 = tpu.memref_slice %arg10[%dma_start3A_39, %dma_start3A_40, %dma_start3A_41] : memref<2x125x128xf32, #tpu.memory_space<vmem>> -> memref<1x125x128xf32, #tpu.memory_space<vmem>>
        %dma_start3A_43 = tpu.memref_squeeze %dma_start3A_42 : memref<1x125x128xf32, #tpu.memory_space<vmem>> -> memref<125x128xf32, #tpu.memory_space<vmem>>
        %dma_start3A_44 = arith.constant 0 : i32
        %dma_start3A_45 = tpu.memref_slice %arg8[%dma_start3A, %dma_start3A_44] : memref<40x125xi32, #tpu.memory_space<vmem>> -> memref<1x125xi32, #tpu.memory_space<vmem>>
        %dma_start3A_46 = tpu.memref_squeeze %dma_start3A_45 : memref<1x125xi32, #tpu.memory_space<vmem>> -> memref<125xi32, #tpu.memory_space<vmem>>
        %dma_start3A_47 = arith.constant 0 : i32
        %dma_start3A_48 = arith.constant 0 : i32
        %dma_start3A_49 = tpu.memref_slice %arg3[%dma_start3A_47, %dma_start3A_48] : memref<10000x128xf32, #tpu.memory_space<hbm>> -> memref<10000x128xf32, #tpu.memory_space<hbm>>
        tpu.enqueue_indirect_dma source(%dma_start3A_49 : memref<10000x128xf32, #tpu.memory_space<hbm>>) target(%dma_start3A_43 : memref<125x128xf32, #tpu.memory_space<vmem>>) offsets(%dma_start3A_46 : memref<125xi32, #tpu.memory_space<vmem>>) semaphore(%arg12 : memref<!tpu.dma_semaphore, #tpu.memory_space<semaphore_mem>>)
        %scan3A_50 = arith.constant 0 : i32
        %scan3A_51 = arith.constant 0 : i32
        %scan3A_52 = arith.constant 40 : i32
        %scan3A_53 = arith.addi %scan3A_51, %scan3A_52 : i32
        %scan3A_54 = arith.constant 1 : i32
        %scan3A_55 = scf.for %scan3A_81 = %scan3A_51 to %scan3A_53 step %scan3A_54 iter_args(%scan3A_82 = %scan3A_50) -> (i32)  : i32 {
          %rem3A = arith.constant 2 : i32
          %rem3A_83 = arith.remsi %scan3A_81, %rem3A : i32
          %dma_wait3A_84 = arith.constant 0 : i32
          %dma_wait3A_85 = arith.constant 0 : i32
          %dma_wait3A_86 = tpu.memref_slice %arg10[%rem3A_83, %dma_wait3A_84, %dma_wait3A_85] : memref<2x125x128xf32, #tpu.memory_space<vmem>> -> memref<1x125x128xf32, #tpu.memory_space<vmem>>
          %dma_wait3A_87 = tpu.memref_squeeze %dma_wait3A_86 : memref<1x125x128xf32, #tpu.memory_space<vmem>> -> memref<125x128xf32, #tpu.memory_space<vmem>>
          %dma_wait3A_88 = arith.constant 0 : i32
          %dma_wait3A_89 = tpu.memref_slice %arg8[%scan3A_81, %dma_wait3A_88] : memref<40x125xi32, #tpu.memory_space<vmem>> -> memref<1x125xi32, #tpu.memory_space<vmem>>
          %dma_wait3A_90 = tpu.memref_squeeze %dma_wait3A_89 : memref<1x125xi32, #tpu.memory_space<vmem>> -> memref<125xi32, #tpu.memory_space<vmem>>
          %dma_wait3A_91 = arith.constant 0 : i32
          %dma_wait3A_92 = arith.constant 0 : i32
          %dma_wait3A_93 = tpu.memref_slice %arg3[%dma_wait3A_91, %dma_wait3A_92] : memref<10000x128xf32, #tpu.memory_space<hbm>> -> memref<10000x128xf32, #tpu.memory_space<hbm>>
          tpu.wait_indirect_dma semaphore(%arg12 : memref<!tpu.dma_semaphore, #tpu.memory_space<semaphore_mem>>) src(%dma_wait3A_93 : memref<10000x128xf32, #tpu.memory_space<hbm>>) dst(%dma_wait3A_87 : memref<125x128xf32, #tpu.memory_space<vmem>>)
          %dma_start3A_94 = arith.constant 0 : i32
          %dma_start3A_95 = arith.constant 0 : i32
          %dma_start3A_96 = tpu.memref_slice %arg10[%rem3A_83, %dma_start3A_94, %dma_start3A_95] : memref<2x125x128xf32, #tpu.memory_space<vmem>> -> memref<1x125x128xf32, #tpu.memory_space<vmem>>
          %dma_start3A_97 = tpu.memref_squeeze %dma_start3A_96 : memref<1x125x128xf32, #tpu.memory_space<vmem>> -> memref<125x128xf32, #tpu.memory_space<vmem>>
          %dma_start3A_98 = arith.constant 0 : i32
          %dma_start3A_99 = tpu.memref_slice %arg9[%scan3A_81, %dma_start3A_98] : memref<40x125xi32, #tpu.memory_space<vmem>> -> memref<1x125xi32, #tpu.memory_space<vmem>>
          %dma_start3A_100 = tpu.memref_squeeze %dma_start3A_99 : memref<1x125xi32, #tpu.memory_space<vmem>> -> memref<125xi32, #tpu.memory_space<vmem>>
          %dma_start3A_101 = arith.constant 0 : i32
          %dma_start3A_102 = arith.constant 0 : i32
          %dma_start3A_103 = tpu.memref_slice %arg11[%dma_start3A_101, %dma_start3A_102] : memref<10000x128xf32, #tpu.memory_space<vmem_shared>> -> memref<10000x128xf32, #tpu.memory_space<vmem_shared>>
          tpu.enqueue_indirect_dma source(%dma_start3A_97 : memref<125x128xf32, #tpu.memory_space<vmem>>) target(%dma_start3A_103 : memref<10000x128xf32, #tpu.memory_space<vmem_shared>>) offsets(%dma_start3A_100 : memref<125xi32, #tpu.memory_space<vmem>>) semaphore(%arg13 : memref<!tpu.dma_semaphore, #tpu.memory_space<semaphore_mem>>) {add = true}
          %add3A_104 = arith.constant 1 : i32
          %add3A_105 = arith.addi %scan3A_81, %add3A_104 : i32
          %lt3A = arith.constant 40 : i32
          %lt3A_106 = arith.cmpi slt, %add3A_105, %lt3A : i32
          %convert_element_type3A_107 = arith.extui %lt3A_106 : i1 to i32
          %cond3A_108 = arith.constant 0 : i32
          %cond3A_109 = arith.cmpi ne, %convert_element_type3A_107, %cond3A_108 : i32
          scf.if %cond3A_109 {
            %ge3A = arith.constant 1 : i32
            %ge3A_111 = arith.cmpi sge, %scan3A_81, %ge3A : i32
            %convert_element_type3A_112 = arith.extui %ge3A_111 : i1 to i32
            %cond3A_113 = arith.constant 0 : i32
            %cond3A_114 = arith.cmpi ne, %convert_element_type3A_112, %cond3A_113 : i32
            scf.if %cond3A_114 {
              %sub3A_128 = arith.constant 1 : i32
              %sub3A_129 = arith.subi %sub3A_128, %rem3A_83 : i32
              %sub3A_130 = arith.constant 1 : i32
              %sub3A_131 = arith.subi %scan3A_81, %sub3A_130 : i32
              %dma_wait3A_132 = arith.constant 0 : i32
              %dma_wait3A_133 = arith.constant 0 : i32
              %dma_wait3A_134 = tpu.memref_slice %arg10[%sub3A_129, %dma_wait3A_132, %dma_wait3A_133] : memref<2x125x128xf32, #tpu.memory_space<vmem>> -> memref<1x125x128xf32, #tpu.memory_space<vmem>>
              %dma_wait3A_135 = tpu.memref_squeeze %dma_wait3A_134 : memref<1x125x128xf32, #tpu.memory_space<vmem>> -> memref<125x128xf32, #tpu.memory_space<vmem>>
              %dma_wait3A_136 = arith.constant 0 : i32
              %dma_wait3A_137 = tpu.memref_slice %arg9[%sub3A_131, %dma_wait3A_136] : memref<40x125xi32, #tpu.memory_space<vmem>> -> memref<1x125xi32, #tpu.memory_space<vmem>>
              %dma_wait3A_138 = tpu.memref_squeeze %dma_wait3A_137 : memref<1x125xi32, #tpu.memory_space<vmem>> -> memref<125xi32, #tpu.memory_space<vmem>>
              %dma_wait3A_139 = arith.constant 0 : i32
              %dma_wait3A_140 = arith.constant 0 : i32
              %dma_wait3A_141 = tpu.memref_slice %arg11[%dma_wait3A_139, %dma_wait3A_140] : memref<10000x128xf32, #tpu.memory_space<vmem_shared>> -> memref<10000x128xf32, #tpu.memory_space<vmem_shared>>
              tpu.wait_indirect_dma semaphore(%arg13 : memref<!tpu.dma_semaphore, #tpu.memory_space<semaphore_mem>>) src(%dma_wait3A_135 : memref<125x128xf32, #tpu.memory_space<vmem>>) dst(%dma_wait3A_141 : memref<10000x128xf32, #tpu.memory_space<vmem_shared>>)
            } else {
            }
            %add3A_115 = arith.constant 1 : i32
            %add3A_116 = arith.addi %scan3A_81, %add3A_115 : i32
            %sub3A = arith.constant 1 : i32
            %sub3A_117 = arith.subi %sub3A, %rem3A_83 : i32
            %dma_start3A_118 = arith.constant 0 : i32
            %dma_start3A_119 = arith.constant 0 : i32
            %dma_start3A_120 = tpu.memref_slice %arg10[%sub3A_117, %dma_start3A_118, %dma_start3A_119] : memref<2x125x128xf32, #tpu.memory_space<vmem>> -> memref<1x125x128xf32, #tpu.memory_space<vmem>>
            %dma_start3A_121 = tpu.memref_squeeze %dma_start3A_120 : memref<1x125x128xf32, #tpu.memory_space<vmem>> -> memref<125x128xf32, #tpu.memory_space<vmem>>
            %dma_start3A_122 = arith.constant 0 : i32
            %dma_start3A_123 = tpu.memref_slice %arg8[%add3A_116, %dma_start3A_122] : memref<40x125xi32, #tpu.memory_space<vmem>> -> memref<1x125xi32, #tpu.memory_space<vmem>>
            %dma_start3A_124 = tpu.memref_squeeze %dma_start3A_123 : memref<1x125xi32, #tpu.memory_space<vmem>> -> memref<125xi32, #tpu.memory_space<vmem>>
            %dma_start3A_125 = arith.constant 0 : i32
            %dma_start3A_126 = arith.constant 0 : i32
            %dma_start3A_127 = tpu.memref_slice %arg3[%dma_start3A_125, %dma_start3A_126] : memref<10000x128xf32, #tpu.memory_space<hbm>> -> memref<10000x128xf32, #tpu.memory_space<hbm>>
            tpu.enqueue_indirect_dma source(%dma_start3A_127 : memref<10000x128xf32, #tpu.memory_space<hbm>>) target(%dma_start3A_121 : memref<125x128xf32, #tpu.memory_space<vmem>>) offsets(%dma_start3A_124 : memref<125xi32, #tpu.memory_space<vmem>>) semaphore(%arg12 : memref<!tpu.dma_semaphore, #tpu.memory_space<semaphore_mem>>)
          } else {
          }
          %scan3A_110 = arith.constant 0 : i32
          scf.yield %scan3A_110 : i32
        }
        %scan3A_56 = arith.constant 40 : i32
        %dma_wait3A = arith.constant 0 : i32
        %dma_wait3A_57 = arith.constant 38 : i32
        %dma_wait3A_58 = arith.constant 0 : i32
        %dma_wait3A_59 = arith.constant 0 : i32
        %dma_wait3A_60 = tpu.memref_slice %arg10[%dma_wait3A, %dma_wait3A_58, %dma_wait3A_59] : memref<2x125x128xf32, #tpu.memory_space<vmem>> -> memref<1x125x128xf32, #tpu.memory_space<vmem>>
        %dma_wait3A_61 = tpu.memref_squeeze %dma_wait3A_60 : memref<1x125x128xf32, #tpu.memory_space<vmem>> -> memref<125x128xf32, #tpu.memory_space<vmem>>
        %dma_wait3A_62 = arith.constant 0 : i32
        %dma_wait3A_63 = tpu.memref_slice %arg9[%dma_wait3A_57, %dma_wait3A_62] : memref<40x125xi32, #tpu.memory_space<vmem>> -> memref<1x125xi32, #tpu.memory_space<vmem>>
        %dma_wait3A_64 = tpu.memref_squeeze %dma_wait3A_63 : memref<1x125xi32, #tpu.memory_space<vmem>> -> memref<125xi32, #tpu.memory_space<vmem>>
        %dma_wait3A_65 = arith.constant 0 : i32
        %dma_wait3A_66 = arith.constant 0 : i32
        %dma_wait3A_67 = tpu.memref_slice %arg11[%dma_wait3A_65, %dma_wait3A_66] : memref<10000x128xf32, #tpu.memory_space<vmem_shared>> -> memref<10000x128xf32, #tpu.memory_space<vmem_shared>>
        tpu.wait_indirect_dma semaphore(%arg13 : memref<!tpu.dma_semaphore, #tpu.memory_space<semaphore_mem>>) src(%dma_wait3A_61 : memref<125x128xf32, #tpu.memory_space<vmem>>) dst(%dma_wait3A_67 : memref<10000x128xf32, #tpu.memory_space<vmem_shared>>)
        %dma_wait3A_68 = arith.constant 1 : i32
        %dma_wait3A_69 = arith.constant 39 : i32
        %dma_wait3A_70 = arith.constant 0 : i32
        %dma_wait3A_71 = arith.constant 0 : i32
        %dma_wait3A_72 = tpu.memref_slice %arg10[%dma_wait3A_68, %dma_wait3A_70, %dma_wait3A_71] : memref<2x125x128xf32, #tpu.memory_space<vmem>> -> memref<1x125x128xf32, #tpu.memory_space<vmem>>
        %dma_wait3A_73 = tpu.memref_squeeze %dma_wait3A_72 : memref<1x125x128xf32, #tpu.memory_space<vmem>> -> memref<125x128xf32, #tpu.memory_space<vmem>>
        %dma_wait3A_74 = arith.constant 0 : i32
        %dma_wait3A_75 = tpu.memref_slice %arg9[%dma_wait3A_69, %dma_wait3A_74] : memref<40x125xi32, #tpu.memory_space<vmem>> -> memref<1x125xi32, #tpu.memory_space<vmem>>
        %dma_wait3A_76 = tpu.memref_squeeze %dma_wait3A_75 : memref<1x125xi32, #tpu.memory_space<vmem>> -> memref<125xi32, #tpu.memory_space<vmem>>
        %dma_wait3A_77 = arith.constant 0 : i32
        %dma_wait3A_78 = arith.constant 0 : i32
        %dma_wait3A_79 = tpu.memref_slice %arg11[%dma_wait3A_77, %dma_wait3A_78] : memref<10000x128xf32, #tpu.memory_space<vmem_shared>> -> memref<10000x128xf32, #tpu.memory_space<vmem_shared>>
        tpu.wait_indirect_dma semaphore(%arg13 : memref<!tpu.dma_semaphore, #tpu.memory_space<semaphore_mem>>) src(%dma_wait3A_73 : memref<125x128xf32, #tpu.memory_space<vmem>>) dst(%dma_wait3A_79 : memref<10000x128xf32, #tpu.memory_space<vmem_shared>>)
        %scan3A_80 = arith.constant 0 : i32
        scf.yield %scan3A_80 : i32
      }
      %scan3A_33 = arith.constant 4 : i32
    } else {
    }
    %barrier3A_17 = arith.constant 0 : index
    tpu.barrier barrier_id(%barrier3A_17)
    %eq3A_18 = arith.constant 0 : i32
    %eq3A_19 = arith.cmpi eq, %arg0, %eq3A_18 : i32
    %convert_element_type3A_20 = arith.extui %eq3A_19 : i1 to i32
    %cond3A_21 = arith.constant 0 : i32
    %cond3A_22 = arith.cmpi ne, %convert_element_type3A_20, %cond3A_21 : i32
    scf.if %cond3A_22 {
      %mul3A = arith.constant 640 : i32
      %mul3A_28 = arith.muli %arg1, %mul3A : i32
      %multiple_of3A = tpu.assume_multiple %mul3A_28, 8 : i32
      %lt3A = arith.constant 15 : i32
      %lt3A_29 = arith.cmpi slt, %arg1, %lt3A : i32
      %convert_element_type3A_30 = arith.extui %lt3A_29 : i1 to i32
      %cond3A_31 = arith.constant 0 : i32
      %cond3A_32 = arith.cmpi ne, %convert_element_type3A_30, %cond3A_31 : i32
      scf.if %cond3A_32 {
        "tpu.region"() ({
          %run_scoped3A = tpu.sem_alloc : memref<!tpu.dma_semaphore, #tpu.memory_space<semaphore_mem>>
          %dma_start3A = arith.constant 0 : i32
          %dma_start3A_38 = tpu.memref_slice %arg6[%multiple_of3A, %dma_start3A] : memref<10000x128xf32, #tpu.memory_space<hbm>> -> memref<640x128xf32, #tpu.memory_space<hbm>>
          %dma_start3A_39 = arith.constant 0 : i32
          %dma_start3A_40 = tpu.memref_slice %arg11[%multiple_of3A, %dma_start3A_39] : memref<10000x128xf32, #tpu.memory_space<vmem_shared>> -> memref<640x128xf32, #tpu.memory_space<vmem_shared>>
          tpu.enqueue_dma source(%dma_start3A_40 : memref<640x128xf32, #tpu.memory_space<vmem_shared>>) target(%dma_start3A_38 : memref<640x128xf32, #tpu.memory_space<hbm>>) target_semaphore(%run_scoped3A : memref<!tpu.dma_semaphore, #tpu.memory_space<semaphore_mem>>)
          %dma_wait3A = arith.constant 0 : i32
          %dma_wait3A_41 = tpu.memref_slice %arg6[%multiple_of3A, %dma_wait3A] : memref<10000x128xf32, #tpu.memory_space<hbm>> -> memref<640x128xf32, #tpu.memory_space<hbm>>
          %dma_wait3A_42 = arith.constant 0 : i32
          %dma_wait3A_43 = tpu.memref_slice %arg11[%multiple_of3A, %dma_wait3A_42] : memref<10000x128xf32, #tpu.memory_space<vmem_shared>> -> memref<640x128xf32, #tpu.memory_space<vmem_shared>>
          tpu.wait_dma2 semaphore(%run_scoped3A : memref<!tpu.dma_semaphore, #tpu.memory_space<semaphore_mem>>) src(%dma_wait3A_43 : memref<640x128xf32, #tpu.memory_space<vmem_shared>>) dst(%dma_wait3A_41 : memref<640x128xf32, #tpu.memory_space<hbm>>)
          tpu.yield
        }) : () -> ()
      } else {
      }
      %eq3A_33 = arith.constant 15 : i32
      %eq3A_34 = arith.cmpi eq, %arg1, %eq3A_33 : i32
      %convert_element_type3A_35 = arith.extui %eq3A_34 : i1 to i32
      %cond3A_36 = arith.constant 0 : i32
      %cond3A_37 = arith.cmpi ne, %convert_element_type3A_35, %cond3A_36 : i32
      scf.if %cond3A_37 {
        "tpu.region"() ({
          %run_scoped3A = tpu.sem_alloc : memref<!tpu.dma_semaphore, #tpu.memory_space<semaphore_mem>>
          %dma_start3A = arith.constant 9600 : i32
          %dma_start3A_38 = arith.constant 0 : i32
          %dma_start3A_39 = tpu.memref_slice %arg6[%dma_start3A, %dma_start3A_38] : memref<10000x128xf32, #tpu.memory_space<hbm>> -> memref<400x128xf32, #tpu.memory_space<hbm>>
          %dma_start3A_40 = arith.constant 9600 : i32
          %dma_start3A_41 = arith.constant 0 : i32
          %dma_start3A_42 = tpu.memref_slice %arg11[%dma_start3A_40, %dma_start3A_41] : memref<10000x128xf32, #tpu.memory_space<vmem_shared>> -> memref<400x128xf32, #tpu.memory_space<vmem_shared>>
          tpu.enqueue_dma source(%dma_start3A_42 : memref<400x128xf32, #tpu.memory_space<vmem_shared>>) target(%dma_start3A_39 : memref<400x128xf32, #tpu.memory_space<hbm>>) target_semaphore(%run_scoped3A : memref<!tpu.dma_semaphore, #tpu.memory_space<semaphore_mem>>)
          %dma_wait3A = arith.constant 9600 : i32
          %dma_wait3A_43 = arith.constant 0 : i32
          %dma_wait3A_44 = tpu.memref_slice %arg6[%dma_wait3A, %dma_wait3A_43] : memref<10000x128xf32, #tpu.memory_space<hbm>> -> memref<400x128xf32, #tpu.memory_space<hbm>>
          %dma_wait3A_45 = arith.constant 9600 : i32
          %dma_wait3A_46 = arith.constant 0 : i32
          %dma_wait3A_47 = tpu.memref_slice %arg11[%dma_wait3A_45, %dma_wait3A_46] : memref<10000x128xf32, #tpu.memory_space<vmem_shared>> -> memref<400x128xf32, #tpu.memory_space<vmem_shared>>
          tpu.wait_dma2 semaphore(%run_scoped3A : memref<!tpu.dma_semaphore, #tpu.memory_space<semaphore_mem>>) src(%dma_wait3A_47 : memref<400x128xf32, #tpu.memory_space<vmem_shared>>) dst(%dma_wait3A_44 : memref<400x128xf32, #tpu.memory_space<hbm>>)
          tpu.yield
        }) : () -> ()
      } else {
      }
    } else {
    }
    %eq3A_23 = arith.constant 1 : i32
    %eq3A_24 = arith.cmpi eq, %arg0, %eq3A_23 : i32
    %convert_element_type3A_25 = arith.extui %eq3A_24 : i1 to i32
    %cond3A_26 = arith.constant 0 : i32
    %cond3A_27 = arith.cmpi ne, %convert_element_type3A_25, %cond3A_26 : i32
    scf.if %cond3A_27 {
      %mul3A = arith.constant 640 : i32
      %mul3A_28 = arith.muli %arg1, %mul3A : i32
      %multiple_of3A = tpu.assume_multiple %mul3A_28, 8 : i32
      %lt3A = arith.constant 15 : i32
      %lt3A_29 = arith.cmpi slt, %arg1, %lt3A : i32
      %convert_element_type3A_30 = arith.extui %lt3A_29 : i1 to i32
      %cond3A_31 = arith.constant 0 : i32
      %cond3A_32 = arith.cmpi ne, %convert_element_type3A_30, %cond3A_31 : i32
      scf.if %cond3A_32 {
        "tpu.region"() ({
          %run_scoped3A = tpu.sem_alloc : memref<!tpu.dma_semaphore, #tpu.memory_space<semaphore_mem>>
          %dma_start3A = arith.constant 0 : i32
          %dma_start3A_38 = tpu.memref_slice %arg7[%multiple_of3A, %dma_start3A] : memref<10000x128xf32, #tpu.memory_space<hbm>> -> memref<640x128xf32, #tpu.memory_space<hbm>>
          %dma_start3A_39 = arith.constant 0 : i32
          %dma_start3A_40 = tpu.memref_slice %arg11[%multiple_of3A, %dma_start3A_39] : memref<10000x128xf32, #tpu.memory_space<vmem_shared>> -> memref<640x128xf32, #tpu.memory_space<vmem_shared>>
          tpu.enqueue_dma source(%dma_start3A_40 : memref<640x128xf32, #tpu.memory_space<vmem_shared>>) target(%dma_start3A_38 : memref<640x128xf32, #tpu.memory_space<hbm>>) target_semaphore(%run_scoped3A : memref<!tpu.dma_semaphore, #tpu.memory_space<semaphore_mem>>)
          %dma_wait3A = arith.constant 0 : i32
          %dma_wait3A_41 = tpu.memref_slice %arg7[%multiple_of3A, %dma_wait3A] : memref<10000x128xf32, #tpu.memory_space<hbm>> -> memref<640x128xf32, #tpu.memory_space<hbm>>
          %dma_wait3A_42 = arith.constant 0 : i32
          %dma_wait3A_43 = tpu.memref_slice %arg11[%multiple_of3A, %dma_wait3A_42] : memref<10000x128xf32, #tpu.memory_space<vmem_shared>> -> memref<640x128xf32, #tpu.memory_space<vmem_shared>>
          tpu.wait_dma2 semaphore(%run_scoped3A : memref<!tpu.dma_semaphore, #tpu.memory_space<semaphore_mem>>) src(%dma_wait3A_43 : memref<640x128xf32, #tpu.memory_space<vmem_shared>>) dst(%dma_wait3A_41 : memref<640x128xf32, #tpu.memory_space<hbm>>)
          tpu.yield
        }) : () -> ()
      } else {
      }
      %eq3A_33 = arith.constant 15 : i32
      %eq3A_34 = arith.cmpi eq, %arg1, %eq3A_33 : i32
      %convert_element_type3A_35 = arith.extui %eq3A_34 : i1 to i32
      %cond3A_36 = arith.constant 0 : i32
      %cond3A_37 = arith.cmpi ne, %convert_element_type3A_35, %cond3A_36 : i32
      scf.if %cond3A_37 {
        "tpu.region"() ({
          %run_scoped3A = tpu.sem_alloc : memref<!tpu.dma_semaphore, #tpu.memory_space<semaphore_mem>>
          %dma_start3A = arith.constant 9600 : i32
          %dma_start3A_38 = arith.constant 0 : i32
          %dma_start3A_39 = tpu.memref_slice %arg7[%dma_start3A, %dma_start3A_38] : memref<10000x128xf32, #tpu.memory_space<hbm>> -> memref<400x128xf32, #tpu.memory_space<hbm>>
          %dma_start3A_40 = arith.constant 9600 : i32
          %dma_start3A_41 = arith.constant 0 : i32
          %dma_start3A_42 = tpu.memref_slice %arg11[%dma_start3A_40, %dma_start3A_41] : memref<10000x128xf32, #tpu.memory_space<vmem_shared>> -> memref<400x128xf32, #tpu.memory_space<vmem_shared>>
          tpu.enqueue_dma source(%dma_start3A_42 : memref<400x128xf32, #tpu.memory_space<vmem_shared>>) target(%dma_start3A_39 : memref<400x128xf32, #tpu.memory_space<hbm>>) target_semaphore(%run_scoped3A : memref<!tpu.dma_semaphore, #tpu.memory_space<semaphore_mem>>)
          %dma_wait3A = arith.constant 9600 : i32
          %dma_wait3A_43 = arith.constant 0 : i32
          %dma_wait3A_44 = tpu.memref_slice %arg7[%dma_wait3A, %dma_wait3A_43] : memref<10000x128xf32, #tpu.memory_space<hbm>> -> memref<400x128xf32, #tpu.memory_space<hbm>>
          %dma_wait3A_45 = arith.constant 9600 : i32
          %dma_wait3A_46 = arith.constant 0 : i32
          %dma_wait3A_47 = tpu.memref_slice %arg11[%dma_wait3A_45, %dma_wait3A_46] : memref<10000x128xf32, #tpu.memory_space<vmem_shared>> -> memref<400x128xf32, #tpu.memory_space<vmem_shared>>
          tpu.wait_dma2 semaphore(%run_scoped3A : memref<!tpu.dma_semaphore, #tpu.memory_space<semaphore_mem>>) src(%dma_wait3A_47 : memref<400x128xf32, #tpu.memory_space<vmem_shared>>) dst(%dma_wait3A_44 : memref<400x128xf32, #tpu.memory_space<hbm>>)
          tpu.yield
        }) : () -> ()
      } else {
      }
    } else {
    }
    return
  }
}

module attributes {stable_mosaic.version = 14 : i64} {
  func.func @_prep_body(%arg0: memref<10240xf32, #tpu.memory_space<vmem>>, %arg1: memref<10240xf32, #tpu.memory_space<vmem>>, %arg2: memref<10240x1xf32, #tpu.memory_space<vmem>>) attributes {dimension_semantics = [], scalar_prefetch = 0 : i64, scratch_operands = 0 : i64, tpu.core_type = #tpu.core_type<tc>} {
    %get3A = arith.constant 0 : index
    %get3A_0 = vector.load %arg0[%get3A] : memref<10240xf32, #tpu.memory_space<vmem>>, vector<10240xf32>
    %get3A_1 = arith.constant 0 : index
    %get3A_2 = vector.load %arg1[%get3A_1] : memref<10240xf32, #tpu.memory_space<vmem>>, vector<10240xf32>
    %add3A = arith.addf %get3A_0, %get3A_2 : vector<10240xf32>
    %add3A_3 = arith.constant 1.000000e+00 : f32
    %add3A_4 = vector.broadcast %add3A_3 : f32 to vector<10240xf32>
    %add3A_5 = arith.addf %add3A, %add3A_4 : vector<10240xf32>
    %rsqrt3A = math.rsqrt %add3A_5 : vector<10240xf32>
    %mul3A = arith.constant 5.000000e-01 : f32
    %mul3A_6 = vector.broadcast %mul3A : f32 to vector<10240xf32>
    %mul3A_7 = arith.mulf %mul3A_6, %add3A_5 : vector<10240xf32>
    %mul3A_8 = arith.mulf %mul3A_7, %rsqrt3A : vector<10240xf32>
    %mul3A_9 = arith.mulf %mul3A_8, %rsqrt3A : vector<10240xf32>
    %sub3A = arith.constant 1.500000e+00 : f32
    %sub3A_10 = vector.broadcast %sub3A : f32 to vector<10240xf32>
    %sub3A_11 = arith.subf %sub3A_10, %mul3A_9 : vector<10240xf32>
    %mul3A_12 = arith.mulf %rsqrt3A, %sub3A_11 : vector<10240xf32>
    %broadcast_in_dim3A = vector.shape_cast %mul3A_12 : vector<10240xf32> to vector<10240x1xf32>
    %swap3A = arith.constant 0 : index
    %swap3A_13 = arith.constant 0 : index
    %swap3A_14 = vector.load %arg2[%swap3A, %swap3A_13] : memref<10240x1xf32, #tpu.memory_space<vmem>>, vector<10240x1xf32>
    tpu.vector_store %arg2[%swap3A, %swap3A_13], %broadcast_in_dim3A {strides = array<i32>} : memref<10240x1xf32, #tpu.memory_space<vmem>>, vector<10240x1xf32>,
    return
  }
}

module attributes {stable_mosaic.version = 14 : i64} {
  func.func @_mm1_body(%arg0: i32, %arg1: memref<2000x128xf32, #tpu.memory_space<vmem>>, %arg2: memref<128x256xf32, #tpu.memory_space<vmem>>, %arg3: memref<2000x1xf32, #tpu.memory_space<vmem>>, %arg4: memref<2000x128xf32, #tpu.memory_space<vmem>>, %arg5: memref<2000x128xf32, #tpu.memory_space<vmem>>) attributes {dimension_semantics = [#tpu.dimension_semantics<arbitrary>], iteration_bounds = array<i64: 5>, scalar_prefetch = 0 : i64, scratch_operands = 0 : i64, tpu.core_type = #tpu.core_type<tc>, window_params = [{transform_indices = @transform_0, window_bounds = array<i64: 2000, 128>}, {pipeline_mode = #tpu.pipeline_mode<synchronous>, transform_indices = @transform_1, window_bounds = array<i64: 128, 256>}, {transform_indices = @transform_2, window_bounds = array<i64: 2000, 1>}, {transform_indices = @transform_3, window_bounds = array<i64: 2000, 128>}, {transform_indices = @transform_4, window_bounds = array<i64: 2000, 128>}]} {
    %get3A = arith.constant 0 : index
    %get3A_0 = arith.constant 0 : index
    %get3A_1 = vector.load %arg1[%get3A, %get3A_0] : memref<2000x128xf32, #tpu.memory_space<vmem>>, vector<2000x128xf32>
    %get3A_2 = arith.constant 0 : index
    %get3A_3 = arith.constant 0 : index
    %get3A_4 = vector.load %arg2[%get3A_2, %get3A_3] : memref<128x256xf32, #tpu.memory_space<vmem>>, vector<128x256xf32>
    %dot_general3A = arith.constant dense<0.000000e+00> : vector<2000x256xf32>
    %dot_general3A_5 = tpu.matmul %get3A_1, %get3A_4, %dot_general3A {dimension_numbers = #tpu.dot_dimension_numbers<[1], [0], [0], [1], [0, 0, 1, 1], [], []>, transpose_lhs_hint = false} : vector<2000x128xf32>, vector<128x256xf32>, vector<2000x256xf32> -> vector<2000x256xf32>
    %get3A_6 = arith.constant 0 : index
    %get3A_7 = arith.constant 0 : index
    %get3A_8 = vector.load %arg3[%get3A_6, %get3A_7] : memref<2000x1xf32, #tpu.memory_space<vmem>>, vector<2000x1xf32>
    %mul3A = vector.broadcast %get3A_8 : vector<2000x1xf32> to vector<2000x256xf32>
    %mul3A_9 = arith.mulf %dot_general3A_5, %mul3A : vector<2000x256xf32>
    %slice3A = vector.extract_strided_slice %mul3A_9 {offsets = [0, 0], sizes = [2000, 128], strides = [1, 1]} : vector<2000x256xf32> to vector<2000x128xf32>
    %swap3A = arith.constant 0 : index
    %swap3A_10 = arith.constant 0 : index
    %swap3A_11 = vector.load %arg4[%swap3A, %swap3A_10] : memref<2000x128xf32, #tpu.memory_space<vmem>>, vector<2000x128xf32>
    tpu.vector_store %arg4[%swap3A, %swap3A_10], %slice3A {strides = array<i32>} : memref<2000x128xf32, #tpu.memory_space<vmem>>, vector<2000x128xf32>,
    %slice3A_12 = vector.extract_strided_slice %mul3A_9 {offsets = [0, 128], sizes = [2000, 128], strides = [1, 1]} : vector<2000x256xf32> to vector<2000x128xf32>
    %swap3A_13 = arith.constant 0 : index
    %swap3A_14 = arith.constant 0 : index
    %swap3A_15 = vector.load %arg5[%swap3A_13, %swap3A_14] : memref<2000x128xf32, #tpu.memory_space<vmem>>, vector<2000x128xf32>
    tpu.vector_store %arg5[%swap3A_13, %swap3A_14], %slice3A_12 {strides = array<i32>} : memref<2000x128xf32, #tpu.memory_space<vmem>>, vector<2000x128xf32>,
    return
  }
  func.func @transform_0(%arg0: i32) -> (i32, i32) {
    %c0_i32 = arith.constant 0 : i32
    %c0_i32_0 = arith.constant 0 : i32
    return %arg0, %c0_i32 : i32, i32
  }
  func.func @transform_1(%arg0: i32) -> (i32, i32) {
    %c0_i32 = arith.constant 0 : i32
    %c0_i32_0 = arith.constant 0 : i32
    %c0_i32_1 = arith.constant 0 : i32
    return %c0_i32, %c0_i32_0 : i32, i32
  }
  func.func @transform_2(%arg0: i32) -> (i32, i32) {
    %c0_i32 = arith.constant 0 : i32
    %c0_i32_0 = arith.constant 0 : i32
    return %arg0, %c0_i32 : i32, i32
  }
  func.func @transform_3(%arg0: i32) -> (i32, i32) {
    %c0_i32 = arith.constant 0 : i32
    %c0_i32_0 = arith.constant 0 : i32
    return %arg0, %c0_i32 : i32, i32
  }
  func.func @transform_4(%arg0: i32) -> (i32, i32) {
    %c0_i32 = arith.constant 0 : i32
    %c0_i32_0 = arith.constant 0 : i32
    return %arg0, %c0_i32 : i32, i32
  }
}

module attributes {stable_mosaic.version = 14 : i64} {
  func.func @_pool_body(%arg0: i32, %arg1: memref<2000x128xf32, #tpu.memory_space<vmem>>, %arg2: memref<2000x128xf32, #tpu.memory_space<vmem>>, %arg3: memref<2000x1xf32, #tpu.memory_space<vmem>>, %arg4: memref<1x256xf32, #tpu.memory_space<vmem>>, %arg5: memref<1x256xf32, #tpu.memory_space<vmem>>, %arg6: memref<2000x1xi32, #tpu.memory_space<vmem>>, %arg7: memref<256x256xf32, #tpu.memory_space<vmem>>, %arg8: memref<1x256xf32, #tpu.memory_space<vmem>>, %arg9: memref<256x1xf32, #tpu.memory_space<vmem>>, %arg10: memref<1x1xf32, #tpu.memory_space<vmem>>, %arg11: memref<64x1xf32, #tpu.memory_space<vmem>>, %arg12: memref<64x256xf32, #tpu.memory_space<vmem>>, %arg13: memref<64x1xf32, #tpu.memory_space<vmem>>) attributes {dimension_semantics = [#tpu.dimension_semantics<arbitrary>], iteration_bounds = array<i64: 5>, scalar_prefetch = 0 : i64, scratch_operands = 2 : i64, tpu.core_type = #tpu.core_type<tc>, window_params = [{transform_indices = @transform_0, window_bounds = array<i64: 2000, 128>}, {transform_indices = @transform_1, window_bounds = array<i64: 2000, 128>}, {transform_indices = @transform_2, window_bounds = array<i64: 2000, 1>}, {pipeline_mode = #tpu.pipeline_mode<synchronous>, transform_indices = @transform_3, window_bounds = array<i64: 1, 256>}, {pipeline_mode = #tpu.pipeline_mode<synchronous>, transform_indices = @transform_4, window_bounds = array<i64: 1, 256>}, {transform_indices = @transform_5, window_bounds = array<i64: 2000, 1>}, {pipeline_mode = #tpu.pipeline_mode<synchronous>, transform_indices = @transform_6, window_bounds = array<i64: 256, 256>}, {pipeline_mode = #tpu.pipeline_mode<synchronous>, transform_indices = @transform_7, window_bounds = array<i64: 1, 256>}, {pipeline_mode = #tpu.pipeline_mode<synchronous>, transform_indices = @transform_8, window_bounds = array<i64: 256, 1>}, {pipeline_mode = #tpu.pipeline_mode<synchronous>, transform_indices = @transform_9, window_bounds = array<i64: 1, 1>}, {pipeline_mode = #tpu.pipeline_mode<synchronous>, transform_indices = @transform_10, window_bounds = array<i64: 64, 1>}]} {
    %eq3A = arith.constant 0 : i32
    %eq3A_0 = arith.cmpi eq, %arg0, %eq3A : i32
    %convert_element_type3A = arith.extui %eq3A_0 : i1 to i32
    %cond3A = arith.constant 0 : i32
    %cond3A_1 = arith.cmpi ne, %convert_element_type3A, %cond3A : i32
    scf.if %cond3A_1 {
      %broadcast_in_dim3A_50 = arith.constant 0.000000e+00 : f32
      %broadcast_in_dim3A_51 = vector.broadcast %broadcast_in_dim3A_50 : f32 to vector<64x256xf32>
      %swap3A_52 = arith.constant 0 : index
      %swap3A_53 = arith.constant 0 : index
      %swap3A_54 = vector.load %arg12[%swap3A_52, %swap3A_53] : memref<64x256xf32, #tpu.memory_space<vmem>>, vector<64x256xf32>
      tpu.vector_store %arg12[%swap3A_52, %swap3A_53], %broadcast_in_dim3A_51 {strides = array<i32>} : memref<64x256xf32, #tpu.memory_space<vmem>>, vector<64x256xf32>,
      %broadcast_in_dim3A_55 = arith.constant 0.000000e+00 : f32
      %broadcast_in_dim3A_56 = vector.broadcast %broadcast_in_dim3A_55 : f32 to vector<64x1xf32>
      %swap3A_57 = arith.constant 0 : index
      %swap3A_58 = arith.constant 0 : index
      %swap3A_59 = vector.load %arg13[%swap3A_57, %swap3A_58] : memref<64x1xf32, #tpu.memory_space<vmem>>, vector<64x1xf32>
      tpu.vector_store %arg13[%swap3A_57, %swap3A_58], %broadcast_in_dim3A_56 {strides = array<i32>} : memref<64x1xf32, #tpu.memory_space<vmem>>, vector<64x1xf32>,
    } else {
    }
    %get3A = arith.constant 0 : index
    %get3A_2 = arith.constant 0 : index
    %get3A_3 = vector.load %arg1[%get3A, %get3A_2] : memref<2000x128xf32, #tpu.memory_space<vmem>>, vector<2000x128xf32>
    %get3A_4 = arith.constant 0 : index
    %get3A_5 = arith.constant 0 : index
    %get3A_6 = vector.load %arg2[%get3A_4, %get3A_5] : memref<2000x128xf32, #tpu.memory_space<vmem>>, vector<2000x128xf32>
    %concatenate3A = tpu.concatenate %get3A_3, %get3A_6 in 1 : vector<2000x128xf32>, vector<2000x128xf32> -> vector<2000x256xf32>
    %get3A_7 = arith.constant 0 : index
    %get3A_8 = arith.constant 0 : index
    %get3A_9 = vector.load %arg3[%get3A_7, %get3A_8] : memref<2000x1xf32, #tpu.memory_space<vmem>>, vector<2000x1xf32>
    %mul3A = vector.broadcast %get3A_9 : vector<2000x1xf32> to vector<2000x256xf32>
    %mul3A_10 = arith.mulf %concatenate3A, %mul3A : vector<2000x256xf32>
    %get3A_11 = arith.constant 0 : index
    %get3A_12 = arith.constant 0 : index
    %get3A_13 = vector.load %arg4[%get3A_11, %get3A_12] : memref<1x256xf32, #tpu.memory_space<vmem>>, vector<1x256xf32>
    %mul3A_14 = vector.broadcast %get3A_13 : vector<1x256xf32> to vector<2000x256xf32>
    %mul3A_15 = arith.mulf %mul3A_10, %mul3A_14 : vector<2000x256xf32>
    %get3A_16 = arith.constant 0 : index
    %get3A_17 = arith.constant 0 : index
    %get3A_18 = vector.load %arg5[%get3A_16, %get3A_17] : memref<1x256xf32, #tpu.memory_space<vmem>>, vector<1x256xf32>
    %add3A = vector.broadcast %get3A_18 : vector<1x256xf32> to vector<2000x256xf32>
    %add3A_19 = arith.addf %mul3A_15, %add3A : vector<2000x256xf32>
    %max3A = arith.constant 0.000000e+00 : f32
    %max3A_20 = vector.broadcast %max3A : f32 to vector<2000x256xf32>
    %max3A_21 = arith.maximumf %add3A_19, %max3A_20 : vector<2000x256xf32>
    %get3A_22 = arith.constant 0 : index
    %get3A_23 = arith.constant 0 : index
    %get3A_24 = vector.load %arg6[%get3A_22, %get3A_23] : memref<2000x1xi32, #tpu.memory_space<vmem>>, vector<2000x1xi32>
    %squeeze3A = vector.shape_cast %get3A_24 : vector<2000x1xi32> to vector<2000xi32>
    %broadcast_in_dim3A = vector.shape_cast %squeeze3A : vector<2000xi32> to vector<1x2000xi32>
    %iota3A = tpu.iota {dimensions = array<i32: 0>} : vector<64x2000xi32>
    %eq3A_25 = vector.broadcast %broadcast_in_dim3A : vector<1x2000xi32> to vector<64x2000xi32>
    %eq3A_26 = arith.cmpi eq, %eq3A_25, %iota3A : vector<64x2000xi32>
    %convert_element_type3A_27 = arith.extui %eq3A_26 : vector<64x2000xi1> to vector<64x2000xi32>
    %convert_element_type3A_28 = arith.sitofp %convert_element_type3A_27 : vector<64x2000xi32> to vector<64x2000xf32>
    %get3A_29 = arith.constant 0 : index
    %get3A_30 = arith.constant 0 : index
    %get3A_31 = vector.load %arg12[%get3A_29, %get3A_30] : memref<64x256xf32, #tpu.memory_space<vmem>>, vector<64x256xf32>
    %dot_general3A = arith.constant dense<0.000000e+00> : vector<64x256xf32>
    %dot_general3A_32 = tpu.matmul %convert_element_type3A_28, %max3A_21, %dot_general3A {dimension_numbers = #tpu.dot_dimension_numbers<[1], [0], [0], [1], [0, 0, 1, 1], [], []>, precision = #tpu.contract_precision<fp32>, transpose_lhs_hint = false} : vector<64x2000xf32>, vector<2000x256xf32>, vector<64x256xf32> -> vector<64x256xf32>
    %add3A_33 = arith.addf %get3A_31, %dot_general3A_32 : vector<64x256xf32>
    %swap3A = arith.constant 0 : index
    %swap3A_34 = arith.constant 0 : index
    %swap3A_35 = vector.load %arg12[%swap3A, %swap3A_34] : memref<64x256xf32, #tpu.memory_space<vmem>>, vector<64x256xf32>
    tpu.vector_store %arg12[%swap3A, %swap3A_34], %add3A_33 {strides = array<i32>} : memref<64x256xf32, #tpu.memory_space<vmem>>, vector<64x256xf32>,
    %get3A_36 = arith.constant 0 : index
    %get3A_37 = arith.constant 0 : index
    %get3A_38 = vector.load %arg13[%get3A_36, %get3A_37] : memref<64x1xf32, #tpu.memory_space<vmem>>, vector<64x1xf32>
    %reduce_sum3A = arith.constant dense<0.000000e+00> : vector<64xf32>
    %reduce_sum3A_39 = vector.multi_reduction <add>, %convert_element_type3A_28, %reduce_sum3A [1] : vector<64x2000xf32> to vector<64xf32>
    %broadcast_in_dim3A_40 = vector.shape_cast %reduce_sum3A_39 : vector<64xf32> to vector<64x1xf32>
    %add3A_41 = arith.addf %get3A_38, %broadcast_in_dim3A_40 : vector<64x1xf32>
    %swap3A_42 = arith.constant 0 : index
    %swap3A_43 = arith.constant 0 : index
    %swap3A_44 = vector.load %arg13[%swap3A_42, %swap3A_43] : memref<64x1xf32, #tpu.memory_space<vmem>>, vector<64x1xf32>
    tpu.vector_store %arg13[%swap3A_42, %swap3A_43], %add3A_41 {strides = array<i32>} : memref<64x1xf32, #tpu.memory_space<vmem>>, vector<64x1xf32>,
    %eq3A_45 = arith.constant 4 : i32
    %eq3A_46 = arith.cmpi eq, %arg0, %eq3A_45 : i32
    %convert_element_type3A_47 = arith.extui %eq3A_46 : i1 to i32
    %cond3A_48 = arith.constant 0 : i32
    %cond3A_49 = arith.cmpi ne, %convert_element_type3A_47, %cond3A_48 : i32
    scf.if %cond3A_49 {
      %get3A_50 = arith.constant 0 : index
      %get3A_51 = arith.constant 0 : index
      %get3A_52 = vector.load %arg12[%get3A_50, %get3A_51] : memref<64x256xf32, #tpu.memory_space<vmem>>, vector<64x256xf32>
      %get3A_53 = arith.constant 0 : index
      %get3A_54 = arith.constant 0 : index
      %get3A_55 = vector.load %arg13[%get3A_53, %get3A_54] : memref<64x1xf32, #tpu.memory_space<vmem>>, vector<64x1xf32>
      %max3A_56 = arith.constant 1.000000e+00 : f32
      %max3A_57 = vector.broadcast %max3A_56 : f32 to vector<64x1xf32>
      %max3A_58 = arith.maximumf %get3A_55, %max3A_57 : vector<64x1xf32>
      %div3A = vector.broadcast %max3A_58 : vector<64x1xf32> to vector<64x256xf32>
      %div3A_59 = arith.divf %get3A_52, %div3A : vector<64x256xf32>
      %get3A_60 = arith.constant 0 : index
      %get3A_61 = arith.constant 0 : index
      %get3A_62 = vector.load %arg7[%get3A_60, %get3A_61] : memref<256x256xf32, #tpu.memory_space<vmem>>, vector<256x256xf32>
      %dot_general3A_63 = arith.constant dense<0.000000e+00> : vector<64x256xf32>
      %dot_general3A_64 = tpu.matmul %div3A_59, %get3A_62, %dot_general3A_63 {dimension_numbers = #tpu.dot_dimension_numbers<[1], [0], [0], [1], [0, 0, 1, 1], [], []>, transpose_lhs_hint = false} : vector<64x256xf32>, vector<256x256xf32>, vector<64x256xf32> -> vector<64x256xf32>
      %get3A_65 = arith.constant 0 : index
      %get3A_66 = arith.constant 0 : index
      %get3A_67 = vector.load %arg8[%get3A_65, %get3A_66] : memref<1x256xf32, #tpu.memory_space<vmem>>, vector<1x256xf32>
      %add3A_68 = vector.broadcast %get3A_67 : vector<1x256xf32> to vector<64x256xf32>
      %add3A_69 = arith.addf %dot_general3A_64, %add3A_68 : vector<64x256xf32>
      %max3A_70 = arith.constant 0.000000e+00 : f32
      %max3A_71 = vector.broadcast %max3A_70 : f32 to vector<64x256xf32>
      %max3A_72 = arith.maximumf %add3A_69, %max3A_71 : vector<64x256xf32>
      %get3A_73 = arith.constant 0 : index
      %get3A_74 = arith.constant 0 : index
      %get3A_75 = vector.load %arg9[%get3A_73, %get3A_74] : memref<256x1xf32, #tpu.memory_space<vmem>>, vector<256x1xf32>
      %dot_general3A_76 = arith.constant dense<0.000000e+00> : vector<64x1xf32>
      %dot_general3A_77 = tpu.matmul %max3A_72, %get3A_75, %dot_general3A_76 {dimension_numbers = #tpu.dot_dimension_numbers<[1], [0], [0], [1], [0, 0, 1, 1], [], []>, transpose_lhs_hint = false} : vector<64x256xf32>, vector<256x1xf32>, vector<64x1xf32> -> vector<64x1xf32>
      %get3A_78 = arith.constant 0 : index
      %get3A_79 = arith.constant 0 : index
      %get3A_80 = vector.load %arg10[%get3A_78, %get3A_79] : memref<1x1xf32, #tpu.memory_space<vmem>>, vector<1x1xf32>
      %add3A_81 = vector.broadcast %get3A_80 : vector<1x1xf32> to vector<64x1xf32>
      %add3A_82 = arith.addf %dot_general3A_77, %add3A_81 : vector<64x1xf32>
      %swap3A_83 = arith.constant 0 : index
      %swap3A_84 = arith.constant 0 : index
      %swap3A_85 = vector.load %arg11[%swap3A_83, %swap3A_84] : memref<64x1xf32, #tpu.memory_space<vmem>>, vector<64x1xf32>
      tpu.vector_store %arg11[%swap3A_83, %swap3A_84], %add3A_82 {strides = array<i32>} : memref<64x1xf32, #tpu.memory_space<vmem>>, vector<64x1xf32>,
    } else {
    }
    return
  }
  func.func @transform_0(%arg0: i32) -> (i32, i32) {
    %c0_i32 = arith.constant 0 : i32
    %c0_i32_0 = arith.constant 0 : i32
    return %arg0, %c0_i32 : i32, i32
  }
  func.func @transform_1(%arg0: i32) -> (i32, i32) {
    %c0_i32 = arith.constant 0 : i32
    %c0_i32_0 = arith.constant 0 : i32
    return %arg0, %c0_i32 : i32, i32
  }
  func.func @transform_2(%arg0: i32) -> (i32, i32) {
    %c0_i32 = arith.constant 0 : i32
    %c0_i32_0 = arith.constant 0 : i32
    return %arg0, %c0_i32 : i32, i32
  }
  func.func @transform_3(%arg0: i32) -> (i32, i32) {
    %c0_i32 = arith.constant 0 : i32
    %c0_i32_0 = arith.constant 0 : i32
    %c0_i32_1 = arith.constant 0 : i32
    return %c0_i32, %c0_i32_0 : i32, i32
  }
  func.func @transform_4(%arg0: i32) -> (i32, i32) {
    %c0_i32 = arith.constant 0 : i32
    %c0_i32_0 = arith.constant 0 : i32
    %c0_i32_1 = arith.constant 0 : i32
    return %c0_i32, %c0_i32_0 : i32, i32
  }
  func.func @transform_5(%arg0: i32) -> (i32, i32) {
    %c0_i32 = arith.constant 0 : i32
    %c0_i32_0 = arith.constant 0 : i32
    return %arg0, %c0_i32 : i32, i32
  }
  func.func @transform_6(%arg0: i32) -> (i32, i32) {
    %c0_i32 = arith.constant 0 : i32
    %c0_i32_0 = arith.constant 0 : i32
    %c0_i32_1 = arith.constant 0 : i32
    return %c0_i32, %c0_i32_0 : i32, i32
  }
  func.func @transform_7(%arg0: i32) -> (i32, i32) {
    %c0_i32 = arith.constant 0 : i32
    %c0_i32_0 = arith.constant 0 : i32
    %c0_i32_1 = arith.constant 0 : i32
    return %c0_i32, %c0_i32_0 : i32, i32
  }
  func.func @transform_8(%arg0: i32) -> (i32, i32) {
    %c0_i32 = arith.constant 0 : i32
    %c0_i32_0 = arith.constant 0 : i32
    %c0_i32_1 = arith.constant 0 : i32
    return %c0_i32, %c0_i32_0 : i32, i32
  }
  func.func @transform_9(%arg0: i32) -> (i32, i32) {
    %c0_i32 = arith.constant 0 : i32
    %c0_i32_0 = arith.constant 0 : i32
    %c0_i32_1 = arith.constant 0 : i32
    return %c0_i32, %c0_i32_0 : i32, i32
  }
  func.func @transform_10(%arg0: i32) -> (i32, i32) {
    %c0_i32 = arith.constant 0 : i32
    %c0_i32_0 = arith.constant 0 : i32
    %c0_i32_1 = arith.constant 0 : i32
    return %c0_i32, %c0_i32_0 : i32, i32
  }
}

module attributes {stable_mosaic.version = 14 : i64} {
  func.func @_mid_body(%arg0: i32, %arg1: memref<2000x128xf32, #tpu.memory_space<vmem>>, %arg2: memref<2000x128xf32, #tpu.memory_space<vmem>>, %arg3: memref<2000x1xf32, #tpu.memory_space<vmem>>, %arg4: memref<1x256xf32, #tpu.memory_space<vmem>>, %arg5: memref<1x256xf32, #tpu.memory_space<vmem>>, %arg6: memref<256x256xf32, #tpu.memory_space<vmem>>, %arg7: memref<2000x128xf32, #tpu.memory_space<vmem>>, %arg8: memref<2000x128xf32, #tpu.memory_space<vmem>>) attributes {dimension_semantics = [#tpu.dimension_semantics<arbitrary>], iteration_bounds = array<i64: 5>, scalar_prefetch = 0 : i64, scratch_operands = 0 : i64, tpu.core_type = #tpu.core_type<tc>, window_params = [{transform_indices = @transform_0, window_bounds = array<i64: 2000, 128>}, {transform_indices = @transform_1, window_bounds = array<i64: 2000, 128>}, {transform_indices = @transform_2, window_bounds = array<i64: 2000, 1>}, {pipeline_mode = #tpu.pipeline_mode<synchronous>, transform_indices = @transform_3, window_bounds = array<i64: 1, 256>}, {pipeline_mode = #tpu.pipeline_mode<synchronous>, transform_indices = @transform_4, window_bounds = array<i64: 1, 256>}, {pipeline_mode = #tpu.pipeline_mode<synchronous>, transform_indices = @transform_5, window_bounds = array<i64: 256, 256>}, {transform_indices = @transform_6, window_bounds = array<i64: 2000, 128>}, {transform_indices = @transform_7, window_bounds = array<i64: 2000, 128>}]} {
    %get3A = arith.constant 0 : index
    %get3A_0 = arith.constant 0 : index
    %get3A_1 = vector.load %arg1[%get3A, %get3A_0] : memref<2000x128xf32, #tpu.memory_space<vmem>>, vector<2000x128xf32>
    %get3A_2 = arith.constant 0 : index
    %get3A_3 = arith.constant 0 : index
    %get3A_4 = vector.load %arg2[%get3A_2, %get3A_3] : memref<2000x128xf32, #tpu.memory_space<vmem>>, vector<2000x128xf32>
    %concatenate3A = tpu.concatenate %get3A_1, %get3A_4 in 1 : vector<2000x128xf32>, vector<2000x128xf32> -> vector<2000x256xf32>
    %get3A_5 = arith.constant 0 : index
    %get3A_6 = arith.constant 0 : index
    %get3A_7 = vector.load %arg3[%get3A_5, %get3A_6] : memref<2000x1xf32, #tpu.memory_space<vmem>>, vector<2000x1xf32>
    %mul3A = vector.broadcast %get3A_7 : vector<2000x1xf32> to vector<2000x256xf32>
    %mul3A_8 = arith.mulf %concatenate3A, %mul3A : vector<2000x256xf32>
    %get3A_9 = arith.constant 0 : index
    %get3A_10 = arith.constant 0 : index
    %get3A_11 = vector.load %arg4[%get3A_9, %get3A_10] : memref<1x256xf32, #tpu.memory_space<vmem>>, vector<1x256xf32>
    %mul3A_12 = vector.broadcast %get3A_11 : vector<1x256xf32> to vector<2000x256xf32>
    %mul3A_13 = arith.mulf %mul3A_8, %mul3A_12 : vector<2000x256xf32>
    %get3A_14 = arith.constant 0 : index
    %get3A_15 = arith.constant 0 : index
    %get3A_16 = vector.load %arg5[%get3A_14, %get3A_15] : memref<1x256xf32, #tpu.memory_space<vmem>>, vector<1x256xf32>
    %add3A = vector.broadcast %get3A_16 : vector<1x256xf32> to vector<2000x256xf32>
    %add3A_17 = arith.addf %mul3A_13, %add3A : vector<2000x256xf32>
    %max3A = arith.constant 0.000000e+00 : f32
    %max3A_18 = vector.broadcast %max3A : f32 to vector<2000x256xf32>
    %max3A_19 = arith.maximumf %add3A_17, %max3A_18 : vector<2000x256xf32>
    %get3A_20 = arith.constant 0 : index
    %get3A_21 = arith.constant 0 : index
    %get3A_22 = vector.load %arg6[%get3A_20, %get3A_21] : memref<256x256xf32, #tpu.memory_space<vmem>>, vector<256x256xf32>
    %dot_general3A = arith.constant dense<0.000000e+00> : vector<2000x256xf32>
    %dot_general3A_23 = tpu.matmul %max3A_19, %get3A_22, %dot_general3A {dimension_numbers = #tpu.dot_dimension_numbers<[1], [0], [0], [1], [0, 0, 1, 1], [], []>, transpose_lhs_hint = false} : vector<2000x256xf32>, vector<256x256xf32>, vector<2000x256xf32> -> vector<2000x256xf32>
    %get3A_24 = arith.constant 0 : index
    %get3A_25 = arith.constant 0 : index
    %get3A_26 = vector.load %arg3[%get3A_24, %get3A_25] : memref<2000x1xf32, #tpu.memory_space<vmem>>, vector<2000x1xf32>
    %mul3A_27 = vector.broadcast %get3A_26 : vector<2000x1xf32> to vector<2000x256xf32>
    %mul3A_28 = arith.mulf %dot_general3A_23, %mul3A_27 : vector<2000x256xf32>
    %slice3A = vector.extract_strided_slice %mul3A_28 {offsets = [0, 0], sizes = [2000, 128], strides = [1, 1]} : vector<2000x256xf32> to vector<2000x128xf32>
    %swap3A = arith.constant 0 : index
    %swap3A_29 = arith.constant 0 : index
    %swap3A_30 = vector.load %arg7[%swap3A, %swap3A_29] : memref<2000x128xf32, #tpu.memory_space<vmem>>, vector<2000x128xf32>
    tpu.vector_store %arg7[%swap3A, %swap3A_29], %slice3A {strides = array<i32>} : memref<2000x128xf32, #tpu.memory_space<vmem>>, vector<2000x128xf32>,
    %slice3A_31 = vector.extract_strided_slice %mul3A_28 {offsets = [0, 128], sizes = [2000, 128], strides = [1, 1]} : vector<2000x256xf32> to vector<2000x128xf32>
    %swap3A_32 = arith.constant 0 : index
    %swap3A_33 = arith.constant 0 : index
    %swap3A_34 = vector.load %arg8[%swap3A_32, %swap3A_33] : memref<2000x128xf32, #tpu.memory_space<vmem>>, vector<2000x128xf32>
    tpu.vector_store %arg8[%swap3A_32, %swap3A_33], %slice3A_31 {strides = array<i32>} : memref<2000x128xf32, #tpu.memory_space<vmem>>, vector<2000x128xf32>,
    return
  }
  func.func @transform_0(%arg0: i32) -> (i32, i32) {
    %c0_i32 = arith.constant 0 : i32
    %c0_i32_0 = arith.constant 0 : i32
    return %arg0, %c0_i32 : i32, i32
  }
  func.func @transform_1(%arg0: i32) -> (i32, i32) {
    %c0_i32 = arith.constant 0 : i32
    %c0_i32_0 = arith.constant 0 : i32
    return %arg0, %c0_i32 : i32, i32
  }
  func.func @transform_2(%arg0: i32) -> (i32, i32) {
    %c0_i32 = arith.constant 0 : i32
    %c0_i32_0 = arith.constant 0 : i32
    return %arg0, %c0_i32 : i32, i32
  }
  func.func @transform_3(%arg0: i32) -> (i32, i32) {
    %c0_i32 = arith.constant 0 : i32
    %c0_i32_0 = arith.constant 0 : i32
    %c0_i32_1 = arith.constant 0 : i32
    return %c0_i32, %c0_i32_0 : i32, i32
  }
  func.func @transform_4(%arg0: i32) -> (i32, i32) {
    %c0_i32 = arith.constant 0 : i32
    %c0_i32_0 = arith.constant 0 : i32
    %c0_i32_1 = arith.constant 0 : i32
    return %c0_i32, %c0_i32_0 : i32, i32
  }
  func.func @transform_5(%arg0: i32) -> (i32, i32) {
    %c0_i32 = arith.constant 0 : i32
    %c0_i32_0 = arith.constant 0 : i32
    %c0_i32_1 = arith.constant 0 : i32
    return %c0_i32, %c0_i32_0 : i32, i32
  }
  func.func @transform_6(%arg0: i32) -> (i32, i32) {
    %c0_i32 = arith.constant 0 : i32
    %c0_i32_0 = arith.constant 0 : i32
    return %arg0, %c0_i32 : i32, i32
  }
  func.func @transform_7(%arg0: i32) -> (i32, i32) {
    %c0_i32 = arith.constant 0 : i32
    %c0_i32_0 = arith.constant 0 : i32
    return %arg0, %c0_i32 : i32, i32
  }
}

</mosaic_0001>

<sc_bundles>
// kernel: kernel.11.cloned.1.call-start
scs
__scs_entry_jumppad:
0x0: {  	(pc) =	sbr.rel $0x88, $3  }
0x1: {  	(tag) =	ssettag $0x0;
	lr =	simm.s32 $0x1  }
0x2: {  	[smem:$0x3F88] =	sst lr;
	_ =	strace $0xD0000000  }
0x3: {  	_ = 	snop  }
0x4: {  	_ = 	snop  }
0x5: {  	_ = 	snop  }
0x6: {  	_ = 	snop  }
0x7: {  	_ = 	snop  }
__scs_overlays_trampoline_lowered:
0x8: {  	[smem:$0x3F97] =	sst s0  }
0x9: {  	[smem:$0x3F98] =	sst s1  }
0xa: {  	[smem:$0x3F99] =	sst s2  }
0xb: {  	[smem:$0x3F9A] =	sst s3  }
0xc: {  	[smem:$0x3F9B] =	sst s4  }
0xd: {  	[smem:$0x3F9C] =	sst s5  }
0xe: {  	[smem:$0x3F9D] =	sst s6  }
0xf: {  	[smem:$0x3F9E] =	sst s7  }
0x10: {  	[smem:$0x3F9F] =	sst s8  }
0x11: {  	[smem:$0x3FA0] =	sst s9;
	s0 =	simm.s32 @!p0 $0x0  }
0x12: {  	s1 =	sld [smem:$0x3F86];
	s0 =	simm.s32 @p0 $0x1  }
0x13: {  	[smem:$0x3FA1] =	sst s0;
	s0 =	simm.s32 @!p1 $0x0  }
0x14: {  	s2 =	sld [smem:$0x3F85];
	s0 =	simm.s32 @p1 $0x1  }
0x15: {  	[smem:$0x3FA2] =	sst s0;
	s0 =	simm.s32 @!p2 $0x0  }
0x16: {  	s3 =	sld [smem:$0x3FDB];
	s0 =	simm.s32 @p2 $0x1  }
0x17: {  	s4 =	simm.s32 $0x1BF5;
	[smem:$0x3FA4] =	sst s0  }
0x18: {  	s0 =	sld [smem:$0x3F87];
	_ =	swait.ge [sflag:s4], $0x0  }
0x19: {  	s7 =	sld [smem:$0x3F88]  }
0x1a: {  	s8 =	sadd.s32 $0xFFFFE003, lr  }
0x1b: {  	s9 =	sadd.s32 $0xFFFFFEF7, lr;
	s5 =	simm.s32 $0xFFFFFFFF;
	p2 =	slt.u32 s8, $0xFFFFF086  }
0x1c: {  	p1 =	slt.u32 s9, $0xF7A;
	s5 =	simm.s32 @!p2 $0x0  }
0x1d: {  	s5 =	simm.s32 @p1 $0x1;
	p0 =	seq.s32 s7, s2  }
0x1e: {  	s7 =	smul.u32 @!p0 $0xF7A, s2;
	p2 =	seq.s32 @!p0 s5, $0x0  }
0x1f: {  	s9 =	smul.u32 $0xF7A, s1;
	s8 =	simm.s32 @!p0 $0x1BF5;
	p2 =	por !p2, p0  }
0x20: {  	[sflag:s8] =	ssyncset.s32 @!p0 $0xFFFFF086;
	s6 =	sadd.s32 @!p0 s3, s7;
	s7 =	simm.s32 @!p0 $0x108  }
0x21: {  	s3 =	sadd.s32 s3, s9;
	s6 =	sadd.s32 @!p0 $0x88, s6;
	s7 =	simm.s32 @p2 $0x1082  }
0x22: {  	[simem:s7], [sflag:s8] =	dma.local @!p0 [hbm:s6], $0xF7A  }
0x23: {  	s9 =	sor.u32 $0xD0000000, s2;
	s6 =	simm.s32 $0x108;
	_ =	swait.ge @!p0 [sflag:s8], $0x0  }
0x24: {  	s3 =	sadd.s32 $0x88, s3;
	s6 =	simm.s32 @!p1 $0x1082;
	[sflag:s4] =	ssyncset.s32 $0xFFFFF086  }
0x25: {  	[simem:s6], [sflag:s4] =	dma.local [hbm:s3], $0xF7A  }
0x26: {  	[smem:$0x3F88] =	sst s1;
	(tag) =	ssettag s2;
	_ =	strace s9  }
0x27: {  	s1 =	sld [smem:$0x3F98]  }
0x28: {  	s2 =	sld [smem:$0x3F99]  }
0x29: {  	s4 =	sld [smem:$0x3F9B]  }
0x2a: {  	p0 =	seq.s32 s5, $0x0;
	s5 =	sld [smem:$0x3F9C]  }
0x2b: {  	s6 =	sld [smem:$0x3F9D]  }
0x2c: {  	s7 =	sld [smem:$0x3F9E]  }
0x2d: {  	s3 =	simm.s32 $0x108;
	s8 =	sld [smem:$0x3F9F]  }
0x2e: {  	s3 =	simm.s32 @!p0 $0x1082;
	s9 =	sld [smem:$0x3FA0]  }
0x2f: {  	lr =	sadd.s32 s0, s3;
	s0 =	sld [smem:$0x3F97]  }
0x30: {  	s3 =	sld [smem:$0x3F9A]  }
0x31: {  	[smem:$0x3FA3] =	sst s10  }
0x32: {  	s10 =	sld [smem:$0x3FA1];
	_ =	sdelay $0x3  }
0x33: {  	p0 =	seq.s32 s10, $0x1;
	s10 =	sld [smem:$0x3FA3];
	_ =	sdelay $0x3  }
0x34: {  	[smem:$0x3FA3] =	sst s10  }
0x35: {  	s10 =	sld [smem:$0x3FA2];
	_ =	sdelay $0x3  }
0x36: {  	p1 =	seq.s32 s10, $0x1;
	s10 =	sld [smem:$0x3FA3];
	_ =	sdelay $0x3  }
0x37: {  	[smem:$0x3FA3] =	sst s10  }
0x38: {  	s10 =	sld [smem:$0x3FA4]  }
0x39: {  	_ = 	snop;
	(pc) =	sbr.ind lr, $3  }
0x3a: {  	_ = 	snop  }
0x3b: {  	_ = 	snop  }
0x3c: {  	p2 =	seq.s32 s10, $0x1;
	s10 =	sld [smem:$0x3FA3]  }
0x3d: {  	_ =	shalt  }
0x3e: {  	_ =	shalt  }
0x3f: {  	_ =	shalt  }
0x40: {  	_ =	shalt  }
0x41: {  	_ =	shalt  }
0x42: {  	_ =	shalt  }
0x43: {  	_ =	shalt  }
0x44: {  	_ =	shalt  }
0x45: {  	_ =	shalt  }
0x46: {  	_ =	shalt  }
0x47: {  	_ =	shalt  }
0x48: {  	_ =	shalt  }
0x49: {  	_ =	shalt  }
0x4a: {  	_ =	shalt  }
0x4b: {  	_ =	shalt  }
0x4c: {  	_ =	shalt  }
0x4d: {  	_ =	shalt  }
0x4e: {  	_ =	shalt  }
0x4f: {  	_ =	shalt  }
0x50: {  	_ =	shalt  }
0x51: {  	_ =	shalt  }
0x52: {  	_ =	shalt  }
0x53: {  	_ =	shalt  }
0x54: {  	_ =	shalt  }
0x55: {  	_ =	shalt  }
0x56: {  	_ =	shalt  }
0x57: {  	_ =	shalt  }
0x58: {  	_ =	shalt  }
0x59: {  	_ =	shalt  }
0x5a: {  	_ =	shalt  }
0x5b: {  	_ =	shalt  }
0x5c: {  	_ =	shalt  }
0x5d: {  	_ =	shalt  }
0x5e: {  	_ =	shalt  }
0x5f: {  	_ =	shalt  }
0x60: {  	_ =	shalt  }
0x61: {  	_ =	shalt  }
0x62: {  	_ =	shalt  }
0x63: {  	_ =	shalt  }
0x64: {  	_ =	shalt  }
0x65: {  	_ =	shalt  }
0x66: {  	_ =	shalt  }
0x67: {  	_ =	shalt  }
0x68: {  	_ =	shalt  }
0x69: {  	_ =	shalt  }
0x6a: {  	_ =	shalt  }
0x6b: {  	_ =	shalt  }
0x6c: {  	_ =	shalt  }
0x6d: {  	_ =	shalt  }
0x6e: {  	_ =	shalt  }
0x6f: {  	_ =	shalt  }
0x70: {  	_ =	shalt  }
0x71: {  	_ =	shalt  }
0x72: {  	_ =	shalt  }
0x73: {  	_ =	shalt  }
0x74: {  	_ =	shalt  }
0x75: {  	_ =	shalt  }
0x76: {  	_ =	shalt  }
0x77: {  	_ =	shalt  }
0x78: {  	_ =	shalt  }
0x79: {  	_ =	shalt  }
0x7a: {  	_ =	shalt  }
0x7b: {  	_ =	shalt  }
0x7c: {  	_ =	shalt  }
0x7d: {  	_ =	shalt  }
0x7e: {  	_ =	shalt  }
0x7f: {  	_ =	shalt  }
0x80: {  	_ =	shalt  }
0x81: {  	_ =	shalt  }
0x82: {  	_ =	shalt  }
0x83: {  	_ =	shalt  }
0x84: {  	_ =	shalt  }
0x85: {  	_ =	shalt  }
0x86: {  	_ =	shalt  }
0x87: {  	_ =	shalt  }
.Lfunc_end0:
.L_simem_size_0:
called_computation_lowered:
.L_overlay_start_0:
0x88: {  	s2 =	sld [smem:$0x3FD9]  }
0x89: {  	s3 =	sld [smem:$0x3FFE];
	_ =	sdelay $0x1  }
0x8a: {  	s1 =	srdreg.scid  }
0x8b: {  	s0 =	sand.u32 $0x1, s1  }
0x8c: {  	s16 =	sshll.u32 s0, $0xA;
	s2 =	sadd.s32 s3, s2  }
0x8d: {  	s2 =	sadd.s32 s2, s16  }
0x8e: {  	[smem:$0x3FAF] =	sst s2  }
0x8f: {  	_ = 	snop  }
0x90: {  	(tm) =	ssettm $0x1  }
0x91: {  	s17 =	sld [smem:$0x3FFB];
	_ =	sdelay $0x3  }
0x92: {  	_ =	strace s17  }
0x93: {  	s2 =	sld [smem:$0x3FFC];
	_ =	sdelay $0x3  }
0x94: {  	_ =	strace s2  }
0x95: {  	s2 =	sld [smem:$0x3FFD];
	_ =	sdelay $0x3  }
0x96: {  	_ =	strace s2  }
0x97: {  	_ =	strace $0x8FFFFFFF  }
0x98: {  	s18 =	sld [smem:$0x3FDB];
	_ =	sdelay $0x1  }
0x99: {  	s19 =	simm.s32 $_scs_section_size  }
0x9a: {  	s4 =	simm.s32 $_size__tile_overlayer_lowered;
	s5 =	simm.s32 $_tile_overlayer_lowered  }
0x9b: {  	s22 =	simm.s32 $0x1BFF;
	s21 =	sshll.u32 s5, $0x1;
	s2 =	sadd.s32 s19, s18  }
0x9c: {  	s6 =	simm.s32 $0x0;
	s20 =	sshll.u32 s4, $0x1;
	s4 =	sadd.s32 s21, s2  }
0x9d: {  	[timem:s6], [sflag:s22] =	dma.local [hbm:s4], s20  }
0x9e: {  	_ =	swait.ge [sflag:s22], s20  }
0x9f: {  	s3 =	ssub.s32 $0x0, s20;
	[sflag:s22] =	ssyncset.done $0x0  }
0xa0: {  	[sflag:s22] =	ssyncadd.s32 s3;
	_ =	sdelay $0x1  }
0xa1: {  	s23 =	simm.s32 $0x1B8B  }
0xa2: {  	_ =	swait.ge [sflag:s23], $0x1  }
0xa3: {  	[sflag:s23] =	ssyncset.done $0x0  }
0xa4: {  	s25 =	simm.s32 $0x1B8E;
	s24 =	sld [smem:$0x3FFE];
	[sflag:s23] =	ssyncadd.s32 $0xFFFFFFFF  }
0xa5: {  	s26 =	simm.s32 $execute0_lowered;
	[smem:$0x3FD2] =	sst s25  }
0xa6: {  	s4 =	sshll.u32 s26, $0x1;
	_ =	strace $0x80000046;
	[dreg:$0x1] =	wrdreg $0xFFFFFFFF  }
0xa7: {  	s28 =	simm.s32 $_size_execute0_lowered;
	s2 =	sadd.s32 s2, s4;
	[dreg:$0x0] =	wrdreg $0x0  }
0xa8: {  	s4 =	sshll.u32 s28, $0x1;
	[dreg:$0x2] =	wrdreg s2  }
0xa9: {  	[dreg:$0x3] =	wrdreg s4  }
0xaa: {  	[dreg:$0x4] =	wrdreg $0xC0  }
0xab: {  	_ =	task [dreg:s6], $0x5FFFF  }
0xac: {  	[dreg:$0x1] =	wrdreg $0xFFFFFFFF  }
0xad: {  	[dreg:$0x0] =	wrdreg $0x60  }
0xae: {  	[dreg:$0x2] =	wrdreg s24  }
0xaf: {  	[dreg:$0x3] =	wrdreg $0x4800  }
0xb0: {  	[dreg:$0x4] =	wrdreg $0x9  }
0xb1: {  	_ =	task.clear_ibuf [dreg:s6], $0x5FFFF;
	_ =	strace $0x90000046  }
0xb2: {  	s29 =	simm.s32 $0x9;
	_ =	strace $0x80000048  }
0xb3: {  	_ =	swait.ge [sflag:s29], $0x1  }
0xb4: {  	[sflag:s29] =	ssyncadd.s32 $0xFFFFFFFF  }
0xb5: {  	_ =	strace $0x90000048  }
0xb6: {  	_ =	sfence  }
0xb7: {  	s30 =	sld [smem:$0x0];
	_ =	sdelay $0x2  }
0xb8: {  	s31 =	sshll.u32 s1, $0xD;
	s1 =	sshrl.u32 s1, $0x2  }
0xb9: {  	s3 =	sand.u32 $0x4000, s31;
	s1 =	sadd.s32 s1, s30  }
0xba: {  	s0 =	sor.u32 s3, s0;
	s1 =	sshll.u32 s1, $0x11  }
0xbb: {  	s0 =	sor.u32 s1, s0  }
0xbc: {  	s0 =	sadd.s32 $0x8F2B, s0  }
0xbd: {  	[sflag:s0] =	ssyncadd.remote.s32 $0x1  }
0xbe: {  	_ =	sfence.sel $0xFFFF  }
0xbf: {  	[dreg:$0x0] =	wrdreg $0xFFFFFFFF;
	(pc) =	sbr.abs _section_cstart, $3  }
0xc0: {  	[dreg:$0x1] =	wrdreg $0xFFFFFFFF  }
0xc1: {  	_ =	task.clear_ibuf [dreg:s6], $0x2FFFF;
	_ =	strace $0x9FFFFFFF  }
0xc2: {  	(tm) =	ssettm $0x7FFFFFFF  }
0xc3: {  	_ =	shalt  }
tec
execute0_lowered:
.L_overlay_start_1:
0x0: {  	(tag) =	ssettag $0x1  }
0x1: {  	s5 =	rddreg [dreg:$0x0]  }
0x2: {  	s1 =	rddreg [dreg:$0x1]  }
0x3: {  	s0 =	rddreg [dreg:$0x2]  }
0x4: {  	s2 =	simm.s32 $0x0;
	s3 =	srdreg.scid;
	s14 =	simm.s32 $0x400  }
0x5: {  	s15 =	simm.s32 $0x10;
	s16 =	simm.s32 $0x380;
	s20 =	simm.s32 $0x0  }
0x6: {  	[smem:$0x7FF] =	sst s2;
	s8 =	sand.u32 $0x1, s3;
	s3 =	stileid.u32  }
0x7: {  	s9 =	sadd.s32 $0x7800, s5;
	s4 =	sadd.s32 $0x11600, s5;
	s10 =	smul.u32 $0xA00, s3  }
0x8: {  	s5 =	sadd.s32 $0x11C00, s5;
	_ =	strace $0x80000047;
	s29 =	smul.u32 $0x27100, s8  }
0x9: {  	s6 =	sshll.u32 s8, $0x4;
	s7 =	ssub.s32 $0x2, s8;
	s31 =	smul.u32 $0x2710, s3  }
0xa: {  	p0 =	seq.s32 s3, $0x0;
	p1 =	seq.s32 s8, $0x1;
	s13 =	sor.u32 s8, s3  }
0xb: {  	s6 =	sor.u32 s3, s6;
	s11 =	sshrl.u32 s7, $0x1;
	p0 =	por !p0, !p1  }
0xc: {  	p1 =	sne.s32 s13, $0x0;
	s13 =	simm.s32 $0x280;
	s12 =	smul.u32 $0x2710, s6  }
0xd: {  	s11 =	ssub.s32 s7, s11;
	s28 =	sshrl.u32 s10, $0x2;
	s10 =	sadd.s32 s31, s29  }
0xe: {  	p0 =	por !p0, !p0;
	s17 =	sshll.u32 @!p1 s3, $0x6;
	s18 =	sshrl.u32 @!p1 s1, $0x3  }
0xf: {  	s6 =	sadd.s32 s28, s1;
	s10 =	sshrl.u32 s10, $0x3;
	s8 =	smax.u32 s11, $0x1  }
0x10: {  	s11 =	simm.s32 $0x300;
	s17 =	sor.u32 @!p1 $0x1C01, s17;
	s30 =	sshrl.u32 s12, $0x3  }
0x11: {  	s19 =	sshrl.u32 @p0 s1, $0x3;
	s12 =	simm.s32 $0x80;
	s7 =	sadd.s32 s9, s30  }
0x12: {  	v0 =	vimm.f32 $0.0e+00;
	v1 =	vimm.f32 $1.000000000e+00;
	s9 =	sadd.s32 s10, s9;
	s10 =	simm.s32 $0x1;
	s7 =	sadd.s32 $0x4E0, s7  }
.LBB2_1:
0x13: {  	[tilespmem:$0x0] =	vst v0  }
0x14: {  	[tilespmem:$0x10] =	vst v0  }
0x15: {  	[tilespmem:$0x20] =	vst v0  }
0x16: {  	[tilespmem:$0x30] =	vst v0  }
0x17: {  	[tilespmem:$0x40] =	vst v0  }
0x18: {  	[tilespmem:$0x50] =	vst v0  }
0x19: {  	[tilespmem:$0x60] =	vst v0  }
0x1a: {  	[tilespmem:$0x70] =	vst v0  }
0x1b: {  	[tilespmem:$0x80] =	vst v0  }
0x1c: {  	[tilespmem:$0x90] =	vst v0  }
0x1d: {  	[tilespmem:$0xA0] =	vst v0  }
0x1e: {  	[tilespmem:$0xB0] =	vst v0  }
0x1f: {  	[tilespmem:$0xC0] =	vst v0  }
0x20: {  	[tilespmem:$0xD0] =	vst v0  }
0x21: {  	[tilespmem:$0xE0] =	vst v0  }
0x22: {  	[tilespmem:$0xF0] =	vst v0  }
0x23: {  	[tilespmem:$0x100] =	vst v0  }
0x24: {  	[tilespmem:$0x110] =	vst v0  }
0x25: {  	[tilespmem:$0x120] =	vst v0  }
0x26: {  	[tilespmem:$0x130] =	vst v0  }
0x27: {  	[tilespmem:$0x140] =	vst v0  }
0x28: {  	[tilespmem:$0x150] =	vst v0  }
0x29: {  	[tilespmem:$0x160] =	vst v0  }
0x2a: {  	[tilespmem:$0x170] =	vst v0  }
0x2b: {  	[tilespmem:$0x180] =	vst v0  }
0x2c: {  	[tilespmem:$0x190] =	vst v0  }
0x2d: {  	[tilespmem:$0x1A0] =	vst v0  }
0x2e: {  	[tilespmem:$0x1B0] =	vst v0  }
0x2f: {  	[tilespmem:$0x1C0] =	vst v0  }
0x30: {  	[tilespmem:$0x1D0] =	vst v0  }
0x31: {  	[tilespmem:$0x1E0] =	vst v0  }
0x32: {  	[tilespmem:$0x1F0] =	vst v0  }
0x33: {  	[tilespmem:$0x200] =	vst v0  }
0x34: {  	[tilespmem:$0x210] =	vst v0  }
0x35: {  	[tilespmem:$0x220] =	vst v0  }
0x36: {  	[tilespmem:$0x230] =	vst v0  }
0x37: {  	[tilespmem:$0x240] =	vst v0  }
0x38: {  	[tilespmem:$0x250] =	vst v0  }
0x39: {  	[tilespmem:$0x260] =	vst v0  }
0x3a: {  	[tilespmem:$0x270] =	vst v0  }
0x3b: {  	[tilespmem:$0x280] =	vst v1  }
0x3c: {  	[tilespmem:$0x290] =	vst v1  }
0x3d: {  	[tilespmem:$0x2A0] =	vst v1  }
0x3e: {  	[tilespmem:$0x2B0] =	vst v1  }
0x3f: {  	[tilespmem:$0x2C0] =	vst v1  }
0x40: {  	[tilespmem:$0x2D0] =	vst v1  }
0x41: {  	[tilespmem:$0x2E0] =	vst v1  }
0x42: {  	[tilespmem:$0x2F0] =	vst v1  }
0x43: {  	[tilespmem:$0x380] =	vst v1  }
0x44: {  	[spmem:s6] =	stream.linear.scatter [tilespmem:s2], [sflag:$0x1], $0x280, $0x38;
	[tilespmem:$0x700] =	vst v63  }
0x45: {  	_ =	swait.ge [sflag:s10], $0x280  }
0x46: {  	[sflag:s10] =	ssyncset.done $0x0  }
0x47: {  	[sflag:s10] =	ssyncadd.s32 $0xFFFFFD80  }
0x48: {  	s21 =	sadd.s32 $0x0, s9;
	[bflag:$0x0] =	sbarrier.arrive $0xFFFF  }
0x49: {  	[tilespmem:s11], [sflag:$0x1] =	stream.linear.gather [hbm4b:s21+s2], $0x80, $0x38;
	[tilespmem:$0x700] =	vst v63  }
0x4a: {  	_ =	swait.ge [sflag:s10], $0x80  }
0x4b: {  	[sflag:s10] =	ssyncset.done $0x0  }
0x4c: {  	[sflag:s10] =	ssyncadd.s32 $0xFFFFFF80  }
0x4d: {  	[spmem:s1] =	stream.indirect.scatter.add.f32 [tilespmem:s13], [sflag:$0x1], $0x1, s11, s12, $0xb8;
	[tilespmem:$0x700] =	vst v63  }
0x4e: {  	_ =	swait.ge [sflag:s10], $0x80  }
0x4f: {  	s22 =	simm.s32 $0x20;
	s21 =	simm.s32 $0x10;
	[sflag:s10] =	ssyncset.done $0x0  }
.LBB2_2:
0x50: {  	s23 =	sadd.s32 s21, s9  }
0x51: {  	[sflag:s10] =	ssyncadd.s32 $0xFFFFFF80;
	s21 =	smov.u32 s22;
	s24 =	sadd.s32 $0x10, s22  }
0x52: {  	[tilespmem:s11], [sflag:$0x1] =	stream.linear.gather [hbm4b:s23+s2], $0x80, $0x38;
	[tilespmem:$0x700] =	vst v63  }
0x53: {  	p2 =	sne.s32 s22, $0x4D0;
	_ =	swait.ge [sflag:s10], $0x80  }
.Ltmp0:
0x54: {  	[sflag:s10] =	ssyncset.done $0x0;
	(pc) =	sbr.rel @p2 .LBB2_2-.Ltmp0, $4  }
0x55: {  	[sflag:s10] =	ssyncadd.s32 $0xFFFFFF80  }
0x56: {  	[spmem:s1] =	stream.indirect.scatter.add.f32 [tilespmem:s13], [sflag:$0x1], $0x1, s11, s12, $0xb8;
	[tilespmem:$0x700] =	vst v63  }
0x57: {  	_ =	swait.ge [sflag:s10], $0x80  }
0x58: {  	s22 =	smov.u32 s24;
	[sflag:s10] =	ssyncset.done $0x0  }
0x59: {  	s21 =	sadd.s32 s21, s9;
	[sflag:s10] =	ssyncadd.s32 $0xFFFFFF80  }
0x5a: {  	[tilespmem:s11], [sflag:$0x1] =	stream.linear.gather [hbm4b:s21+s2], $0x80, $0x38;
	[tilespmem:$0x700] =	vst v63  }
0x5b: {  	_ =	swait.ge [sflag:s10], $0x80  }
0x5c: {  	[sflag:s10] =	ssyncset.done $0x0  }
0x5d: {  	[sflag:s10] =	ssyncadd.s32 $0xFFFFFF80  }
0x5e: {  	[spmem:s1] =	stream.indirect.scatter.add.f32 [tilespmem:s13], [sflag:$0x1], $0x1, s11, s12, $0xb8;
	[tilespmem:$0x700] =	vst v63  }
0x5f: {  	_ =	swait.ge [sflag:s10], $0x80  }
0x60: {  	[sflag:s10] =	ssyncset.done $0x0  }
0x61: {  	[sflag:s10] =	ssyncadd.s32 $0xFFFFFF80  }
0x62: {  	[tilespmem:s14], [sflag:$0x1] =	stream.linear.gather [hbm4b:s7+s2], $0x10, $0x38;
	[tilespmem:$0x700] =	vst v63  }
0x63: {  	_ =	swait.ge [sflag:s10], $0x10  }
0x64: {  	[sflag:s10] =	ssyncset.done $0x0  }
0x65: {  	[sflag:s10] =	ssyncadd.s32 $0xFFFFFFF0  }
0x66: {  	[spmem:s1] =	stream.indirect.scatter.add.f32 [tilespmem:s16], [sflag:$0x1], $0x1, s14, s15, $0xb8;
	[tilespmem:$0x700] =	vst v63  }
0x67: {  	_ =	swait.ge [sflag:s10], $0x10  }
0x68: {  	[sflag:s10] =	ssyncset.done $0x0  }
0x69: {  	[sflag:s10] =	ssyncadd.s32 $0xFFFFFFF0  }
0x6a: {  	s21 =	simm.s32 @!p1 $0x1;
	[bflag:$0x0] =	sbarrier.arrive $0xFFFF  }
0x6b: {  	[hbm:s4], [sflag:s17] =	dma.local @!p1 [spmem:s18], $0x500  }
0x6c: {  	_ =	swait.ge @!p1 [sflag:s21], $0x500  }
0x6d: {  	s20 =	sadd.s32 $0x1, s20;
	[sflag:s21] =	ssyncset.done @!p1 $0x0  }
0x6e: {  	p2 =	sne.s32 s20, s8;
	[sflag:s21] =	ssyncadd.s32 @!p1 $0xFFFFFB00;
	s21 =	simm.s32 @p0 $0x1C01  }
0x6f: {  	[hbm:s5], [sflag:s21] =	dma.local @p0 [spmem:s19], $0x500  }
.Ltmp1:
0x70: {  	_ = 	snop;
	(pc) =	sbr.rel @p2 .LBB2_1-.Ltmp1, $4  }
0x71: {  	s21 =	simm.s32 @p0 $0x1  }
0x72: {  	_ =	swait.ge @p0 [sflag:s21], $0x500  }
0x73: {  	[sflag:s21] =	ssyncset.done @p0 $0x0  }
0x74: {  	[sflag:s21] =	ssyncadd.s32 @p0 $0xFFFFFB00  }
0x75: {  	_ =	sfence.sel $0x180000  }
0x76: {  	[bflag:$0x0] =	sbarrier.arrive $0xFFFF  }
0x77: {  	p0 =	sne.s32 s3, $0x0;
	_ =	strace $0x90000047  }
0x78: {  	s0 =	sadd.s32 @!p0 $0x100000, s0;
	[bflag:$0x2] =	sbarrier.arrive $0xFFFF  }
0x79: {  	[sflag:s0] =	ssyncadd.tile.s32 @!p0 $0x1;
	_ =	shalt  }
.Lfunc_end2:
_tile_overlayer_lowered:
.L_overlay_start_2:
0x7a: {  	(tag) =	ssettag $0x2  }
0x7b: {  	s0 =	rddreg [dreg:$0x0];
	s2 =	stileid.u32  }
0x7c: {  	s1 =	rddreg [dreg:$0x1];
	p0 =	sne.s32 s2, $0x0  }
0x7d: {  	s3 =	rddreg [dreg:$0x2];
	[bflag:$0x3] =	sbarrier.arrive $0xFFFF;
	s2 =	simm.s32 @!p0 $0x1C01  }
0x7e: {  	[timem:s3], [sflag:s2] =	dma.local @!p0 [hbm:s0], s1  }
0x7f: {  	s0 =	simm.s32 @!p0 $0x1  }
0x80: {  	_ =	swait.ge @!p0 [sflag:s0], s1  }
0x81: {  	s1 =	ssub.s32 @!p0 $0x0, s1;
	[sflag:s0] =	ssyncset.done @!p0 $0x0  }
0x82: {  	[sflag:s0] =	ssyncadd.s32 @!p0 s1  }
0x83: {  	[bflag:$0x3] =	sbarrier.arrive $0xFFFF  }
0x84: {  	_ =	shalt  }

// kernel: kernel.14.cloned.1.call-start
scs
__scs_entry_jumppad:
0x0: {  	(pc) =	sbr.rel $0x88, $3  }
0x1: {  	(tag) =	ssettag $0x0;
	lr =	simm.s32 $0x1  }
0x2: {  	[smem:$0x3F88] =	sst lr;
	_ =	strace $0xD0000000  }
0x3: {  	_ = 	snop  }
0x4: {  	_ = 	snop  }
0x5: {  	_ = 	snop  }
0x6: {  	_ = 	snop  }
0x7: {  	_ = 	snop  }
__scs_overlays_trampoline_lowered:
0x8: {  	[smem:$0x3F97] =	sst s0  }
0x9: {  	[smem:$0x3F98] =	sst s1  }
0xa: {  	[smem:$0x3F99] =	sst s2  }
0xb: {  	[smem:$0x3F9A] =	sst s3  }
0xc: {  	[smem:$0x3F9B] =	sst s4  }
0xd: {  	[smem:$0x3F9C] =	sst s5  }
0xe: {  	[smem:$0x3F9D] =	sst s6  }
0xf: {  	[smem:$0x3F9E] =	sst s7  }
0x10: {  	[smem:$0x3F9F] =	sst s8  }
0x11: {  	[smem:$0x3FA0] =	sst s9;
	s0 =	simm.s32 @!p0 $0x0  }
0x12: {  	s1 =	sld [smem:$0x3F86];
	s0 =	simm.s32 @p0 $0x1  }
0x13: {  	[smem:$0x3FA1] =	sst s0;
	s0 =	simm.s32 @!p1 $0x0  }
0x14: {  	s2 =	sld [smem:$0x3F85];
	s0 =	simm.s32 @p1 $0x1  }
0x15: {  	[smem:$0x3FA2] =	sst s0;
	s0 =	simm.s32 @!p2 $0x0  }
0x16: {  	s3 =	sld [smem:$0x3FDB];
	s0 =	simm.s32 @p2 $0x1  }
0x17: {  	s4 =	simm.s32 $0x1BF5;
	[smem:$0x3FA4] =	sst s0  }
0x18: {  	s0 =	sld [smem:$0x3F87];
	_ =	swait.ge [sflag:s4], $0x0  }
0x19: {  	s7 =	sld [smem:$0x3F88]  }
0x1a: {  	s8 =	sadd.s32 $0xFFFFE003, lr  }
0x1b: {  	s9 =	sadd.s32 $0xFFFFFEF7, lr;
	s5 =	simm.s32 $0xFFFFFFFF;
	p2 =	slt.u32 s8, $0xFFFFF086  }
0x1c: {  	p1 =	slt.u32 s9, $0xF7A;
	s5 =	simm.s32 @!p2 $0x0  }
0x1d: {  	s5 =	simm.s32 @p1 $0x1;
	p0 =	seq.s32 s7, s2  }
0x1e: {  	s7 =	smul.u32 @!p0 $0xF7A, s2;
	p2 =	seq.s32 @!p0 s5, $0x0  }
0x1f: {  	s9 =	smul.u32 $0xF7A, s1;
	s8 =	simm.s32 @!p0 $0x1BF5;
	p2 =	por !p2, p0  }
0x20: {  	[sflag:s8] =	ssyncset.s32 @!p0 $0xFFFFF086;
	s6 =	sadd.s32 @!p0 s3, s7;
	s7 =	simm.s32 @!p0 $0x108  }
0x21: {  	s3 =	sadd.s32 s3, s9;
	s6 =	sadd.s32 @!p0 $0x88, s6;
	s7 =	simm.s32 @p2 $0x1082  }
0x22: {  	[simem:s7], [sflag:s8] =	dma.local @!p0 [hbm:s6], $0xF7A  }
0x23: {  	s9 =	sor.u32 $0xD0000000, s2;
	s6 =	simm.s32 $0x108;
	_ =	swait.ge @!p0 [sflag:s8], $0x0  }
0x24: {  	s3 =	sadd.s32 $0x88, s3;
	s6 =	simm.s32 @!p1 $0x1082;
	[sflag:s4] =	ssyncset.s32 $0xFFFFF086  }
0x25: {  	[simem:s6], [sflag:s4] =	dma.local [hbm:s3], $0xF7A  }
0x26: {  	[smem:$0x3F88] =	sst s1;
	(tag) =	ssettag s2;
	_ =	strace s9  }
0x27: {  	s1 =	sld [smem:$0x3F98]  }
0x28: {  	s2 =	sld [smem:$0x3F99]  }
0x29: {  	s4 =	sld [smem:$0x3F9B]  }
0x2a: {  	p0 =	seq.s32 s5, $0x0;
	s5 =	sld [smem:$0x3F9C]  }
0x2b: {  	s6 =	sld [smem:$0x3F9D]  }
0x2c: {  	s7 =	sld [smem:$0x3F9E]  }
0x2d: {  	s3 =	simm.s32 $0x108;
	s8 =	sld [smem:$0x3F9F]  }
0x2e: {  	s3 =	simm.s32 @!p0 $0x1082;
	s9 =	sld [smem:$0x3FA0]  }
0x2f: {  	lr =	sadd.s32 s0, s3;
	s0 =	sld [smem:$0x3F97]  }
0x30: {  	s3 =	sld [smem:$0x3F9A]  }
0x31: {  	[smem:$0x3FA3] =	sst s10  }
0x32: {  	s10 =	sld [smem:$0x3FA1];
	_ =	sdelay $0x3  }
0x33: {  	p0 =	seq.s32 s10, $0x1;
	s10 =	sld [smem:$0x3FA3];
	_ =	sdelay $0x3  }
0x34: {  	[smem:$0x3FA3] =	sst s10  }
0x35: {  	s10 =	sld [smem:$0x3FA2];
	_ =	sdelay $0x3  }
0x36: {  	p1 =	seq.s32 s10, $0x1;
	s10 =	sld [smem:$0x3FA3];
	_ =	sdelay $0x3  }
0x37: {  	[smem:$0x3FA3] =	sst s10  }
0x38: {  	s10 =	sld [smem:$0x3FA4]  }
0x39: {  	_ = 	snop;
	(pc) =	sbr.ind lr, $3  }
0x3a: {  	_ = 	snop  }
0x3b: {  	_ = 	snop  }
0x3c: {  	p2 =	seq.s32 s10, $0x1;
	s10 =	sld [smem:$0x3FA3]  }
0x3d: {  	_ =	shalt  }
0x3e: {  	_ =	shalt  }
0x3f: {  	_ =	shalt  }
0x40: {  	_ =	shalt  }
0x41: {  	_ =	shalt  }
0x42: {  	_ =	shalt  }
0x43: {  	_ =	shalt  }
0x44: {  	_ =	shalt  }
0x45: {  	_ =	shalt  }
0x46: {  	_ =	shalt  }
0x47: {  	_ =	shalt  }
0x48: {  	_ =	shalt  }
0x49: {  	_ =	shalt  }
0x4a: {  	_ =	shalt  }
0x4b: {  	_ =	shalt  }
0x4c: {  	_ =	shalt  }
0x4d: {  	_ =	shalt  }
0x4e: {  	_ =	shalt  }
0x4f: {  	_ =	shalt  }
0x50: {  	_ =	shalt  }
0x51: {  	_ =	shalt  }
0x52: {  	_ =	shalt  }
0x53: {  	_ =	shalt  }
0x54: {  	_ =	shalt  }
0x55: {  	_ =	shalt  }
0x56: {  	_ =	shalt  }
0x57: {  	_ =	shalt  }
0x58: {  	_ =	shalt  }
0x59: {  	_ =	shalt  }
0x5a: {  	_ =	shalt  }
0x5b: {  	_ =	shalt  }
0x5c: {  	_ =	shalt  }
0x5d: {  	_ =	shalt  }
0x5e: {  	_ =	shalt  }
0x5f: {  	_ =	shalt  }
0x60: {  	_ =	shalt  }
0x61: {  	_ =	shalt  }
0x62: {  	_ =	shalt  }
0x63: {  	_ =	shalt  }
0x64: {  	_ =	shalt  }
0x65: {  	_ =	shalt  }
0x66: {  	_ =	shalt  }
0x67: {  	_ =	shalt  }
0x68: {  	_ =	shalt  }
0x69: {  	_ =	shalt  }
0x6a: {  	_ =	shalt  }
0x6b: {  	_ =	shalt  }
0x6c: {  	_ =	shalt  }
0x6d: {  	_ =	shalt  }
0x6e: {  	_ =	shalt  }
0x6f: {  	_ =	shalt  }
0x70: {  	_ =	shalt  }
0x71: {  	_ =	shalt  }
0x72: {  	_ =	shalt  }
0x73: {  	_ =	shalt  }
0x74: {  	_ =	shalt  }
0x75: {  	_ =	shalt  }
0x76: {  	_ =	shalt  }
0x77: {  	_ =	shalt  }
0x78: {  	_ =	shalt  }
0x79: {  	_ =	shalt  }
0x7a: {  	_ =	shalt  }
0x7b: {  	_ =	shalt  }
0x7c: {  	_ =	shalt  }
0x7d: {  	_ =	shalt  }
0x7e: {  	_ =	shalt  }
0x7f: {  	_ =	shalt  }
0x80: {  	_ =	shalt  }
0x81: {  	_ =	shalt  }
0x82: {  	_ =	shalt  }
0x83: {  	_ =	shalt  }
0x84: {  	_ =	shalt  }
0x85: {  	_ =	shalt  }
0x86: {  	_ =	shalt  }
0x87: {  	_ =	shalt  }
.Lfunc_end0:
.L_simem_size_0:
called_computation.1_lowered:
.L_overlay_start_0:
0x88: {  	s2 =	sld [smem:$0x3FD9]  }
0x89: {  	s3 =	sld [smem:$0x3FFE];
	_ =	sdelay $0x1  }
0x8a: {  	s1 =	srdreg.scid  }
0x8b: {  	s0 =	sand.u32 $0x1, s1  }
0x8c: {  	s16 =	sshll.u32 s0, $0xA;
	s2 =	sadd.s32 s3, s2  }
0x8d: {  	s2 =	sadd.s32 s2, s16  }
0x8e: {  	[smem:$0x3FAF] =	sst s2  }
0x8f: {  	_ = 	snop  }
0x90: {  	(tm) =	ssettm $0x1  }
0x91: {  	s17 =	sld [smem:$0x3FFB];
	_ =	sdelay $0x3  }
0x92: {  	_ =	strace s17  }
0x93: {  	s2 =	sld [smem:$0x3FFC];
	_ =	sdelay $0x3  }
0x94: {  	_ =	strace s2  }
0x95: {  	s2 =	sld [smem:$0x3FFD];
	_ =	sdelay $0x3  }
0x96: {  	_ =	strace s2  }
0x97: {  	_ =	strace $0x8FFFFFFF  }
0x98: {  	s18 =	sld [smem:$0x3FDB];
	_ =	sdelay $0x1  }
0x99: {  	s19 =	simm.s32 $_scs_section_size  }
0x9a: {  	s4 =	simm.s32 $_size__tile_overlayer_lowered;
	s5 =	simm.s32 $_tile_overlayer_lowered  }
0x9b: {  	s22 =	simm.s32 $0x1BFF;
	s21 =	sshll.u32 s5, $0x1;
	s2 =	sadd.s32 s19, s18  }
0x9c: {  	s6 =	simm.s32 $0x0;
	s20 =	sshll.u32 s4, $0x1;
	s4 =	sadd.s32 s21, s2  }
0x9d: {  	[timem:s6], [sflag:s22] =	dma.local [hbm:s4], s20  }
0x9e: {  	_ =	swait.ge [sflag:s22], s20  }
0x9f: {  	s3 =	ssub.s32 $0x0, s20;
	[sflag:s22] =	ssyncset.done $0x0  }
0xa0: {  	[sflag:s22] =	ssyncadd.s32 s3;
	_ =	sdelay $0x1  }
0xa1: {  	s23 =	simm.s32 $0x1B8B  }
0xa2: {  	_ =	swait.ge [sflag:s23], $0x1  }
0xa3: {  	[sflag:s23] =	ssyncset.done $0x0  }
0xa4: {  	s25 =	simm.s32 $0x1B8E;
	s24 =	sld [smem:$0x3FFE];
	[sflag:s23] =	ssyncadd.s32 $0xFFFFFFFF  }
0xa5: {  	s26 =	simm.s32 $execute0_lowered;
	[smem:$0x3FD2] =	sst s25  }
0xa6: {  	s4 =	sshll.u32 s26, $0x1;
	_ =	strace $0x80000049;
	[dreg:$0x1] =	wrdreg $0xFFFFFFFF  }
0xa7: {  	s28 =	simm.s32 $_size_execute0_lowered;
	s2 =	sadd.s32 s2, s4;
	[dreg:$0x0] =	wrdreg $0x0  }
0xa8: {  	s4 =	sshll.u32 s28, $0x1;
	[dreg:$0x2] =	wrdreg s2  }
0xa9: {  	[dreg:$0x3] =	wrdreg s4  }
0xaa: {  	[dreg:$0x4] =	wrdreg $0xC0  }
0xab: {  	_ =	task [dreg:s6], $0x5FFFF  }
0xac: {  	[dreg:$0x1] =	wrdreg $0xFFFFFFFF  }
0xad: {  	[dreg:$0x0] =	wrdreg $0x60  }
0xae: {  	[dreg:$0x2] =	wrdreg s24  }
0xaf: {  	[dreg:$0x3] =	wrdreg $0xA8000  }
0xb0: {  	[dreg:$0x4] =	wrdreg $0x9  }
0xb1: {  	_ =	task.clear_ibuf [dreg:s6], $0x5FFFF;
	_ =	strace $0x90000049  }
0xb2: {  	s29 =	simm.s32 $0x9;
	_ =	strace $0x8000004B  }
0xb3: {  	_ =	swait.ge [sflag:s29], $0x1  }
0xb4: {  	[sflag:s29] =	ssyncadd.s32 $0xFFFFFFFF  }
0xb5: {  	_ =	strace $0x9000004B  }
0xb6: {  	_ =	sfence  }
0xb7: {  	s30 =	sld [smem:$0x0];
	_ =	sdelay $0x2  }
0xb8: {  	s31 =	sshll.u32 s1, $0xD;
	s1 =	sshrl.u32 s1, $0x2  }
0xb9: {  	s3 =	sand.u32 $0x4000, s31;
	s1 =	sadd.s32 s1, s30  }
0xba: {  	s0 =	sor.u32 s3, s0;
	s1 =	sshll.u32 s1, $0x11  }
0xbb: {  	s0 =	sor.u32 s1, s0  }
0xbc: {  	s0 =	sadd.s32 $0x8F2B, s0  }
0xbd: {  	[sflag:s0] =	ssyncadd.remote.s32 $0x1  }
0xbe: {  	_ =	sfence.sel $0xFFFF  }
0xbf: {  	[dreg:$0x0] =	wrdreg $0xFFFFFFFF;
	(pc) =	sbr.abs _section_cstart, $3  }
0xc0: {  	[dreg:$0x1] =	wrdreg $0xFFFFFFFF  }
0xc1: {  	_ =	task.clear_ibuf [dreg:s6], $0x2FFFF;
	_ =	strace $0x9FFFFFFF  }
0xc2: {  	(tm) =	ssettm $0x7FFFFFFF  }
0xc3: {  	_ =	shalt  }
tec
execute0_lowered:
.L_overlay_start_1:
0x0: {  	(tag) =	ssettag $0x1  }
0x1: {  	s0 =	rddreg [dreg:$0x0]  }
0x2: {  	s1 =	rddreg [dreg:$0x1];
	s3 =	simm.s32 $0x0;
	s2 =	stileid.u32  }
0x3: {  	s6 =	srdreg.scid;
	s21 =	simm.s32 $0x3;
	s22 =	simm.s32 $0x7D  }
0x4: {  	s23 =	simm.s32 $0x2800;
	s24 =	simm.s32 $0x1;
	s25 =	simm.s32 $0x2  }
0x5: {  	[smem:$0x7FF] =	sst s3;
	s4 =	sadd.s32 $0x4E200, s0;
	s10 =	smul.u32 $0x2800, s2  }
0x6: {  	s5 =	sadd.s32 $0x75400, s0;
	s18 =	sand.u32 $0x1, s6;
	s8 =	smul.u32 $0x50000, s2  }
0x7: {  	s6 =	sadd.s32 $0x1C200, s0;
	s7 =	sadd.s32 $0x12200, s0;
	s19 =	sadd.s32 $0x12C000, s1  }
0x8: {  	s12 =	smul.u32 $0xA0, s2;
	s14 =	sadd.s32 $0xE9000, s0;
	p0 =	seq.s32 s2, $0xF  }
0x9: {  	s16 =	sadd.s32 $0xC1E00, s0;
	_ =	strace $0x8000004A;
	s9 =	ssub.s32 $0x2, s18  }
0xa: {  	p1 =	sne.s32 s18, $0x0;
	s18 =	sshrl.u32 @p0 s19, $0x3;
	s15 =	sadd.s32 s10, s0  }
.Ltmp0:
0xb: {  	s11 =	sshrl.u32 s9, $0x1;
	s8 =	sshrl.u32 s8, $0x2;
	(pc) =	sbr.rel .LBB2_1-.Ltmp0, $4  }
0xc: {  	s17 =	ssub.s32 s9, s11;
	s20 =	sadd.s32 s8, s1;
	s8 =	sadd.s32 s5, s10  }
0xd: {  	s9 =	sadd.s32 $0x9AC00, s0;
	s10 =	sadd.s32 s4, s10;
	s11 =	sadd.s32 $0x73A00, s0  }
0xe: {  	s13 =	sadd.s32 $0xC3800, s15;
	s15 =	sadd.s32 $0x9C600, s15;
	s0 =	sshll.u32 @!p0 s2, $0x6  }
0xf: {  	s17 =	smax.u32 s17, $0x1;
	s19 =	sor.u32 @!p0 $0x1C03, s0;
	s20 =	sshrl.u32 @!p0 s20, $0x3  }
.LBB2_17:
0x10: {  	[bflag:$0x0] =	sbarrier.arrive $0xFFFF;
	s0 =	simm.s32 @p0 $0x1FC3  }
0x11: {  	[hbm:s14], [sflag:s0] =	dma.local @p0 [spmem:s18], $0x1900  }
0x12: {  	s0 =	simm.s32 @p0 $0x3  }
0x13: {  	_ =	swait.ge @p0 [sflag:s0], $0x1900  }
0x14: {  	[sflag:s0] =	ssyncset.done @p0 $0x0  }
0x15: {  	[sflag:s0] =	ssyncadd.s32 @p0 $0xFFFFE700;
	s0 =	simm.s32 @!p0 $0x3  }
0x16: {  	[hbm:s13], [sflag:s19] =	dma.local @!p0 [spmem:s20], $0x2800  }
0x17: {  	_ =	swait.ge @!p0 [sflag:s0], $0x2800  }
0x18: {  	[sflag:s0] =	ssyncset.done @!p0 $0x0  }
0x19: {  	[sflag:s0] =	ssyncadd.s32 @!p0 $0xFFFFD800  }
.LBB2_18:
0x1a: {  	s3 =	sadd.s32 $0x1, s3  }
0x1b: {  	p2 =	sne.s32 s3, s17  }
.Ltmp1:
0x1c: {  	_ = 	snop;
	(pc) =	sbr.rel @!p2 .LBB2_19-.Ltmp1, $1  }
0x1d: {  	_ =	sdelay $0x3  }
.LBB2_1:
.Ltmp2:
0x1e: {  	(pc) =	sbr.rel @p1 .LBB2_10-.Ltmp2, $1  }
0x1f: {  	_ =	sdelay $0x3  }
0x20: {  	s0 =	simm.s32 @p0 $0x1FC3  }
0x21: {  	[spmem:s18], [sflag:s0] =	dma.local @p0 [hbm:s11], $0x1900  }
0x22: {  	s0 =	simm.s32 @p0 $0x3  }
0x23: {  	_ =	swait.ge @p0 [sflag:s0], $0x1900  }
0x24: {  	[sflag:s0] =	ssyncset.done @p0 $0x0  }
0x25: {  	[sflag:s0] =	ssyncadd.s32 @p0 $0xFFFFE700;
	s0 =	simm.s32 @!p0 $0x3  }
0x26: {  	[spmem:s20], [sflag:s19] =	dma.local @!p0 [hbm:s10], $0x2800  }
.Ltmp3:
0x27: {  	_ =	swait.ge @!p0 [sflag:s0], $0x2800;
	(pc) =	sbr.rel .LBB2_3-.Ltmp3, $4  }
0x28: {  	[sflag:s0] =	ssyncset.done @!p0 $0x0  }
0x29: {  	[sflag:s0] =	ssyncadd.s32 @!p0 $0xFFFFD800  }
0x2a: {  	[bflag:$0x0] =	sbarrier.arrive $0xFFFF  }
0x2b: {  	s26 =	simm.s32 $0x0;
	s28 =	simm.s32 $0x0  }
.LBB2_8:
0x2c: {  	s28 =	sadd.s32 $0x1, s28  }
0x2d: {  	_ =	swait.ge [sflag:s25], $0x3E80;
	p2 =	sne.s32 s28, $0x4  }
.Ltmp4:
0x2e: {  	[sflag:s25] =	ssyncset.done $0x0;
	(pc) =	sbr.rel @!p2 .LBB2_9-.Ltmp4, $4  }
0x2f: {  	[sflag:s25] =	ssyncadd.s32 $0xFFFFC180  }
0x30: {  	_ =	swait.ge [sflag:s25], $0x3E80  }
0x31: {  	[sflag:s25] =	ssyncset.done $0x0  }
0x32: {  	[sflag:s25] =	ssyncadd.s32 $0xFFFFC180  }
.LBB2_3:
0x33: {  	s0 =	smul.u32 $0x28, s28;
	_ =	sdelay $0x1  }
0x34: {  	s0 =	sadd.s32 s12, s0  }
0x35: {  	s0 =	sshll.u32 s0, $0x4  }
0x36: {  	s29 =	sadd.s32 s6, s0  }
0x37: {  	[tilespmem:s26], [sflag:$0x3] =	stream.linear.gather [hbm4b:s29+s26], $0x1400, $0x38;
	[tilespmem:$0x1E080] =	vst v63  }
0x38: {  	_ =	swait.ge [sflag:s21], $0x1400  }
0x39: {  	[sflag:s21] =	ssyncset.done $0x0  }
0x3a: {  	s0 =	sadd.s32 s7, s0;
	s29 =	simm.s32 $0x1400;
	[sflag:s21] =	ssyncadd.s32 $0xFFFFEC00  }
0x3b: {  	[tilespmem:s29], [sflag:$0x3] =	stream.linear.gather [hbm4b:s0+s26], $0x1400, $0x38;
	[tilespmem:$0x1E080] =	vst v63  }
.Ltmp5:
0x3c: {  	_ = 	snop;
	(pc) =	sbr.rel .LBB2_4-.Ltmp5, $4  }
0x3d: {  	_ =	swait.ge [sflag:s21], $0x1400  }
0x3e: {  	[sflag:s21] =	ssyncset.done $0x0  }
0x3f: {  	s30 =	simm.s32 $0x80;
	s31 =	simm.s32 $0x0;
	[sflag:s21] =	ssyncadd.s32 $0xFFFFEC00  }
0x40: {  	[tilespmem:s23], [sflag:$0x1] =	stream.indirect.gather [hbm4b:s4+s22], $0x80, s26, s22, $0xb8;
	[tilespmem:$0x1E080] =	vst v63  }
.LBB2_7:
0x41: {  	s31 =	sadd.s32 $0x1, s31  }
0x42: {  	p2 =	sne.s32 s31, $0x28  }
.Ltmp6:
0x43: {  	_ = 	snop;
	(pc) =	sbr.rel @!p2 .LBB2_8-.Ltmp6, $4  }
0x44: {  	_ = 	snop  }
0x45: {  	s0 =	sxor.u32 $0x6800, s0  }
0x46: {  	[tilespmem:s0], [sflag:$0x1] =	stream.indirect.gather [hbm4b:s4+s22], $0x80, s30, s22, $0xb8;
	[tilespmem:$0x1E080] =	vst v63  }
0x47: {  	s29 =	sadd.s32 $0x80, s29;
	s30 =	sadd.s32 $0x80, s30  }
.LBB2_4:
0x48: {  	p2 =	seq.s32 s31, $0x0  }
.Ltmp7:
0x49: {  	_ = 	snop;
	(pc) =	sbr.rel @p2 .LBB2_7-.Ltmp7, $4  }
0x4a: {  	s0 =	sand.u32 $0x1, s31;
	_ =	swait.ge [sflag:s24], $0x3E80  }
0x4b: {  	s0 =	sshll.u32 s0, $0xE;
	[sflag:s24] =	ssyncset.done $0x0  }
0x4c: {  	s2 =	sor.u32 $0x2800, s0;
	[sflag:s24] =	ssyncadd.s32 $0xFFFFC180  }
0x4d: {  	[spmem:s1] =	stream.indirect.scatter.add.f32 [tilespmem:s2], [sflag:$0x2], $0x80, s29, s22, $0xb8;
	[tilespmem:$0x1E080] =	vst v63  }
0x4e: {  	p2 =	seq.s32 s31, $0x27  }
.Ltmp8:
0x4f: {  	_ = 	snop;
	(pc) =	sbr.rel @p2 .LBB2_8-.Ltmp8, $1  }
0x50: {  	_ =	sdelay $0x3  }
.Ltmp9:
0x51: {  	(pc) =	sbr.rel .LBB2_7-.Ltmp9, $4  }
0x52: {  	_ = 	snop  }
0x53: {  	_ =	swait.ge [sflag:s25], $0x3E80  }
0x54: {  	[sflag:s25] =	ssyncset.done $0x0  }
0x55: {  	[sflag:s25] =	ssyncadd.s32 $0xFFFFC180  }
.LBB2_10:
0x56: {  	s0 =	simm.s32 @p0 $0x1FC3  }
0x57: {  	[spmem:s18], [sflag:s0] =	dma.local @p0 [hbm:s9], $0x1900  }
0x58: {  	s0 =	simm.s32 @p0 $0x3  }
0x59: {  	_ =	swait.ge @p0 [sflag:s0], $0x1900  }
0x5a: {  	[sflag:s0] =	ssyncset.done @p0 $0x0  }
0x5b: {  	[sflag:s0] =	ssyncadd.s32 @p0 $0xFFFFE700;
	s0 =	simm.s32 @!p0 $0x3  }
0x5c: {  	[spmem:s20], [sflag:s19] =	dma.local @!p0 [hbm:s8], $0x2800  }
.Ltmp10:
0x5d: {  	_ =	swait.ge @!p0 [sflag:s0], $0x2800;
	(pc) =	sbr.rel .LBB2_11-.Ltmp10, $4  }
0x5e: {  	[sflag:s0] =	ssyncset.done @!p0 $0x0  }
0x5f: {  	[sflag:s0] =	ssyncadd.s32 @!p0 $0xFFFFD800  }
0x60: {  	[bflag:$0x0] =	sbarrier.arrive $0xFFFF  }
0x61: {  	s26 =	simm.s32 $0x0;
	s28 =	simm.s32 $0x0  }
.LBB2_16:
0x62: {  	s28 =	sadd.s32 $0x1, s28  }
0x63: {  	_ =	swait.ge [sflag:s25], $0x3E80;
	p2 =	sne.s32 s28, $0x4  }
.Ltmp11:
0x64: {  	[sflag:s25] =	ssyncset.done $0x0;
	(pc) =	sbr.rel @!p2 .LBB2_17-.Ltmp11, $4  }
0x65: {  	[sflag:s25] =	ssyncadd.s32 $0xFFFFC180  }
0x66: {  	_ =	swait.ge [sflag:s25], $0x3E80  }
0x67: {  	[sflag:s25] =	ssyncset.done $0x0  }
0x68: {  	[sflag:s25] =	ssyncadd.s32 $0xFFFFC180  }
.LBB2_11:
0x69: {  	s0 =	smul.u32 $0x28, s28;
	_ =	sdelay $0x1  }
0x6a: {  	s0 =	sadd.s32 s12, s0  }
0x6b: {  	s0 =	sshll.u32 s0, $0x4  }
0x6c: {  	s2 =	sadd.s32 s6, s0  }
0x6d: {  	[tilespmem:s26], [sflag:$0x3] =	stream.linear.gather [hbm4b:s2+s26], $0x1400, $0x38;
	[tilespmem:$0x1E080] =	vst v63  }
0x6e: {  	_ =	swait.ge [sflag:s21], $0x1400  }
0x6f: {  	[sflag:s21] =	ssyncset.done $0x0  }
0x70: {  	s29 =	simm.s32 $0x1400;
	s0 =	sadd.s32 s7, s0;
	[sflag:s21] =	ssyncadd.s32 $0xFFFFEC00  }
0x71: {  	[tilespmem:s29], [sflag:$0x3] =	stream.linear.gather [hbm4b:s0+s26], $0x1400, $0x38;
	[tilespmem:$0x1E080] =	vst v63  }
.Ltmp12:
0x72: {  	_ = 	snop;
	(pc) =	sbr.rel .LBB2_12-.Ltmp12, $4  }
0x73: {  	_ =	swait.ge [sflag:s21], $0x1400  }
0x74: {  	[sflag:s21] =	ssyncset.done $0x0  }
0x75: {  	s30 =	simm.s32 $0x80;
	s31 =	simm.s32 $0x0;
	[sflag:s21] =	ssyncadd.s32 $0xFFFFEC00  }
0x76: {  	[tilespmem:s23], [sflag:$0x1] =	stream.indirect.gather [hbm4b:s5+s22], $0x80, s26, s22, $0xb8;
	[tilespmem:$0x1E080] =	vst v63  }
.LBB2_15:
0x77: {  	s31 =	sadd.s32 $0x1, s31  }
0x78: {  	p2 =	sne.s32 s31, $0x28  }
.Ltmp13:
0x79: {  	_ = 	snop;
	(pc) =	sbr.rel @!p2 .LBB2_16-.Ltmp13, $4  }
0x7a: {  	_ = 	snop  }
0x7b: {  	s0 =	sxor.u32 $0x6800, s0  }
0x7c: {  	[tilespmem:s0], [sflag:$0x1] =	stream.indirect.gather [hbm4b:s5+s22], $0x80, s30, s22, $0xb8;
	[tilespmem:$0x1E080] =	vst v63  }
0x7d: {  	s29 =	sadd.s32 $0x80, s29;
	s30 =	sadd.s32 $0x80, s30  }
.LBB2_12:
0x7e: {  	p2 =	seq.s32 s31, $0x0  }
.Ltmp14:
0x7f: {  	_ = 	snop;
	(pc) =	sbr.rel @p2 .LBB2_15-.Ltmp14, $4  }
0x80: {  	s0 =	sand.u32 $0x1, s31;
	_ =	swait.ge [sflag:s24], $0x3E80  }
0x81: {  	s0 =	sshll.u32 s0, $0xE;
	[sflag:s24] =	ssyncset.done $0x0  }
0x82: {  	s2 =	sor.u32 $0x2800, s0;
	[sflag:s24] =	ssyncadd.s32 $0xFFFFC180  }
0x83: {  	[spmem:s1] =	stream.indirect.scatter.add.f32 [tilespmem:s2], [sflag:$0x2], $0x80, s29, s22, $0xb8;
	[tilespmem:$0x1E080] =	vst v63  }
0x84: {  	p2 =	seq.s32 s31, $0x27  }
.Ltmp15:
0x85: {  	_ = 	snop;
	(pc) =	sbr.rel @p2 .LBB2_16-.Ltmp15, $1  }
0x86: {  	_ =	sdelay $0x3  }
.Ltmp16:
0x87: {  	(pc) =	sbr.rel .LBB2_15-.Ltmp16, $4  }
0x88: {  	_ = 	snop  }
0x89: {  	_ =	swait.ge [sflag:s25], $0x3E80  }
0x8a: {  	[sflag:s25] =	ssyncset.done $0x0  }
0x8b: {  	[sflag:s25] =	ssyncadd.s32 $0xFFFFC180  }
.LBB2_9:
0x8c: {  	[bflag:$0x0] =	sbarrier.arrive $0xFFFF;
	s0 =	simm.s32 @p0 $0x1FC3  }
0x8d: {  	[hbm:s16], [sflag:s0] =	dma.local @p0 [spmem:s18], $0x1900  }
0x8e: {  	s0 =	simm.s32 @p0 $0x3  }
0x8f: {  	_ =	swait.ge @p0 [sflag:s0], $0x1900  }
0x90: {  	[sflag:s0] =	ssyncset.done @p0 $0x0  }
.Ltmp17:
0x91: {  	[sflag:s0] =	ssyncadd.s32 @p0 $0xFFFFE700;
	s0 =	simm.s32 @!p0 $0x3;
	(pc) =	sbr.rel .LBB2_18-.Ltmp17, $4  }
0x92: {  	[hbm:s15], [sflag:s19] =	dma.local @!p0 [spmem:s20], $0x2800  }
0x93: {  	_ =	swait.ge @!p0 [sflag:s0], $0x2800  }
0x94: {  	[sflag:s0] =	ssyncset.done @!p0 $0x0  }
0x95: {  	[sflag:s0] =	ssyncadd.s32 @!p0 $0xFFFFD800  }
.LBB2_19:
0x96: {  	_ =	sfence.sel $0x180000  }
0x97: {  	[bflag:$0x0] =	sbarrier.arrive $0xFFFF  }
0x98: {  	_ =	strace $0x9000004A  }
0x99: {  	s0 =	stileid.u32;
	[bflag:$0x2] =	sbarrier.arrive $0xFFFF  }
0x9a: {  	p0 =	sne.s32 s0, $0x0;
	s0 =	rddreg [dreg:$0x2]  }
0x9b: {  	s0 =	sadd.s32 @!p0 $0x100000, s0  }
0x9c: {  	[sflag:s0] =	ssyncadd.tile.s32 @!p0 $0x1;
	_ =	shalt  }
.Lfunc_end2:
_tile_overlayer_lowered:
.L_overlay_start_2:
0x9d: {  	(tag) =	ssettag $0x2  }
0x9e: {  	s0 =	rddreg [dreg:$0x0];
	s2 =	stileid.u32  }
0x9f: {  	s1 =	rddreg [dreg:$0x1];
	p0 =	sne.s32 s2, $0x0  }
0xa0: {  	s3 =	rddreg [dreg:$0x2];
	[bflag:$0x3] =	sbarrier.arrive $0xFFFF;
	s2 =	simm.s32 @!p0 $0x1C03  }
0xa1: {  	[timem:s3], [sflag:s2] =	dma.local @!p0 [hbm:s0], s1  }
0xa2: {  	s0 =	simm.s32 @!p0 $0x3  }
0xa3: {  	_ =	swait.ge @!p0 [sflag:s0], s1  }
0xa4: {  	s1 =	ssub.s32 @!p0 $0x0, s1;
	[sflag:s0] =	ssyncset.done @!p0 $0x0  }
0xa5: {  	[sflag:s0] =	ssyncadd.s32 @!p0 s1  }
0xa6: {  	[bflag:$0x3] =	sbarrier.arrive $0xFFFF  }
0xa7: {  	_ =	shalt  }

// kernel: kernel.17.cloned.1.call-start
scs
__scs_entry_jumppad:
0x0: {  	(pc) =	sbr.rel $0x88, $3  }
0x1: {  	(tag) =	ssettag $0x0;
	lr =	simm.s32 $0x1  }
0x2: {  	[smem:$0x3F88] =	sst lr;
	_ =	strace $0xD0000000  }
0x3: {  	_ = 	snop  }
0x4: {  	_ = 	snop  }
0x5: {  	_ = 	snop  }
0x6: {  	_ = 	snop  }
0x7: {  	_ = 	snop  }
__scs_overlays_trampoline_lowered:
0x8: {  	[smem:$0x3F97] =	sst s0  }
0x9: {  	[smem:$0x3F98] =	sst s1  }
0xa: {  	[smem:$0x3F99] =	sst s2  }
0xb: {  	[smem:$0x3F9A] =	sst s3  }
0xc: {  	[smem:$0x3F9B] =	sst s4  }
0xd: {  	[smem:$0x3F9C] =	sst s5  }
0xe: {  	[smem:$0x3F9D] =	sst s6  }
0xf: {  	[smem:$0x3F9E] =	sst s7  }
0x10: {  	[smem:$0x3F9F] =	sst s8  }
0x11: {  	[smem:$0x3FA0] =	sst s9;
	s0 =	simm.s32 @!p0 $0x0  }
0x12: {  	s1 =	sld [smem:$0x3F86];
	s0 =	simm.s32 @p0 $0x1  }
0x13: {  	[smem:$0x3FA1] =	sst s0;
	s0 =	simm.s32 @!p1 $0x0  }
0x14: {  	s2 =	sld [smem:$0x3F85];
	s0 =	simm.s32 @p1 $0x1  }
0x15: {  	[smem:$0x3FA2] =	sst s0;
	s0 =	simm.s32 @!p2 $0x0  }
0x16: {  	s3 =	sld [smem:$0x3FDB];
	s0 =	simm.s32 @p2 $0x1  }
0x17: {  	s4 =	simm.s32 $0x1BF5;
	[smem:$0x3FA4] =	sst s0  }
0x18: {  	s0 =	sld [smem:$0x3F87];
	_ =	swait.ge [sflag:s4], $0x0  }
0x19: {  	s7 =	sld [smem:$0x3F88]  }
0x1a: {  	s8 =	sadd.s32 $0xFFFFE003, lr  }
0x1b: {  	s9 =	sadd.s32 $0xFFFFFEF7, lr;
	s5 =	simm.s32 $0xFFFFFFFF;
	p2 =	slt.u32 s8, $0xFFFFF086  }
0x1c: {  	p1 =	slt.u32 s9, $0xF7A;
	s5 =	simm.s32 @!p2 $0x0  }
0x1d: {  	s5 =	simm.s32 @p1 $0x1;
	p0 =	seq.s32 s7, s2  }
0x1e: {  	s7 =	smul.u32 @!p0 $0xF7A, s2;
	p2 =	seq.s32 @!p0 s5, $0x0  }
0x1f: {  	s9 =	smul.u32 $0xF7A, s1;
	s8 =	simm.s32 @!p0 $0x1BF5;
	p2 =	por !p2, p0  }
0x20: {  	[sflag:s8] =	ssyncset.s32 @!p0 $0xFFFFF086;
	s6 =	sadd.s32 @!p0 s3, s7;
	s7 =	simm.s32 @!p0 $0x108  }
0x21: {  	s3 =	sadd.s32 s3, s9;
	s6 =	sadd.s32 @!p0 $0x88, s6;
	s7 =	simm.s32 @p2 $0x1082  }
0x22: {  	[simem:s7], [sflag:s8] =	dma.local @!p0 [hbm:s6], $0xF7A  }
0x23: {  	s9 =	sor.u32 $0xD0000000, s2;
	s6 =	simm.s32 $0x108;
	_ =	swait.ge @!p0 [sflag:s8], $0x0  }
0x24: {  	s3 =	sadd.s32 $0x88, s3;
	s6 =	simm.s32 @!p1 $0x1082;
	[sflag:s4] =	ssyncset.s32 $0xFFFFF086  }
0x25: {  	[simem:s6], [sflag:s4] =	dma.local [hbm:s3], $0xF7A  }
0x26: {  	[smem:$0x3F88] =	sst s1;
	(tag) =	ssettag s2;
	_ =	strace s9  }
0x27: {  	s1 =	sld [smem:$0x3F98]  }
0x28: {  	s2 =	sld [smem:$0x3F99]  }
0x29: {  	s4 =	sld [smem:$0x3F9B]  }
0x2a: {  	p0 =	seq.s32 s5, $0x0;
	s5 =	sld [smem:$0x3F9C]  }
0x2b: {  	s6 =	sld [smem:$0x3F9D]  }
0x2c: {  	s7 =	sld [smem:$0x3F9E]  }
0x2d: {  	s3 =	simm.s32 $0x108;
	s8 =	sld [smem:$0x3F9F]  }
0x2e: {  	s3 =	simm.s32 @!p0 $0x1082;
	s9 =	sld [smem:$0x3FA0]  }
0x2f: {  	lr =	sadd.s32 s0, s3;
	s0 =	sld [smem:$0x3F97]  }
0x30: {  	s3 =	sld [smem:$0x3F9A]  }
0x31: {  	[smem:$0x3FA3] =	sst s10  }
0x32: {  	s10 =	sld [smem:$0x3FA1];
	_ =	sdelay $0x3  }
0x33: {  	p0 =	seq.s32 s10, $0x1;
	s10 =	sld [smem:$0x3FA3];
	_ =	sdelay $0x3  }
0x34: {  	[smem:$0x3FA3] =	sst s10  }
0x35: {  	s10 =	sld [smem:$0x3FA2];
	_ =	sdelay $0x3  }
0x36: {  	p1 =	seq.s32 s10, $0x1;
	s10 =	sld [smem:$0x3FA3];
	_ =	sdelay $0x3  }
0x37: {  	[smem:$0x3FA3] =	sst s10  }
0x38: {  	s10 =	sld [smem:$0x3FA4]  }
0x39: {  	_ = 	snop;
	(pc) =	sbr.ind lr, $3  }
0x3a: {  	_ = 	snop  }
0x3b: {  	_ = 	snop  }
0x3c: {  	p2 =	seq.s32 s10, $0x1;
	s10 =	sld [smem:$0x3FA3]  }
0x3d: {  	_ =	shalt  }
0x3e: {  	_ =	shalt  }
0x3f: {  	_ =	shalt  }
0x40: {  	_ =	shalt  }
0x41: {  	_ =	shalt  }
0x42: {  	_ =	shalt  }
0x43: {  	_ =	shalt  }
0x44: {  	_ =	shalt  }
0x45: {  	_ =	shalt  }
0x46: {  	_ =	shalt  }
0x47: {  	_ =	shalt  }
0x48: {  	_ =	shalt  }
0x49: {  	_ =	shalt  }
0x4a: {  	_ =	shalt  }
0x4b: {  	_ =	shalt  }
0x4c: {  	_ =	shalt  }
0x4d: {  	_ =	shalt  }
0x4e: {  	_ =	shalt  }
0x4f: {  	_ =	shalt  }
0x50: {  	_ =	shalt  }
0x51: {  	_ =	shalt  }
0x52: {  	_ =	shalt  }
0x53: {  	_ =	shalt  }
0x54: {  	_ =	shalt  }
0x55: {  	_ =	shalt  }
0x56: {  	_ =	shalt  }
0x57: {  	_ =	shalt  }
0x58: {  	_ =	shalt  }
0x59: {  	_ =	shalt  }
0x5a: {  	_ =	shalt  }
0x5b: {  	_ =	shalt  }
0x5c: {  	_ =	shalt  }
0x5d: {  	_ =	shalt  }
0x5e: {  	_ =	shalt  }
0x5f: {  	_ =	shalt  }
0x60: {  	_ =	shalt  }
0x61: {  	_ =	shalt  }
0x62: {  	_ =	shalt  }
0x63: {  	_ =	shalt  }
0x64: {  	_ =	shalt  }
0x65: {  	_ =	shalt  }
0x66: {  	_ =	shalt  }
0x67: {  	_ =	shalt  }
0x68: {  	_ =	shalt  }
0x69: {  	_ =	shalt  }
0x6a: {  	_ =	shalt  }
0x6b: {  	_ =	shalt  }
0x6c: {  	_ =	shalt  }
0x6d: {  	_ =	shalt  }
0x6e: {  	_ =	shalt  }
0x6f: {  	_ =	shalt  }
0x70: {  	_ =	shalt  }
0x71: {  	_ =	shalt  }
0x72: {  	_ =	shalt  }
0x73: {  	_ =	shalt  }
0x74: {  	_ =	shalt  }
0x75: {  	_ =	shalt  }
0x76: {  	_ =	shalt  }
0x77: {  	_ =	shalt  }
0x78: {  	_ =	shalt  }
0x79: {  	_ =	shalt  }
0x7a: {  	_ =	shalt  }
0x7b: {  	_ =	shalt  }
0x7c: {  	_ =	shalt  }
0x7d: {  	_ =	shalt  }
0x7e: {  	_ =	shalt  }
0x7f: {  	_ =	shalt  }
0x80: {  	_ =	shalt  }
0x81: {  	_ =	shalt  }
0x82: {  	_ =	shalt  }
0x83: {  	_ =	shalt  }
0x84: {  	_ =	shalt  }
0x85: {  	_ =	shalt  }
0x86: {  	_ =	shalt  }
0x87: {  	_ =	shalt  }
.Lfunc_end0:
.L_simem_size_0:
called_computation.2_lowered:
.L_overlay_start_0:
0x88: {  	s2 =	sld [smem:$0x3FD9]  }
0x89: {  	s3 =	sld [smem:$0x3FFE];
	_ =	sdelay $0x1  }
0x8a: {  	s1 =	srdreg.scid  }
0x8b: {  	s0 =	sand.u32 $0x1, s1  }
0x8c: {  	s16 =	sshll.u32 s0, $0xA;
	s2 =	sadd.s32 s3, s2  }
0x8d: {  	s2 =	sadd.s32 s2, s16  }
0x8e: {  	[smem:$0x3FAF] =	sst s2  }
0x8f: {  	_ = 	snop  }
0x90: {  	(tm) =	ssettm $0x1  }
0x91: {  	s17 =	sld [smem:$0x3FFB];
	_ =	sdelay $0x3  }
0x92: {  	_ =	strace s17  }
0x93: {  	s2 =	sld [smem:$0x3FFC];
	_ =	sdelay $0x3  }
0x94: {  	_ =	strace s2  }
0x95: {  	s2 =	sld [smem:$0x3FFD];
	_ =	sdelay $0x3  }
0x96: {  	_ =	strace s2  }
0x97: {  	_ =	strace $0x8FFFFFFF  }
0x98: {  	s18 =	sld [smem:$0x3FDB];
	_ =	sdelay $0x1  }
0x99: {  	s19 =	simm.s32 $_scs_section_size  }
0x9a: {  	s4 =	simm.s32 $_size__tile_overlayer_lowered;
	s5 =	simm.s32 $_tile_overlayer_lowered  }
0x9b: {  	s22 =	simm.s32 $0x1BFF;
	s21 =	sshll.u32 s5, $0x1;
	s2 =	sadd.s32 s19, s18  }
0x9c: {  	s6 =	simm.s32 $0x0;
	s20 =	sshll.u32 s4, $0x1;
	s4 =	sadd.s32 s21, s2  }
0x9d: {  	[timem:s6], [sflag:s22] =	dma.local [hbm:s4], s20  }
0x9e: {  	_ =	swait.ge [sflag:s22], s20  }
0x9f: {  	s3 =	ssub.s32 $0x0, s20;
	[sflag:s22] =	ssyncset.done $0x0  }
0xa0: {  	[sflag:s22] =	ssyncadd.s32 s3;
	_ =	sdelay $0x1  }
0xa1: {  	s23 =	simm.s32 $0x1B8B  }
0xa2: {  	_ =	swait.ge [sflag:s23], $0x1  }
0xa3: {  	[sflag:s23] =	ssyncset.done $0x0  }
0xa4: {  	s25 =	simm.s32 $0x1B8E;
	s24 =	sld [smem:$0x3FFE];
	[sflag:s23] =	ssyncadd.s32 $0xFFFFFFFF  }
0xa5: {  	s26 =	simm.s32 $execute0_lowered;
	[smem:$0x3FD2] =	sst s25  }
0xa6: {  	s4 =	sshll.u32 s26, $0x1;
	_ =	strace $0x8000004C;
	[dreg:$0x1] =	wrdreg $0xFFFFFFFF  }
0xa7: {  	s28 =	simm.s32 $_size_execute0_lowered;
	s2 =	sadd.s32 s2, s4;
	[dreg:$0x0] =	wrdreg $0x0  }
0xa8: {  	s4 =	sshll.u32 s28, $0x1;
	[dreg:$0x2] =	wrdreg s2  }
0xa9: {  	[dreg:$0x3] =	wrdreg s4  }
0xaa: {  	[dreg:$0x4] =	wrdreg $0xC0  }
0xab: {  	_ =	task [dreg:s6], $0x5FFFF  }
0xac: {  	[dreg:$0x1] =	wrdreg $0xFFFFFFFF  }
0xad: {  	[dreg:$0x0] =	wrdreg $0x60  }
0xae: {  	[dreg:$0x2] =	wrdreg s24  }
0xaf: {  	[dreg:$0x3] =	wrdreg $0xA8000  }
0xb0: {  	[dreg:$0x4] =	wrdreg $0x9  }
0xb1: {  	_ =	task.clear_ibuf [dreg:s6], $0x5FFFF;
	_ =	strace $0x9000004C  }
0xb2: {  	s29 =	simm.s32 $0x9;
	_ =	strace $0x8000004E  }
0xb3: {  	_ =	swait.ge [sflag:s29], $0x1  }
0xb4: {  	[sflag:s29] =	ssyncadd.s32 $0xFFFFFFFF  }
0xb5: {  	_ =	strace $0x9000004E  }
0xb6: {  	_ =	sfence  }
0xb7: {  	s30 =	sld [smem:$0x0];
	_ =	sdelay $0x2  }
0xb8: {  	s31 =	sshll.u32 s1, $0xD;
	s1 =	sshrl.u32 s1, $0x2  }
0xb9: {  	s3 =	sand.u32 $0x4000, s31;
	s1 =	sadd.s32 s1, s30  }
0xba: {  	s0 =	sor.u32 s3, s0;
	s1 =	sshll.u32 s1, $0x11  }
0xbb: {  	s0 =	sor.u32 s1, s0  }
0xbc: {  	s0 =	sadd.s32 $0x8F2B, s0  }
0xbd: {  	[sflag:s0] =	ssyncadd.remote.s32 $0x1  }
0xbe: {  	_ =	sfence.sel $0xFFFF  }
0xbf: {  	[dreg:$0x0] =	wrdreg $0xFFFFFFFF;
	(pc) =	sbr.abs _section_cstart, $3  }
0xc0: {  	[dreg:$0x1] =	wrdreg $0xFFFFFFFF  }
0xc1: {  	_ =	task.clear_ibuf [dreg:s6], $0x2FFFF;
	_ =	strace $0x9FFFFFFF  }
0xc2: {  	(tm) =	ssettm $0x7FFFFFFF  }
0xc3: {  	_ =	shalt  }
tec
execute0_lowered:
.L_overlay_start_1:
0x0: {  	(tag) =	ssettag $0x1  }
0x1: {  	s0 =	rddreg [dreg:$0x0]  }
0x2: {  	s1 =	rddreg [dreg:$0x1];
	s3 =	simm.s32 $0x0;
	s2 =	stileid.u32  }
0x3: {  	s6 =	srdreg.scid;
	s21 =	simm.s32 $0x3;
	s22 =	simm.s32 $0x7D  }
0x4: {  	s23 =	simm.s32 $0x2800;
	s24 =	simm.s32 $0x1;
	s25 =	simm.s32 $0x2  }
0x5: {  	[smem:$0x7FF] =	sst s3;
	s4 =	sadd.s32 $0x4E200, s0;
	s10 =	smul.u32 $0x2800, s2  }
0x6: {  	s5 =	sadd.s32 $0x75400, s0;
	s18 =	sand.u32 $0x1, s6;
	s8 =	smul.u32 $0x50000, s2  }
0x7: {  	s6 =	sadd.s32 $0x1C200, s0;
	s7 =	sadd.s32 $0x12200, s0;
	s19 =	sadd.s32 $0x12C000, s1  }
0x8: {  	s12 =	smul.u32 $0xA0, s2;
	s14 =	sadd.s32 $0xE9000, s0;
	p0 =	seq.s32 s2, $0xF  }
0x9: {  	s16 =	sadd.s32 $0xC1E00, s0;
	_ =	strace $0x8000004D;
	s9 =	ssub.s32 $0x2, s18  }
0xa: {  	p1 =	sne.s32 s18, $0x0;
	s18 =	sshrl.u32 @p0 s19, $0x3;
	s15 =	sadd.s32 s10, s0  }
.Ltmp0:
0xb: {  	s11 =	sshrl.u32 s9, $0x1;
	s8 =	sshrl.u32 s8, $0x2;
	(pc) =	sbr.rel .LBB2_1-.Ltmp0, $4  }
0xc: {  	s17 =	ssub.s32 s9, s11;
	s20 =	sadd.s32 s8, s1;
	s8 =	sadd.s32 s5, s10  }
0xd: {  	s9 =	sadd.s32 $0x9AC00, s0;
	s10 =	sadd.s32 s4, s10;
	s11 =	sadd.s32 $0x73A00, s0  }
0xe: {  	s13 =	sadd.s32 $0xC3800, s15;
	s15 =	sadd.s32 $0x9C600, s15;
	s0 =	sshll.u32 @!p0 s2, $0x6  }
0xf: {  	s17 =	smax.u32 s17, $0x1;
	s19 =	sor.u32 @!p0 $0x1C03, s0;
	s20 =	sshrl.u32 @!p0 s20, $0x3  }
.LBB2_17:
0x10: {  	[bflag:$0x0] =	sbarrier.arrive $0xFFFF;
	s0 =	simm.s32 @p0 $0x1FC3  }
0x11: {  	[hbm:s14], [sflag:s0] =	dma.local @p0 [spmem:s18], $0x1900  }
0x12: {  	s0 =	simm.s32 @p0 $0x3  }
0x13: {  	_ =	swait.ge @p0 [sflag:s0], $0x1900  }
0x14: {  	[sflag:s0] =	ssyncset.done @p0 $0x0  }
0x15: {  	[sflag:s0] =	ssyncadd.s32 @p0 $0xFFFFE700;
	s0 =	simm.s32 @!p0 $0x3  }
0x16: {  	[hbm:s13], [sflag:s19] =	dma.local @!p0 [spmem:s20], $0x2800  }
0x17: {  	_ =	swait.ge @!p0 [sflag:s0], $0x2800  }
0x18: {  	[sflag:s0] =	ssyncset.done @!p0 $0x0  }
0x19: {  	[sflag:s0] =	ssyncadd.s32 @!p0 $0xFFFFD800  }
.LBB2_18:
0x1a: {  	s3 =	sadd.s32 $0x1, s3  }
0x1b: {  	p2 =	sne.s32 s3, s17  }
.Ltmp1:
0x1c: {  	_ = 	snop;
	(pc) =	sbr.rel @!p2 .LBB2_19-.Ltmp1, $1  }
0x1d: {  	_ =	sdelay $0x3  }
.LBB2_1:
.Ltmp2:
0x1e: {  	(pc) =	sbr.rel @p1 .LBB2_10-.Ltmp2, $1  }
0x1f: {  	_ =	sdelay $0x3  }
0x20: {  	s0 =	simm.s32 @p0 $0x1FC3  }
0x21: {  	[spmem:s18], [sflag:s0] =	dma.local @p0 [hbm:s11], $0x1900  }
0x22: {  	s0 =	simm.s32 @p0 $0x3  }
0x23: {  	_ =	swait.ge @p0 [sflag:s0], $0x1900  }
0x24: {  	[sflag:s0] =	ssyncset.done @p0 $0x0  }
0x25: {  	[sflag:s0] =	ssyncadd.s32 @p0 $0xFFFFE700;
	s0 =	simm.s32 @!p0 $0x3  }
0x26: {  	[spmem:s20], [sflag:s19] =	dma.local @!p0 [hbm:s10], $0x2800  }
.Ltmp3:
0x27: {  	_ =	swait.ge @!p0 [sflag:s0], $0x2800;
	(pc) =	sbr.rel .LBB2_3-.Ltmp3, $4  }
0x28: {  	[sflag:s0] =	ssyncset.done @!p0 $0x0  }
0x29: {  	[sflag:s0] =	ssyncadd.s32 @!p0 $0xFFFFD800  }
0x2a: {  	[bflag:$0x0] =	sbarrier.arrive $0xFFFF  }
0x2b: {  	s26 =	simm.s32 $0x0;
	s28 =	simm.s32 $0x0  }
.LBB2_8:
0x2c: {  	s28 =	sadd.s32 $0x1, s28  }
0x2d: {  	_ =	swait.ge [sflag:s25], $0x3E80;
	p2 =	sne.s32 s28, $0x4  }
.Ltmp4:
0x2e: {  	[sflag:s25] =	ssyncset.done $0x0;
	(pc) =	sbr.rel @!p2 .LBB2_9-.Ltmp4, $4  }
0x2f: {  	[sflag:s25] =	ssyncadd.s32 $0xFFFFC180  }
0x30: {  	_ =	swait.ge [sflag:s25], $0x3E80  }
0x31: {  	[sflag:s25] =	ssyncset.done $0x0  }
0x32: {  	[sflag:s25] =	ssyncadd.s32 $0xFFFFC180  }
.LBB2_3:
0x33: {  	s0 =	smul.u32 $0x28, s28;
	_ =	sdelay $0x1  }
0x34: {  	s0 =	sadd.s32 s12, s0  }
0x35: {  	s0 =	sshll.u32 s0, $0x4  }
0x36: {  	s29 =	sadd.s32 s6, s0  }
0x37: {  	[tilespmem:s26], [sflag:$0x3] =	stream.linear.gather [hbm4b:s29+s26], $0x1400, $0x38;
	[tilespmem:$0x1E080] =	vst v63  }
0x38: {  	_ =	swait.ge [sflag:s21], $0x1400  }
0x39: {  	[sflag:s21] =	ssyncset.done $0x0  }
0x3a: {  	s0 =	sadd.s32 s7, s0;
	s29 =	simm.s32 $0x1400;
	[sflag:s21] =	ssyncadd.s32 $0xFFFFEC00  }
0x3b: {  	[tilespmem:s29], [sflag:$0x3] =	stream.linear.gather [hbm4b:s0+s26], $0x1400, $0x38;
	[tilespmem:$0x1E080] =	vst v63  }
.Ltmp5:
0x3c: {  	_ = 	snop;
	(pc) =	sbr.rel .LBB2_4-.Ltmp5, $4  }
0x3d: {  	_ =	swait.ge [sflag:s21], $0x1400  }
0x3e: {  	[sflag:s21] =	ssyncset.done $0x0  }
0x3f: {  	s30 =	simm.s32 $0x80;
	s31 =	simm.s32 $0x0;
	[sflag:s21] =	ssyncadd.s32 $0xFFFFEC00  }
0x40: {  	[tilespmem:s23], [sflag:$0x1] =	stream.indirect.gather [hbm4b:s4+s22], $0x80, s26, s22, $0xb8;
	[tilespmem:$0x1E080] =	vst v63  }
.LBB2_7:
0x41: {  	s31 =	sadd.s32 $0x1, s31  }
0x42: {  	p2 =	sne.s32 s31, $0x28  }
.Ltmp6:
0x43: {  	_ = 	snop;
	(pc) =	sbr.rel @!p2 .LBB2_8-.Ltmp6, $4  }
0x44: {  	_ = 	snop  }
0x45: {  	s0 =	sxor.u32 $0x6800, s0  }
0x46: {  	[tilespmem:s0], [sflag:$0x1] =	stream.indirect.gather [hbm4b:s4+s22], $0x80, s30, s22, $0xb8;
	[tilespmem:$0x1E080] =	vst v63  }
0x47: {  	s29 =	sadd.s32 $0x80, s29;
	s30 =	sadd.s32 $0x80, s30  }
.LBB2_4:
0x48: {  	p2 =	seq.s32 s31, $0x0  }
.Ltmp7:
0x49: {  	_ = 	snop;
	(pc) =	sbr.rel @p2 .LBB2_7-.Ltmp7, $4  }
0x4a: {  	s0 =	sand.u32 $0x1, s31;
	_ =	swait.ge [sflag:s24], $0x3E80  }
0x4b: {  	s0 =	sshll.u32 s0, $0xE;
	[sflag:s24] =	ssyncset.done $0x0  }
0x4c: {  	s2 =	sor.u32 $0x2800, s0;
	[sflag:s24] =	ssyncadd.s32 $0xFFFFC180  }
0x4d: {  	[spmem:s1] =	stream.indirect.scatter.add.f32 [tilespmem:s2], [sflag:$0x2], $0x80, s29, s22, $0xb8;
	[tilespmem:$0x1E080] =	vst v63  }
0x4e: {  	p2 =	seq.s32 s31, $0x27  }
.Ltmp8:
0x4f: {  	_ = 	snop;
	(pc) =	sbr.rel @p2 .LBB2_8-.Ltmp8, $1  }
0x50: {  	_ =	sdelay $0x3  }
.Ltmp9:
0x51: {  	(pc) =	sbr.rel .LBB2_7-.Ltmp9, $4  }
0x52: {  	_ = 	snop  }
0x53: {  	_ =	swait.ge [sflag:s25], $0x3E80  }
0x54: {  	[sflag:s25] =	ssyncset.done $0x0  }
0x55: {  	[sflag:s25] =	ssyncadd.s32 $0xFFFFC180  }
.LBB2_10:
0x56: {  	s0 =	simm.s32 @p0 $0x1FC3  }
0x57: {  	[spmem:s18], [sflag:s0] =	dma.local @p0 [hbm:s9], $0x1900  }
0x58: {  	s0 =	simm.s32 @p0 $0x3  }
0x59: {  	_ =	swait.ge @p0 [sflag:s0], $0x1900  }
0x5a: {  	[sflag:s0] =	ssyncset.done @p0 $0x0  }
0x5b: {  	[sflag:s0] =	ssyncadd.s32 @p0 $0xFFFFE700;
	s0 =	simm.s32 @!p0 $0x3  }
0x5c: {  	[spmem:s20], [sflag:s19] =	dma.local @!p0 [hbm:s8], $0x2800  }
.Ltmp10:
0x5d: {  	_ =	swait.ge @!p0 [sflag:s0], $0x2800;
	(pc) =	sbr.rel .LBB2_11-.Ltmp10, $4  }
0x5e: {  	[sflag:s0] =	ssyncset.done @!p0 $0x0  }
0x5f: {  	[sflag:s0] =	ssyncadd.s32 @!p0 $0xFFFFD800  }
0x60: {  	[bflag:$0x0] =	sbarrier.arrive $0xFFFF  }
0x61: {  	s26 =	simm.s32 $0x0;
	s28 =	simm.s32 $0x0  }
.LBB2_16:
0x62: {  	s28 =	sadd.s32 $0x1, s28  }
0x63: {  	_ =	swait.ge [sflag:s25], $0x3E80;
	p2 =	sne.s32 s28, $0x4  }
.Ltmp11:
0x64: {  	[sflag:s25] =	ssyncset.done $0x0;
	(pc) =	sbr.rel @!p2 .LBB2_17-.Ltmp11, $4  }
0x65: {  	[sflag:s25] =	ssyncadd.s32 $0xFFFFC180  }
0x66: {  	_ =	swait.ge [sflag:s25], $0x3E80  }
0x67: {  	[sflag:s25] =	ssyncset.done $0x0  }
0x68: {  	[sflag:s25] =	ssyncadd.s32 $0xFFFFC180  }
.LBB2_11:
0x69: {  	s0 =	smul.u32 $0x28, s28;
	_ =	sdelay $0x1  }
0x6a: {  	s0 =	sadd.s32 s12, s0  }
0x6b: {  	s0 =	sshll.u32 s0, $0x4  }
0x6c: {  	s2 =	sadd.s32 s6, s0  }
0x6d: {  	[tilespmem:s26], [sflag:$0x3] =	stream.linear.gather [hbm4b:s2+s26], $0x1400, $0x38;
	[tilespmem:$0x1E080] =	vst v63  }
0x6e: {  	_ =	swait.ge [sflag:s21], $0x1400  }
0x6f: {  	[sflag:s21] =	ssyncset.done $0x0  }
0x70: {  	s29 =	simm.s32 $0x1400;
	s0 =	sadd.s32 s7, s0;
	[sflag:s21] =	ssyncadd.s32 $0xFFFFEC00  }
0x71: {  	[tilespmem:s29], [sflag:$0x3] =	stream.linear.gather [hbm4b:s0+s26], $0x1400, $0x38;
	[tilespmem:$0x1E080] =	vst v63  }
.Ltmp12:
0x72: {  	_ = 	snop;
	(pc) =	sbr.rel .LBB2_12-.Ltmp12, $4  }
0x73: {  	_ =	swait.ge [sflag:s21], $0x1400  }
0x74: {  	[sflag:s21] =	ssyncset.done $0x0  }
0x75: {  	s30 =	simm.s32 $0x80;
	s31 =	simm.s32 $0x0;
	[sflag:s21] =	ssyncadd.s32 $0xFFFFEC00  }
0x76: {  	[tilespmem:s23], [sflag:$0x1] =	stream.indirect.gather [hbm4b:s5+s22], $0x80, s26, s22, $0xb8;
	[tilespmem:$0x1E080] =	vst v63  }
.LBB2_15:
0x77: {  	s31 =	sadd.s32 $0x1, s31  }
0x78: {  	p2 =	sne.s32 s31, $0x28  }
.Ltmp13:
0x79: {  	_ = 	snop;
	(pc) =	sbr.rel @!p2 .LBB2_16-.Ltmp13, $4  }
0x7a: {  	_ = 	snop  }
0x7b: {  	s0 =	sxor.u32 $0x6800, s0  }
0x7c: {  	[tilespmem:s0], [sflag:$0x1] =	stream.indirect.gather [hbm4b:s5+s22], $0x80, s30, s22, $0xb8;
	[tilespmem:$0x1E080] =	vst v63  }
0x7d: {  	s29 =	sadd.s32 $0x80, s29;
	s30 =	sadd.s32 $0x80, s30  }
.LBB2_12:
0x7e: {  	p2 =	seq.s32 s31, $0x0  }
.Ltmp14:
0x7f: {  	_ = 	snop;
	(pc) =	sbr.rel @p2 .LBB2_15-.Ltmp14, $4  }
0x80: {  	s0 =	sand.u32 $0x1, s31;
	_ =	swait.ge [sflag:s24], $0x3E80  }
0x81: {  	s0 =	sshll.u32 s0, $0xE;
	[sflag:s24] =	ssyncset.done $0x0  }
0x82: {  	s2 =	sor.u32 $0x2800, s0;
	[sflag:s24] =	ssyncadd.s32 $0xFFFFC180  }
0x83: {  	[spmem:s1] =	stream.indirect.scatter.add.f32 [tilespmem:s2], [sflag:$0x2], $0x80, s29, s22, $0xb8;
	[tilespmem:$0x1E080] =	vst v63  }
0x84: {  	p2 =	seq.s32 s31, $0x27  }
.Ltmp15:
0x85: {  	_ = 	snop;
	(pc) =	sbr.rel @p2 .LBB2_16-.Ltmp15, $1  }
0x86: {  	_ =	sdelay $0x3  }
.Ltmp16:
0x87: {  	(pc) =	sbr.rel .LBB2_15-.Ltmp16, $4  }
0x88: {  	_ = 	snop  }
0x89: {  	_ =	swait.ge [sflag:s25], $0x3E80  }
0x8a: {  	[sflag:s25] =	ssyncset.done $0x0  }
0x8b: {  	[sflag:s25] =	ssyncadd.s32 $0xFFFFC180  }
.LBB2_9:
0x8c: {  	[bflag:$0x0] =	sbarrier.arrive $0xFFFF;
	s0 =	simm.s32 @p0 $0x1FC3  }
0x8d: {  	[hbm:s16], [sflag:s0] =	dma.local @p0 [spmem:s18], $0x1900  }
0x8e: {  	s0 =	simm.s32 @p0 $0x3  }
0x8f: {  	_ =	swait.ge @p0 [sflag:s0], $0x1900  }
0x90: {  	[sflag:s0] =	ssyncset.done @p0 $0x0  }
.Ltmp17:
0x91: {  	[sflag:s0] =	ssyncadd.s32 @p0 $0xFFFFE700;
	s0 =	simm.s32 @!p0 $0x3;
	(pc) =	sbr.rel .LBB2_18-.Ltmp17, $4  }
0x92: {  	[hbm:s15], [sflag:s19] =	dma.local @!p0 [spmem:s20], $0x2800  }
0x93: {  	_ =	swait.ge @!p0 [sflag:s0], $0x2800  }
0x94: {  	[sflag:s0] =	ssyncset.done @!p0 $0x0  }
0x95: {  	[sflag:s0] =	ssyncadd.s32 @!p0 $0xFFFFD800  }
.LBB2_19:
0x96: {  	_ =	sfence.sel $0x180000  }
0x97: {  	[bflag:$0x0] =	sbarrier.arrive $0xFFFF  }
0x98: {  	_ =	strace $0x9000004D  }
0x99: {  	s0 =	stileid.u32;
	[bflag:$0x2] =	sbarrier.arrive $0xFFFF  }
0x9a: {  	p0 =	sne.s32 s0, $0x0;
	s0 =	rddreg [dreg:$0x2]  }
0x9b: {  	s0 =	sadd.s32 @!p0 $0x100000, s0  }
0x9c: {  	[sflag:s0] =	ssyncadd.tile.s32 @!p0 $0x1;
	_ =	shalt  }
.Lfunc_end2:
_tile_overlayer_lowered:
.L_overlay_start_2:
0x9d: {  	(tag) =	ssettag $0x2  }
0x9e: {  	s0 =	rddreg [dreg:$0x0];
	s2 =	stileid.u32  }
0x9f: {  	s1 =	rddreg [dreg:$0x1];
	p0 =	sne.s32 s2, $0x0  }
0xa0: {  	s3 =	rddreg [dreg:$0x2];
	[bflag:$0x3] =	sbarrier.arrive $0xFFFF;
	s2 =	simm.s32 @!p0 $0x1C03  }
0xa1: {  	[timem:s3], [sflag:s2] =	dma.local @!p0 [hbm:s0], s1  }
0xa2: {  	s0 =	simm.s32 @!p0 $0x3  }
0xa3: {  	_ =	swait.ge @!p0 [sflag:s0], s1  }
0xa4: {  	s1 =	ssub.s32 @!p0 $0x0, s1;
	[sflag:s0] =	ssyncset.done @!p0 $0x0  }
0xa5: {  	[sflag:s0] =	ssyncadd.s32 @!p0 s1  }
0xa6: {  	[bflag:$0x3] =	sbarrier.arrive $0xFFFF  }
0xa7: {  	_ =	shalt  }

// kernel: kernel.20.cloned.1.call-start
scs
__scs_entry_jumppad:
0x0: {  	(pc) =	sbr.rel $0x88, $3  }
0x1: {  	(tag) =	ssettag $0x0;
	lr =	simm.s32 $0x1  }
0x2: {  	[smem:$0x3F88] =	sst lr;
	_ =	strace $0xD0000000  }
0x3: {  	_ = 	snop  }
0x4: {  	_ = 	snop  }
0x5: {  	_ = 	snop  }
0x6: {  	_ = 	snop  }
0x7: {  	_ = 	snop  }
__scs_overlays_trampoline_lowered:
0x8: {  	[smem:$0x3F97] =	sst s0  }
0x9: {  	[smem:$0x3F98] =	sst s1  }
0xa: {  	[smem:$0x3F99] =	sst s2  }
0xb: {  	[smem:$0x3F9A] =	sst s3  }
0xc: {  	[smem:$0x3F9B] =	sst s4  }
0xd: {  	[smem:$0x3F9C] =	sst s5  }
0xe: {  	[smem:$0x3F9D] =	sst s6  }
0xf: {  	[smem:$0x3F9E] =	sst s7  }
0x10: {  	[smem:$0x3F9F] =	sst s8  }
0x11: {  	[smem:$0x3FA0] =	sst s9;
	s0 =	simm.s32 @!p0 $0x0  }
0x12: {  	s1 =	sld [smem:$0x3F86];
	s0 =	simm.s32 @p0 $0x1  }
0x13: {  	[smem:$0x3FA1] =	sst s0;
	s0 =	simm.s32 @!p1 $0x0  }
0x14: {  	s2 =	sld [smem:$0x3F85];
	s0 =	simm.s32 @p1 $0x1  }
0x15: {  	[smem:$0x3FA2] =	sst s0;
	s0 =	simm.s32 @!p2 $0x0  }
0x16: {  	s3 =	sld [smem:$0x3FDB];
	s0 =	simm.s32 @p2 $0x1  }
0x17: {  	s4 =	simm.s32 $0x1BF5;
	[smem:$0x3FA4] =	sst s0  }
0x18: {  	s0 =	sld [smem:$0x3F87];
	_ =	swait.ge [sflag:s4], $0x0  }
0x19: {  	s7 =	sld [smem:$0x3F88]  }
0x1a: {  	s8 =	sadd.s32 $0xFFFFE003, lr  }
0x1b: {  	s9 =	sadd.s32 $0xFFFFFEF7, lr;
	s5 =	simm.s32 $0xFFFFFFFF;
	p2 =	slt.u32 s8, $0xFFFFF086  }
0x1c: {  	p1 =	slt.u32 s9, $0xF7A;
	s5 =	simm.s32 @!p2 $0x0  }
0x1d: {  	s5 =	simm.s32 @p1 $0x1;
	p0 =	seq.s32 s7, s2  }
0x1e: {  	s7 =	smul.u32 @!p0 $0xF7A, s2;
	p2 =	seq.s32 @!p0 s5, $0x0  }
0x1f: {  	s9 =	smul.u32 $0xF7A, s1;
	s8 =	simm.s32 @!p0 $0x1BF5;
	p2 =	por !p2, p0  }
0x20: {  	[sflag:s8] =	ssyncset.s32 @!p0 $0xFFFFF086;
	s6 =	sadd.s32 @!p0 s3, s7;
	s7 =	simm.s32 @!p0 $0x108  }
0x21: {  	s3 =	sadd.s32 s3, s9;
	s6 =	sadd.s32 @!p0 $0x88, s6;
	s7 =	simm.s32 @p2 $0x1082  }
0x22: {  	[simem:s7], [sflag:s8] =	dma.local @!p0 [hbm:s6], $0xF7A  }
0x23: {  	s9 =	sor.u32 $0xD0000000, s2;
	s6 =	simm.s32 $0x108;
	_ =	swait.ge @!p0 [sflag:s8], $0x0  }
0x24: {  	s3 =	sadd.s32 $0x88, s3;
	s6 =	simm.s32 @!p1 $0x1082;
	[sflag:s4] =	ssyncset.s32 $0xFFFFF086  }
0x25: {  	[simem:s6], [sflag:s4] =	dma.local [hbm:s3], $0xF7A  }
0x26: {  	[smem:$0x3F88] =	sst s1;
	(tag) =	ssettag s2;
	_ =	strace s9  }
0x27: {  	s1 =	sld [smem:$0x3F98]  }
0x28: {  	s2 =	sld [smem:$0x3F99]  }
0x29: {  	s4 =	sld [smem:$0x3F9B]  }
0x2a: {  	p0 =	seq.s32 s5, $0x0;
	s5 =	sld [smem:$0x3F9C]  }
0x2b: {  	s6 =	sld [smem:$0x3F9D]  }
0x2c: {  	s7 =	sld [smem:$0x3F9E]  }
0x2d: {  	s3 =	simm.s32 $0x108;
	s8 =	sld [smem:$0x3F9F]  }
0x2e: {  	s3 =	simm.s32 @!p0 $0x1082;
	s9 =	sld [smem:$0x3FA0]  }
0x2f: {  	lr =	sadd.s32 s0, s3;
	s0 =	sld [smem:$0x3F97]  }
0x30: {  	s3 =	sld [smem:$0x3F9A]  }
0x31: {  	[smem:$0x3FA3] =	sst s10  }
0x32: {  	s10 =	sld [smem:$0x3FA1];
	_ =	sdelay $0x3  }
0x33: {  	p0 =	seq.s32 s10, $0x1;
	s10 =	sld [smem:$0x3FA3];
	_ =	sdelay $0x3  }
0x34: {  	[smem:$0x3FA3] =	sst s10  }
0x35: {  	s10 =	sld [smem:$0x3FA2];
	_ =	sdelay $0x3  }
0x36: {  	p1 =	seq.s32 s10, $0x1;
	s10 =	sld [smem:$0x3FA3];
	_ =	sdelay $0x3  }
0x37: {  	[smem:$0x3FA3] =	sst s10  }
0x38: {  	s10 =	sld [smem:$0x3FA4]  }
0x39: {  	_ = 	snop;
	(pc) =	sbr.ind lr, $3  }
0x3a: {  	_ = 	snop  }
0x3b: {  	_ = 	snop  }
0x3c: {  	p2 =	seq.s32 s10, $0x1;
	s10 =	sld [smem:$0x3FA3]  }
0x3d: {  	_ =	shalt  }
0x3e: {  	_ =	shalt  }
0x3f: {  	_ =	shalt  }
0x40: {  	_ =	shalt  }
0x41: {  	_ =	shalt  }
0x42: {  	_ =	shalt  }
0x43: {  	_ =	shalt  }
0x44: {  	_ =	shalt  }
0x45: {  	_ =	shalt  }
0x46: {  	_ =	shalt  }
0x47: {  	_ =	shalt  }
0x48: {  	_ =	shalt  }
0x49: {  	_ =	shalt  }
0x4a: {  	_ =	shalt  }
0x4b: {  	_ =	shalt  }
0x4c: {  	_ =	shalt  }
0x4d: {  	_ =	shalt  }
0x4e: {  	_ =	shalt  }
0x4f: {  	_ =	shalt  }
0x50: {  	_ =	shalt  }
0x51: {  	_ =	shalt  }
0x52: {  	_ =	shalt  }
0x53: {  	_ =	shalt  }
0x54: {  	_ =	shalt  }
0x55: {  	_ =	shalt  }
0x56: {  	_ =	shalt  }
0x57: {  	_ =	shalt  }
0x58: {  	_ =	shalt  }
0x59: {  	_ =	shalt  }
0x5a: {  	_ =	shalt  }
0x5b: {  	_ =	shalt  }
0x5c: {  	_ =	shalt  }
0x5d: {  	_ =	shalt  }
0x5e: {  	_ =	shalt  }
0x5f: {  	_ =	shalt  }
0x60: {  	_ =	shalt  }
0x61: {  	_ =	shalt  }
0x62: {  	_ =	shalt  }
0x63: {  	_ =	shalt  }
0x64: {  	_ =	shalt  }
0x65: {  	_ =	shalt  }
0x66: {  	_ =	shalt  }
0x67: {  	_ =	shalt  }
0x68: {  	_ =	shalt  }
0x69: {  	_ =	shalt  }
0x6a: {  	_ =	shalt  }
0x6b: {  	_ =	shalt  }
0x6c: {  	_ =	shalt  }
0x6d: {  	_ =	shalt  }
0x6e: {  	_ =	shalt  }
0x6f: {  	_ =	shalt  }
0x70: {  	_ =	shalt  }
0x71: {  	_ =	shalt  }
0x72: {  	_ =	shalt  }
0x73: {  	_ =	shalt  }
0x74: {  	_ =	shalt  }
0x75: {  	_ =	shalt  }
0x76: {  	_ =	shalt  }
0x77: {  	_ =	shalt  }
0x78: {  	_ =	shalt  }
0x79: {  	_ =	shalt  }
0x7a: {  	_ =	shalt  }
0x7b: {  	_ =	shalt  }
0x7c: {  	_ =	shalt  }
0x7d: {  	_ =	shalt  }
0x7e: {  	_ =	shalt  }
0x7f: {  	_ =	shalt  }
0x80: {  	_ =	shalt  }
0x81: {  	_ =	shalt  }
0x82: {  	_ =	shalt  }
0x83: {  	_ =	shalt  }
0x84: {  	_ =	shalt  }
0x85: {  	_ =	shalt  }
0x86: {  	_ =	shalt  }
0x87: {  	_ =	shalt  }
.Lfunc_end0:
.L_simem_size_0:
called_computation.3_lowered:
.L_overlay_start_0:
0x88: {  	s2 =	sld [smem:$0x3FD9]  }
0x89: {  	s3 =	sld [smem:$0x3FFE];
	_ =	sdelay $0x1  }
0x8a: {  	s1 =	srdreg.scid  }
0x8b: {  	s0 =	sand.u32 $0x1, s1  }
0x8c: {  	s16 =	sshll.u32 s0, $0xA;
	s2 =	sadd.s32 s3, s2  }
0x8d: {  	s2 =	sadd.s32 s2, s16  }
0x8e: {  	[smem:$0x3FAF] =	sst s2  }
0x8f: {  	_ = 	snop  }
0x90: {  	(tm) =	ssettm $0x1  }
0x91: {  	s17 =	sld [smem:$0x3FFB];
	_ =	sdelay $0x3  }
0x92: {  	_ =	strace s17  }
0x93: {  	s2 =	sld [smem:$0x3FFC];
	_ =	sdelay $0x3  }
0x94: {  	_ =	strace s2  }
0x95: {  	s2 =	sld [smem:$0x3FFD];
	_ =	sdelay $0x3  }
0x96: {  	_ =	strace s2  }
0x97: {  	_ =	strace $0x8FFFFFFF  }
0x98: {  	s18 =	sld [smem:$0x3FDB];
	_ =	sdelay $0x1  }
0x99: {  	s19 =	simm.s32 $_scs_section_size  }
0x9a: {  	s4 =	simm.s32 $_size__tile_overlayer_lowered;
	s5 =	simm.s32 $_tile_overlayer_lowered  }
0x9b: {  	s22 =	simm.s32 $0x1BFF;
	s21 =	sshll.u32 s5, $0x1;
	s2 =	sadd.s32 s19, s18  }
0x9c: {  	s6 =	simm.s32 $0x0;
	s20 =	sshll.u32 s4, $0x1;
	s4 =	sadd.s32 s21, s2  }
0x9d: {  	[timem:s6], [sflag:s22] =	dma.local [hbm:s4], s20  }
0x9e: {  	_ =	swait.ge [sflag:s22], s20  }
0x9f: {  	s3 =	ssub.s32 $0x0, s20;
	[sflag:s22] =	ssyncset.done $0x0  }
0xa0: {  	[sflag:s22] =	ssyncadd.s32 s3;
	_ =	sdelay $0x1  }
0xa1: {  	s23 =	simm.s32 $0x1B8B  }
0xa2: {  	_ =	swait.ge [sflag:s23], $0x1  }
0xa3: {  	[sflag:s23] =	ssyncset.done $0x0  }
0xa4: {  	s25 =	simm.s32 $0x1B8E;
	s24 =	sld [smem:$0x3FFE];
	[sflag:s23] =	ssyncadd.s32 $0xFFFFFFFF  }
0xa5: {  	s26 =	simm.s32 $execute0_lowered;
	[smem:$0x3FD2] =	sst s25  }
0xa6: {  	s4 =	sshll.u32 s26, $0x1;
	_ =	strace $0x8000004F;
	[dreg:$0x1] =	wrdreg $0xFFFFFFFF  }
0xa7: {  	s28 =	simm.s32 $_size_execute0_lowered;
	s2 =	sadd.s32 s2, s4;
	[dreg:$0x0] =	wrdreg $0x0  }
0xa8: {  	s4 =	sshll.u32 s28, $0x1;
	[dreg:$0x2] =	wrdreg s2  }
0xa9: {  	[dreg:$0x3] =	wrdreg s4  }
0xaa: {  	[dreg:$0x4] =	wrdreg $0xC0  }
0xab: {  	_ =	task [dreg:s6], $0x5FFFF  }
0xac: {  	[dreg:$0x1] =	wrdreg $0xFFFFFFFF  }
0xad: {  	[dreg:$0x0] =	wrdreg $0x60  }
0xae: {  	[dreg:$0x2] =	wrdreg s24  }
0xaf: {  	[dreg:$0x3] =	wrdreg $0xA8000  }
0xb0: {  	[dreg:$0x4] =	wrdreg $0x9  }
0xb1: {  	_ =	task.clear_ibuf [dreg:s6], $0x5FFFF;
	_ =	strace $0x9000004F  }
0xb2: {  	s29 =	simm.s32 $0x9;
	_ =	strace $0x80000051  }
0xb3: {  	_ =	swait.ge [sflag:s29], $0x1  }
0xb4: {  	[sflag:s29] =	ssyncadd.s32 $0xFFFFFFFF  }
0xb5: {  	_ =	strace $0x90000051  }
0xb6: {  	_ =	sfence  }
0xb7: {  	s30 =	sld [smem:$0x0];
	_ =	sdelay $0x2  }
0xb8: {  	s31 =	sshll.u32 s1, $0xD;
	s1 =	sshrl.u32 s1, $0x2  }
0xb9: {  	s3 =	sand.u32 $0x4000, s31;
	s1 =	sadd.s32 s1, s30  }
0xba: {  	s0 =	sor.u32 s3, s0;
	s1 =	sshll.u32 s1, $0x11  }
0xbb: {  	s0 =	sor.u32 s1, s0  }
0xbc: {  	s0 =	sadd.s32 $0x8F2B, s0  }
0xbd: {  	[sflag:s0] =	ssyncadd.remote.s32 $0x1  }
0xbe: {  	_ =	sfence.sel $0xFFFF  }
0xbf: {  	[dreg:$0x0] =	wrdreg $0xFFFFFFFF;
	(pc) =	sbr.abs _section_cstart, $3  }
0xc0: {  	[dreg:$0x1] =	wrdreg $0xFFFFFFFF  }
0xc1: {  	_ =	task.clear_ibuf [dreg:s6], $0x2FFFF;
	_ =	strace $0x9FFFFFFF  }
0xc2: {  	(tm) =	ssettm $0x7FFFFFFF  }
0xc3: {  	_ =	shalt  }
tec
execute0_lowered:
.L_overlay_start_1:
0x0: {  	(tag) =	ssettag $0x1  }
0x1: {  	s0 =	rddreg [dreg:$0x0]  }
0x2: {  	s1 =	rddreg [dreg:$0x1];
	s3 =	simm.s32 $0x0;
	s2 =	stileid.u32  }
0x3: {  	s6 =	srdreg.scid;
	s21 =	simm.s32 $0x3;
	s22 =	simm.s32 $0x7D  }
0x4: {  	s23 =	simm.s32 $0x2800;
	s24 =	simm.s32 $0x1;
	s25 =	simm.s32 $0x2  }
0x5: {  	[smem:$0x7FF] =	sst s3;
	s4 =	sadd.s32 $0x4E200, s0;
	s10 =	smul.u32 $0x2800, s2  }
0x6: {  	s5 =	sadd.s32 $0x75400, s0;
	s18 =	sand.u32 $0x1, s6;
	s8 =	smul.u32 $0x50000, s2  }
0x7: {  	s6 =	sadd.s32 $0x1C200, s0;
	s7 =	sadd.s32 $0x12200, s0;
	s19 =	sadd.s32 $0x12C000, s1  }
0x8: {  	s12 =	smul.u32 $0xA0, s2;
	s14 =	sadd.s32 $0xE9000, s0;
	p0 =	seq.s32 s2, $0xF  }
0x9: {  	s16 =	sadd.s32 $0xC1E00, s0;
	_ =	strace $0x80000050;
	s9 =	ssub.s32 $0x2, s18  }
0xa: {  	p1 =	sne.s32 s18, $0x0;
	s18 =	sshrl.u32 @p0 s19, $0x3;
	s15 =	sadd.s32 s10, s0  }
.Ltmp0:
0xb: {  	s11 =	sshrl.u32 s9, $0x1;
	s8 =	sshrl.u32 s8, $0x2;
	(pc) =	sbr.rel .LBB2_1-.Ltmp0, $4  }
0xc: {  	s17 =	ssub.s32 s9, s11;
	s20 =	sadd.s32 s8, s1;
	s8 =	sadd.s32 s5, s10  }
0xd: {  	s9 =	sadd.s32 $0x9AC00, s0;
	s10 =	sadd.s32 s4, s10;
	s11 =	sadd.s32 $0x73A00, s0  }
0xe: {  	s13 =	sadd.s32 $0xC3800, s15;
	s15 =	sadd.s32 $0x9C600, s15;
	s0 =	sshll.u32 @!p0 s2, $0x6  }
0xf: {  	s17 =	smax.u32 s17, $0x1;
	s19 =	sor.u32 @!p0 $0x1C03, s0;
	s20 =	sshrl.u32 @!p0 s20, $0x3  }
.LBB2_17:
0x10: {  	[bflag:$0x0] =	sbarrier.arrive $0xFFFF;
	s0 =	simm.s32 @p0 $0x1FC3  }
0x11: {  	[hbm:s14], [sflag:s0] =	dma.local @p0 [spmem:s18], $0x1900  }
0x12: {  	s0 =	simm.s32 @p0 $0x3  }
0x13: {  	_ =	swait.ge @p0 [sflag:s0], $0x1900  }
0x14: {  	[sflag:s0] =	ssyncset.done @p0 $0x0  }
0x15: {  	[sflag:s0] =	ssyncadd.s32 @p0 $0xFFFFE700;
	s0 =	simm.s32 @!p0 $0x3  }
0x16: {  	[hbm:s13], [sflag:s19] =	dma.local @!p0 [spmem:s20], $0x2800  }
0x17: {  	_ =	swait.ge @!p0 [sflag:s0], $0x2800  }
0x18: {  	[sflag:s0] =	ssyncset.done @!p0 $0x0  }
0x19: {  	[sflag:s0] =	ssyncadd.s32 @!p0 $0xFFFFD800  }
.LBB2_18:
0x1a: {  	s3 =	sadd.s32 $0x1, s3  }
0x1b: {  	p2 =	sne.s32 s3, s17  }
.Ltmp1:
0x1c: {  	_ = 	snop;
	(pc) =	sbr.rel @!p2 .LBB2_19-.Ltmp1, $1  }
0x1d: {  	_ =	sdelay $0x3  }
.LBB2_1:
.Ltmp2:
0x1e: {  	(pc) =	sbr.rel @p1 .LBB2_10-.Ltmp2, $1  }
0x1f: {  	_ =	sdelay $0x3  }
0x20: {  	s0 =	simm.s32 @p0 $0x1FC3  }
0x21: {  	[spmem:s18], [sflag:s0] =	dma.local @p0 [hbm:s11], $0x1900  }
0x22: {  	s0 =	simm.s32 @p0 $0x3  }
0x23: {  	_ =	swait.ge @p0 [sflag:s0], $0x1900  }
0x24: {  	[sflag:s0] =	ssyncset.done @p0 $0x0  }
0x25: {  	[sflag:s0] =	ssyncadd.s32 @p0 $0xFFFFE700;
	s0 =	simm.s32 @!p0 $0x3  }
0x26: {  	[spmem:s20], [sflag:s19] =	dma.local @!p0 [hbm:s10], $0x2800  }
.Ltmp3:
0x27: {  	_ =	swait.ge @!p0 [sflag:s0], $0x2800;
	(pc) =	sbr.rel .LBB2_3-.Ltmp3, $4  }
0x28: {  	[sflag:s0] =	ssyncset.done @!p0 $0x0  }
0x29: {  	[sflag:s0] =	ssyncadd.s32 @!p0 $0xFFFFD800  }
0x2a: {  	[bflag:$0x0] =	sbarrier.arrive $0xFFFF  }
0x2b: {  	s26 =	simm.s32 $0x0;
	s28 =	simm.s32 $0x0  }
.LBB2_8:
0x2c: {  	s28 =	sadd.s32 $0x1, s28  }
0x2d: {  	_ =	swait.ge [sflag:s25], $0x3E80;
	p2 =	sne.s32 s28, $0x4  }
.Ltmp4:
0x2e: {  	[sflag:s25] =	ssyncset.done $0x0;
	(pc) =	sbr.rel @!p2 .LBB2_9-.Ltmp4, $4  }
0x2f: {  	[sflag:s25] =	ssyncadd.s32 $0xFFFFC180  }
0x30: {  	_ =	swait.ge [sflag:s25], $0x3E80  }
0x31: {  	[sflag:s25] =	ssyncset.done $0x0  }
0x32: {  	[sflag:s25] =	ssyncadd.s32 $0xFFFFC180  }
.LBB2_3:
0x33: {  	s0 =	smul.u32 $0x28, s28;
	_ =	sdelay $0x1  }
0x34: {  	s0 =	sadd.s32 s12, s0  }
0x35: {  	s0 =	sshll.u32 s0, $0x4  }
0x36: {  	s29 =	sadd.s32 s6, s0  }
0x37: {  	[tilespmem:s26], [sflag:$0x3] =	stream.linear.gather [hbm4b:s29+s26], $0x1400, $0x38;
	[tilespmem:$0x1E080] =	vst v63  }
0x38: {  	_ =	swait.ge [sflag:s21], $0x1400  }
0x39: {  	[sflag:s21] =	ssyncset.done $0x0  }
0x3a: {  	s0 =	sadd.s32 s7, s0;
	s29 =	simm.s32 $0x1400;
	[sflag:s21] =	ssyncadd.s32 $0xFFFFEC00  }
0x3b: {  	[tilespmem:s29], [sflag:$0x3] =	stream.linear.gather [hbm4b:s0+s26], $0x1400, $0x38;
	[tilespmem:$0x1E080] =	vst v63  }
.Ltmp5:
0x3c: {  	_ = 	snop;
	(pc) =	sbr.rel .LBB2_4-.Ltmp5, $4  }
0x3d: {  	_ =	swait.ge [sflag:s21], $0x1400  }
0x3e: {  	[sflag:s21] =	ssyncset.done $0x0  }
0x3f: {  	s30 =	simm.s32 $0x80;
	s31 =	simm.s32 $0x0;
	[sflag:s21] =	ssyncadd.s32 $0xFFFFEC00  }
0x40: {  	[tilespmem:s23], [sflag:$0x1] =	stream.indirect.gather [hbm4b:s4+s22], $0x80, s26, s22, $0xb8;
	[tilespmem:$0x1E080] =	vst v63  }
.LBB2_7:
0x41: {  	s31 =	sadd.s32 $0x1, s31  }
0x42: {  	p2 =	sne.s32 s31, $0x28  }
.Ltmp6:
0x43: {  	_ = 	snop;
	(pc) =	sbr.rel @!p2 .LBB2_8-.Ltmp6, $4  }
0x44: {  	_ = 	snop  }
0x45: {  	s0 =	sxor.u32 $0x6800, s0  }
0x46: {  	[tilespmem:s0], [sflag:$0x1] =	stream.indirect.gather [hbm4b:s4+s22], $0x80, s30, s22, $0xb8;
	[tilespmem:$0x1E080] =	vst v63  }
0x47: {  	s29 =	sadd.s32 $0x80, s29;
	s30 =	sadd.s32 $0x80, s30  }
.LBB2_4:
0x48: {  	p2 =	seq.s32 s31, $0x0  }
.Ltmp7:
0x49: {  	_ = 	snop;
	(pc) =	sbr.rel @p2 .LBB2_7-.Ltmp7, $4  }
0x4a: {  	s0 =	sand.u32 $0x1, s31;
	_ =	swait.ge [sflag:s24], $0x3E80  }
0x4b: {  	s0 =	sshll.u32 s0, $0xE;
	[sflag:s24] =	ssyncset.done $0x0  }
0x4c: {  	s2 =	sor.u32 $0x2800, s0;
	[sflag:s24] =	ssyncadd.s32 $0xFFFFC180  }
0x4d: {  	[spmem:s1] =	stream.indirect.scatter.add.f32 [tilespmem:s2], [sflag:$0x2], $0x80, s29, s22, $0xb8;
	[tilespmem:$0x1E080] =	vst v63  }
0x4e: {  	p2 =	seq.s32 s31, $0x27  }
.Ltmp8:
0x4f: {  	_ = 	snop;
	(pc) =	sbr.rel @p2 .LBB2_8-.Ltmp8, $1  }
0x50: {  	_ =	sdelay $0x3  }
.Ltmp9:
0x51: {  	(pc) =	sbr.rel .LBB2_7-.Ltmp9, $4  }
0x52: {  	_ = 	snop  }
0x53: {  	_ =	swait.ge [sflag:s25], $0x3E80  }
0x54: {  	[sflag:s25] =	ssyncset.done $0x0  }
0x55: {  	[sflag:s25] =	ssyncadd.s32 $0xFFFFC180  }
.LBB2_10:
0x56: {  	s0 =	simm.s32 @p0 $0x1FC3  }
0x57: {  	[spmem:s18], [sflag:s0] =	dma.local @p0 [hbm:s9], $0x1900  }
0x58: {  	s0 =	simm.s32 @p0 $0x3  }
0x59: {  	_ =	swait.ge @p0 [sflag:s0], $0x1900  }
0x5a: {  	[sflag:s0] =	ssyncset.done @p0 $0x0  }
0x5b: {  	[sflag:s0] =	ssyncadd.s32 @p0 $0xFFFFE700;
	s0 =	simm.s32 @!p0 $0x3  }
0x5c: {  	[spmem:s20], [sflag:s19] =	dma.local @!p0 [hbm:s8], $0x2800  }
.Ltmp10:
0x5d: {  	_ =	swait.ge @!p0 [sflag:s0], $0x2800;
	(pc) =	sbr.rel .LBB2_11-.Ltmp10, $4  }
0x5e: {  	[sflag:s0] =	ssyncset.done @!p0 $0x0  }
0x5f: {  	[sflag:s0] =	ssyncadd.s32 @!p0 $0xFFFFD800  }
0x60: {  	[bflag:$0x0] =	sbarrier.arrive $0xFFFF  }
0x61: {  	s26 =	simm.s32 $0x0;
	s28 =	simm.s32 $0x0  }
.LBB2_16:
0x62: {  	s28 =	sadd.s32 $0x1, s28  }
0x63: {  	_ =	swait.ge [sflag:s25], $0x3E80;
	p2 =	sne.s32 s28, $0x4  }
.Ltmp11:
0x64: {  	[sflag:s25] =	ssyncset.done $0x0;
	(pc) =	sbr.rel @!p2 .LBB2_17-.Ltmp11, $4  }
0x65: {  	[sflag:s25] =	ssyncadd.s32 $0xFFFFC180  }
0x66: {  	_ =	swait.ge [sflag:s25], $0x3E80  }
0x67: {  	[sflag:s25] =	ssyncset.done $0x0  }
0x68: {  	[sflag:s25] =	ssyncadd.s32 $0xFFFFC180  }
.LBB2_11:
0x69: {  	s0 =	smul.u32 $0x28, s28;
	_ =	sdelay $0x1  }
0x6a: {  	s0 =	sadd.s32 s12, s0  }
0x6b: {  	s0 =	sshll.u32 s0, $0x4  }
0x6c: {  	s2 =	sadd.s32 s6, s0  }
0x6d: {  	[tilespmem:s26], [sflag:$0x3] =	stream.linear.gather [hbm4b:s2+s26], $0x1400, $0x38;
	[tilespmem:$0x1E080] =	vst v63  }
0x6e: {  	_ =	swait.ge [sflag:s21], $0x1400  }
0x6f: {  	[sflag:s21] =	ssyncset.done $0x0  }
0x70: {  	s29 =	simm.s32 $0x1400;
	s0 =	sadd.s32 s7, s0;
	[sflag:s21] =	ssyncadd.s32 $0xFFFFEC00  }
0x71: {  	[tilespmem:s29], [sflag:$0x3] =	stream.linear.gather [hbm4b:s0+s26], $0x1400, $0x38;
	[tilespmem:$0x1E080] =	vst v63  }
.Ltmp12:
0x72: {  	_ = 	snop;
	(pc) =	sbr.rel .LBB2_12-.Ltmp12, $4  }
0x73: {  	_ =	swait.ge [sflag:s21], $0x1400  }
0x74: {  	[sflag:s21] =	ssyncset.done $0x0  }
0x75: {  	s30 =	simm.s32 $0x80;
	s31 =	simm.s32 $0x0;
	[sflag:s21] =	ssyncadd.s32 $0xFFFFEC00  }
0x76: {  	[tilespmem:s23], [sflag:$0x1] =	stream.indirect.gather [hbm4b:s5+s22], $0x80, s26, s22, $0xb8;
	[tilespmem:$0x1E080] =	vst v63  }
.LBB2_15:
0x77: {  	s31 =	sadd.s32 $0x1, s31  }
0x78: {  	p2 =	sne.s32 s31, $0x28  }
.Ltmp13:
0x79: {  	_ = 	snop;
	(pc) =	sbr.rel @!p2 .LBB2_16-.Ltmp13, $4  }
0x7a: {  	_ = 	snop  }
0x7b: {  	s0 =	sxor.u32 $0x6800, s0  }
0x7c: {  	[tilespmem:s0], [sflag:$0x1] =	stream.indirect.gather [hbm4b:s5+s22], $0x80, s30, s22, $0xb8;
	[tilespmem:$0x1E080] =	vst v63  }
0x7d: {  	s29 =	sadd.s32 $0x80, s29;
	s30 =	sadd.s32 $0x80, s30  }
.LBB2_12:
0x7e: {  	p2 =	seq.s32 s31, $0x0  }
.Ltmp14:
0x7f: {  	_ = 	snop;
	(pc) =	sbr.rel @p2 .LBB2_15-.Ltmp14, $4  }
0x80: {  	s0 =	sand.u32 $0x1, s31;
	_ =	swait.ge [sflag:s24], $0x3E80  }
0x81: {  	s0 =	sshll.u32 s0, $0xE;
	[sflag:s24] =	ssyncset.done $0x0  }
0x82: {  	s2 =	sor.u32 $0x2800, s0;
	[sflag:s24] =	ssyncadd.s32 $0xFFFFC180  }
0x83: {  	[spmem:s1] =	stream.indirect.scatter.add.f32 [tilespmem:s2], [sflag:$0x2], $0x80, s29, s22, $0xb8;
	[tilespmem:$0x1E080] =	vst v63  }
0x84: {  	p2 =	seq.s32 s31, $0x27  }
.Ltmp15:
0x85: {  	_ = 	snop;
	(pc) =	sbr.rel @p2 .LBB2_16-.Ltmp15, $1  }
0x86: {  	_ =	sdelay $0x3  }
.Ltmp16:
0x87: {  	(pc) =	sbr.rel .LBB2_15-.Ltmp16, $4  }
0x88: {  	_ = 	snop  }
0x89: {  	_ =	swait.ge [sflag:s25], $0x3E80  }
0x8a: {  	[sflag:s25] =	ssyncset.done $0x0  }
0x8b: {  	[sflag:s25] =	ssyncadd.s32 $0xFFFFC180  }
.LBB2_9:
0x8c: {  	[bflag:$0x0] =	sbarrier.arrive $0xFFFF;
	s0 =	simm.s32 @p0 $0x1FC3  }
0x8d: {  	[hbm:s16], [sflag:s0] =	dma.local @p0 [spmem:s18], $0x1900  }
0x8e: {  	s0 =	simm.s32 @p0 $0x3  }
0x8f: {  	_ =	swait.ge @p0 [sflag:s0], $0x1900  }
0x90: {  	[sflag:s0] =	ssyncset.done @p0 $0x0  }
.Ltmp17:
0x91: {  	[sflag:s0] =	ssyncadd.s32 @p0 $0xFFFFE700;
	s0 =	simm.s32 @!p0 $0x3;
	(pc) =	sbr.rel .LBB2_18-.Ltmp17, $4  }
0x92: {  	[hbm:s15], [sflag:s19] =	dma.local @!p0 [spmem:s20], $0x2800  }
0x93: {  	_ =	swait.ge @!p0 [sflag:s0], $0x2800  }
0x94: {  	[sflag:s0] =	ssyncset.done @!p0 $0x0  }
0x95: {  	[sflag:s0] =	ssyncadd.s32 @!p0 $0xFFFFD800  }
.LBB2_19:
0x96: {  	_ =	sfence.sel $0x180000  }
0x97: {  	[bflag:$0x0] =	sbarrier.arrive $0xFFFF  }
0x98: {  	_ =	strace $0x90000050  }
0x99: {  	s0 =	stileid.u32;
	[bflag:$0x2] =	sbarrier.arrive $0xFFFF  }
0x9a: {  	p0 =	sne.s32 s0, $0x0;
	s0 =	rddreg [dreg:$0x2]  }
0x9b: {  	s0 =	sadd.s32 @!p0 $0x100000, s0  }
0x9c: {  	[sflag:s0] =	ssyncadd.tile.s32 @!p0 $0x1;
	_ =	shalt  }
.Lfunc_end2:
_tile_overlayer_lowered:
.L_overlay_start_2:
0x9d: {  	(tag) =	ssettag $0x2  }
0x9e: {  	s0 =	rddreg [dreg:$0x0];
	s2 =	stileid.u32  }
0x9f: {  	s1 =	rddreg [dreg:$0x1];
	p0 =	sne.s32 s2, $0x0  }
0xa0: {  	s3 =	rddreg [dreg:$0x2];
	[bflag:$0x3] =	sbarrier.arrive $0xFFFF;
	s2 =	simm.s32 @!p0 $0x1C03  }
0xa1: {  	[timem:s3], [sflag:s2] =	dma.local @!p0 [hbm:s0], s1  }
0xa2: {  	s0 =	simm.s32 @!p0 $0x3  }
0xa3: {  	_ =	swait.ge @!p0 [sflag:s0], s1  }
0xa4: {  	s1 =	ssub.s32 @!p0 $0x0, s1;
	[sflag:s0] =	ssyncset.done @!p0 $0x0  }
0xa5: {  	[sflag:s0] =	ssyncadd.s32 @!p0 s1  }
0xa6: {  	[bflag:$0x3] =	sbarrier.arrive $0xFFFF  }
0xa7: {  	_ =	shalt  }

</sc_bundles>
